<compile_context>
chip_gen: v7x
topology: tpu7x:2x2x1
jax: 0.10.2.dev20260603
libtpu: 0.0.44.dev20260713+nightly
codegen_flags: <defaults>
</compile_context>

<pallas_src>
import functools

import jax
import jax.numpy as jnp
from jax import lax
from jax.experimental import pallas as pl
from jax.experimental.pallas import tpu as pltpu
from jax.experimental.pallas import tpu_sc as plsc

N_NODES = 10000
N_PAD = 10240
N_EDGES = 320000
NW = 32
EPW = N_EDGES // NW
CH = 125
NCH = EPW // CH
RPT = N_PAD // 16
ZCH = 128
NBUF = 5


@functools.lru_cache(maxsize=None)
def _sc_agg(D):
    mesh = plsc.VectorSubcoreMesh(core_axis_name="c", subcore_axis_name="s")

    @functools.partial(
        pl.kernel,
        mesh=mesh,
        out_type=[
            jax.ShapeDtypeStruct((N_PAD, 128), jnp.float32),
            jax.ShapeDtypeStruct((N_PAD, 128), jnp.float32),
        ],
        scratch_types=[
            pltpu.VMEM((NCH, CH), jnp.int32),
            pltpu.VMEM((NCH, CH), jnp.int32),
            [pltpu.VMEM((CH, D), jnp.float32) for _ in range(NBUF)],
            pltpu.VMEM((ZCH, D), jnp.float32),
            pltpu.VMEM_SHARED((N_PAD, D), jnp.float32),
            [pltpu.SemaphoreType.DMA for _ in range(NBUF)],
            [pltpu.SemaphoreType.DMA for _ in range(NBUF)],
            pltpu.SemaphoreType.DMA,
        ],
        compiler_params=pltpu.CompilerParams(use_tc_tiling_on_sc=False),
    )
    def k(table, ei, out0, out1, src_v, dst_v, bufs, zbuf, acc, gs, ss, zs):
        cid = lax.axis_index("c")
        sid = lax.axis_index("s")
        wid = sid * 2 + cid
        cps = pltpu.async_copy(ei.at[0, pl.ds(wid * NCH, NCH)], src_v, gs[0])
        cpd = pltpu.async_copy(ei.at[1, pl.ds(wid * NCH, NCH)], dst_v, gs[1])

        zeros = jnp.zeros((16,), jnp.float32)

        def zrow(i, _):
            for d in range(D // 16):
                zbuf[i, pl.ds(d * 16, 16)] = zeros
            return 0

        lax.fori_loop(0, ZCH, zrow, 0)
        row0 = sid * RPT
        for kk in range(RPT // ZCH):
            pltpu.async_copy(zbuf, acc.at[pl.ds(row0 + kk * ZCH, ZCH)], zs)
        for kk in range(RPT // ZCH):
            pltpu.make_async_copy(
                zbuf, acc.at[pl.ds(row0 + kk * ZCH, ZCH)], zs).wait()
        cps.wait()
        cpd.wait()
        plsc.subcore_barrier()

        def gather(j, b):
            return pltpu.async_copy(table.at[src_v.at[j]], bufs[b], gs[b])

        def scat(j, b):
            return pltpu.async_copy(bufs[b], acc.at[dst_v.at[j]], ss[b],
                                    add=True)

        for b in range(NBUF - 1):
            gather(b, b)

        def body(g, _):
            j0 = NBUF * g
            for b in range(NBUF):
                j = j0 + b
                pltpu.make_async_copy(table.at[src_v.at[j]], bufs[b],
                                      gs[b]).wait()
                scat(j, b)
                bn = (b + NBUF - 1) % NBUF

                @pl.when(j + NBUF - 1 < NCH)
                def _():
                    @pl.when(j >= 1)
                    def _():
                        pltpu.make_async_copy(
                            bufs[bn], acc.at[dst_v.at[j - 1]], ss[bn]).wait()

                    gather(j + NBUF - 1, bn)
            return 0

        lax.fori_loop(0, NCH // NBUF, body, 0)
        for jj in range(NCH - NBUF, NCH):
            pltpu.make_async_copy(
                bufs[jj % NBUF], acc.at[dst_v.at[jj]], ss[jj % NBUF]).wait()
        plsc.subcore_barrier()

        @pl.when(cid == 0)
        def _():
            pltpu.sync_copy(acc.at[pl.ds(row0, RPT)],
                            out0.at[pl.ds(row0, RPT), pl.ds(0, D)])

        @pl.when(cid == 1)
        def _():
            pltpu.sync_copy(acc.at[pl.ds(row0, RPT)],
                            out1.at[pl.ds(row0, RPT), pl.ds(0, D)])

    return k


@functools.lru_cache(maxsize=None)
def _make_sc_deg():
    mesh = plsc.VectorSubcoreMesh(core_axis_name="c", subcore_axis_name="s")
    D = 16

    @functools.partial(
        pl.kernel,
        mesh=mesh,
        out_type=[
            jax.ShapeDtypeStruct((N_PAD, 128), jnp.float32),
            jax.ShapeDtypeStruct((N_PAD, 128), jnp.float32),
        ],
        scratch_types=[
            pltpu.VMEM((NCH, CH), jnp.int32),
            pltpu.VMEM((CH, D), jnp.float32),
            pltpu.VMEM((ZCH, D), jnp.float32),
            pltpu.VMEM_SHARED((N_PAD, D), jnp.float32),
            [pltpu.SemaphoreType.DMA for _ in range(4)],
            pltpu.SemaphoreType.DMA,
            pltpu.SemaphoreType.DMA,
        ],
        compiler_params=pltpu.CompilerParams(use_tc_tiling_on_sc=False),
    )
    def k(ei, out0, out1, dst_v, buf, zbuf, acc, ss, s0, zs):
        cid = lax.axis_index("c")
        sid = lax.axis_index("s")
        wid = sid * 2 + cid
        cpd = pltpu.async_copy(ei.at[1, pl.ds(wid * NCH, NCH)], dst_v, zs)

        zeros = jnp.zeros((16,), jnp.float32)

        def zrow(i, _):
            zbuf[i, :] = zeros
            return 0

        lax.fori_loop(0, ZCH, zrow, 0)
        row0 = sid * RPT
        for kk in range(RPT // ZCH):
            pltpu.async_copy(zbuf, acc.at[pl.ds(row0 + kk * ZCH, ZCH)], s0)
        ones = jnp.ones((16,), jnp.float32)

        def orow(i, _):
            buf[i, :] = ones
            return 0

        lax.fori_loop(0, CH, orow, 0)
        for kk in range(RPT // ZCH):
            pltpu.make_async_copy(
                zbuf, acc.at[pl.ds(row0 + kk * ZCH, ZCH)], s0).wait()
        cpd.wait()
        plsc.subcore_barrier()

        def body(g, _):
            j0 = 4 * g
            for b in range(4):
                j = j0 + b

                @pl.when(j >= 4)
                def _():
                    pltpu.make_async_copy(
                        buf, acc.at[dst_v.at[j - 4]], ss[b]).wait()

                pltpu.async_copy(buf, acc.at[dst_v.at[j]], ss[b], add=True)
            return 0

        lax.fori_loop(0, NCH // 4, body, 0)
        for jj in range(NCH - 4, NCH):
            pltpu.make_async_copy(buf, acc.at[dst_v.at[jj]], ss[jj % 4]).wait()
        plsc.subcore_barrier()

        @pl.when(cid == 0)
        def _():
            pltpu.sync_copy(acc.at[pl.ds(row0, RPT)],
                            out0.at[pl.ds(row0, RPT), pl.ds(0, D)])

        @pl.when(cid == 1)
        def _():
            pltpu.sync_copy(acc.at[pl.ds(row0, RPT)],
                            out1.at[pl.ds(row0, RPT), pl.ds(0, D)])

    return k


_R = 2000


def _dinv_of(d0_ref, d1_ref):
    deg = d0_ref[:, 0:1] + d1_ref[:, 0:1] + 1.0
    return lax.rsqrt(deg)


def _mm1_body(x_ref, w_ref, o_ref):
    o_ref[...] = jnp.dot(x_ref[...], w_ref[...],
                         preferred_element_type=jnp.float32)


def _tc_mm1(x, W1):
    return pl.pallas_call(
        _mm1_body,
        grid=(N_NODES // _R,),
        in_specs=[
            pl.BlockSpec((_R, 128), lambda i: (i, 0)),
            pl.BlockSpec((128, 64), lambda i: (0, 0)),
        ],
        out_specs=pl.BlockSpec((_R, 64), lambda i: (i, 0)),
        out_shape=jax.ShapeDtypeStruct((N_NODES, 64), jnp.float32),
    )(x, W1)


def _scale_body(h_ref, d0_ref, d1_ref, o_ref):
    o_ref[...] = h_ref[...] * _dinv_of(d0_ref, d1_ref)


def _tc_scale(h, dg0, dg1):
    return pl.pallas_call(
        _scale_body,
        grid=(N_NODES // _R,),
        in_specs=[
            pl.BlockSpec((_R, 64), lambda i: (i, 0)),
            pl.BlockSpec((_R, 128), lambda i: (i, 0)),
            pl.BlockSpec((_R, 128), lambda i: (i, 0)),
        ],
        out_specs=pl.BlockSpec((_R, 64), lambda i: (i, 0)),
        out_shape=jax.ShapeDtypeStruct((N_NODES, 64), jnp.float32),
    )(h, dg0, dg1)


def _mid_body(p0_ref, p1_ref, hp_ref, d0_ref, d1_ref, b1_ref, w2_ref, o_ref):
    dinv = _dinv_of(d0_ref, d1_ref)
    agg = p0_ref[:, :64] + p1_ref[:, :64]
    t = b1_ref[...] + dinv * (agg + hp_ref[...])
    t = jnp.maximum(t, 0.0)
    w2p = jnp.pad(w2_ref[...], ((0, 0), (0, 8)))
    o_ref[...] = jnp.dot(t, w2p, preferred_element_type=jnp.float32) * dinv


def _tc_mid(p0, p1, hp, dg0, dg1, b1r, W2r):
    return pl.pallas_call(
        _mid_body,
        grid=(N_NODES // _R,),
        in_specs=[
            pl.BlockSpec((_R, 128), lambda i: (i, 0)),
            pl.BlockSpec((_R, 128), lambda i: (i, 0)),
            pl.BlockSpec((_R, 64), lambda i: (i, 0)),
            pl.BlockSpec((_R, 128), lambda i: (i, 0)),
            pl.BlockSpec((_R, 128), lambda i: (i, 0)),
            pl.BlockSpec((1, 64), lambda i: (0, 0)),
            pl.BlockSpec((64, 40), lambda i: (0, 0)),
        ],
        out_specs=pl.BlockSpec((_R, 48), lambda i: (i, 0)),
        out_shape=jax.ShapeDtypeStruct((N_NODES, 48), jnp.float32),
    )(p0, p1, hp, dg0, dg1, b1r, W2r)


def _fin_body(p0_ref, p1_ref, hp_ref, d0_ref, d1_ref, b2_ref, o_ref):
    dinv = _dinv_of(d0_ref, d1_ref)
    b2p = jnp.pad(b2_ref[...], ((0, 0), (0, 8)))
    agg = p0_ref[:, :48] + p1_ref[:, :48]
    z = b2p + dinv * (agg + hp_ref[...])
    z = jnp.maximum(z, 0.0)
    col = lax.broadcasted_iota(jnp.int32, z.shape, 1)
    valid = col < 40
    zm = jnp.where(valid, z, -jnp.inf)
    m = jnp.max(zm, axis=1, keepdims=True)
    e = jnp.where(valid, jnp.exp(z - m), 0.0)
    s = jnp.log(jnp.sum(e, axis=1, keepdims=True))
    o_ref[...] = (z - m - s)[:, :40]


def _tc_fin(p0, p1, hp, dg0, dg1, b2r):
    return pl.pallas_call(
        _fin_body,
        grid=(N_NODES // _R,),
        in_specs=[
            pl.BlockSpec((_R, 128), lambda i: (i, 0)),
            pl.BlockSpec((_R, 128), lambda i: (i, 0)),
            pl.BlockSpec((_R, 48), lambda i: (i, 0)),
            pl.BlockSpec((_R, 128), lambda i: (i, 0)),
            pl.BlockSpec((_R, 128), lambda i: (i, 0)),
            pl.BlockSpec((1, 40), lambda i: (0, 0)),
        ],
        out_specs=pl.BlockSpec((_R, 40), lambda i: (i, 0)),
        out_shape=jax.ShapeDtypeStruct((N_NODES, 40), jnp.float32),
    )(p0, p1, hp, dg0, dg1, b2r)


def kernel(x, W1, b1, W2, b2, edge_index):
    ei3 = edge_index.astype(jnp.int32).reshape(2, NW * NCH, CH)

    dg0, dg1 = _make_sc_deg()(ei3)
    h1 = _tc_mm1(x, W1)
    hp1 = _tc_scale(h1, dg0, dg1)
    p10, p11 = _sc_agg(64)(hp1, ei3)

    b1r = b1.reshape(1, 64)
    hp2 = _tc_mid(p10, p11, hp1, dg0, dg1, b1r, W2)
    p20, p21 = _sc_agg(48)(hp2, ei3)

    b2r = b2.reshape(1, 40)
    return _tc_fin(p20, p21, hp2, dg0, dg1, b2r)

# --- scband reference (transcript-rebuilt; emitter-appended) ---
"""Pipeline reference for scband-gnn-15212774162888 (READ-ONLY COPY).

The authoritative reference and input builder live on the scoring server;
editing this copy changes nothing except your own understanding.
"""

import jax, jax.numpy as jnp
import numpy as np

N_NODES = 10000
N_EDGES = 320000
N_FEAT = 128
N_HIDDEN = 64
N_CLASSES = 40


def setup_inputs(seed: int = 0) -> dict:
    key = jax.random.key(seed)
    k_x, k_e, k_w1, k_b1, k_w2, k_b2 = jax.random.split(key, 6)
    x = jax.random.normal(k_x, (N_NODES, N_FEAT), dtype=jnp.float32)
    edge_index = jax.random.randint(k_e, (2, N_EDGES), 0, N_NODES, dtype=jnp.int64)
    # GCNConv glorot-style params
    s1 = 1.0 / np.sqrt(N_FEAT)
    W1 = jax.random.uniform(k_w1, (N_FEAT, N_HIDDEN), dtype=jnp.float32, minval=-s1, maxval=s1)
    b1 = jnp.zeros((N_HIDDEN,), dtype=jnp.float32)
    s2 = 1.0 / np.sqrt(N_HIDDEN)
    W2 = jax.random.uniform(k_w2, (N_HIDDEN, N_CLASSES), dtype=jnp.float32, minval=-s2, maxval=s2)
    b2 = jnp.zeros((N_CLASSES,), dtype=jnp.float32)
    return {"x": x, "W1": W1, "b1": b1, "W2": W2, "b2": b2, "edge_index": edge_index}


def _gcn_conv(x, W, b, src, dst, norm, n_nodes):
    # GCNConv: h = x @ W; out = scatter_add(norm * h[src] -> dst) + b
    h = x @ W
    msg = h[src] * norm[:, None]
    out = jax.ops.segment_sum(msg, dst, num_segments=n_nodes)
    return out + b


def reference(x, W1, b1, W2, b2, edge_index):
    n_nodes = x.shape[0]
    # add self-loops (GCNConv default)
    loop = jnp.arange(n_nodes, dtype=edge_index.dtype)
    src = jnp.concatenate([edge_index[0], loop])
    dst = jnp.concatenate([edge_index[1], loop])
    # symmetric normalization D^{-1/2} A_hat D^{-1/2}
    deg = jax.ops.segment_sum(jnp.ones_like(dst, dtype=x.dtype), dst, num_segments=n_nodes)
    dinv = jnp.where(deg > 0, deg ** -0.5, 0.0)
    norm = dinv[src] * dinv[dst]

    h = _gcn_conv(x, W1, b1, src, dst, norm, n_nodes)
    h = jax.nn.relu(h)
    # dropout is identity in eval mode
    h = _gcn_conv(h, W2, b2, src, dst, norm, n_nodes)
    h = jax.nn.relu(h)
    return jax.nn.log_softmax(h, axis=1)

if __name__ == "__main__":
    import jax
    _d = setup_inputs()
    print(jax.jit(kernel)(*tuple(_d.values())))

</pallas_src>

<mosaic_0001>
#map = affine_map<(d0, d1) -> (0, 0)>
#map1 = affine_map<(d0, d1) -> (0, 0, 0)>
module attributes {stable_mosaic.version = 14 : i64} {
  func.func @k(%arg0: i32, %arg1: i32, %arg2: memref<10000x64xf32, #tpu.memory_space<hbm>>, %arg3: memref<2x2560x125xi32, #tpu.memory_space<hbm>>, %arg4: memref<10240x128xf32, #tpu.memory_space<hbm>>, %arg5: memref<10240x128xf32, #tpu.memory_space<hbm>>, %arg6: memref<80x125xi32, #tpu.memory_space<vmem>>, %arg7: memref<80x125xi32, #tpu.memory_space<vmem>>, %arg8: memref<125x64xf32, #tpu.memory_space<vmem>>, %arg9: memref<125x64xf32, #tpu.memory_space<vmem>>, %arg10: memref<125x64xf32, #tpu.memory_space<vmem>>, %arg11: memref<125x64xf32, #tpu.memory_space<vmem>>, %arg12: memref<125x64xf32, #tpu.memory_space<vmem>>, %arg13: memref<128x64xf32, #tpu.memory_space<vmem>>, %arg14: memref<10240x64xf32, #tpu.memory_space<vmem_shared>>, %arg15: memref<!tpu.dma_semaphore, #tpu.memory_space<semaphore_mem>>, %arg16: memref<!tpu.dma_semaphore, #tpu.memory_space<semaphore_mem>>, %arg17: memref<!tpu.dma_semaphore, #tpu.memory_space<semaphore_mem>>, %arg18: memref<!tpu.dma_semaphore, #tpu.memory_space<semaphore_mem>>, %arg19: memref<!tpu.dma_semaphore, #tpu.memory_space<semaphore_mem>>, %arg20: memref<!tpu.dma_semaphore, #tpu.memory_space<semaphore_mem>>, %arg21: memref<!tpu.dma_semaphore, #tpu.memory_space<semaphore_mem>>, %arg22: memref<!tpu.dma_semaphore, #tpu.memory_space<semaphore_mem>>, %arg23: memref<!tpu.dma_semaphore, #tpu.memory_space<semaphore_mem>>, %arg24: memref<!tpu.dma_semaphore, #tpu.memory_space<semaphore_mem>>, %arg25: memref<!tpu.dma_semaphore, #tpu.memory_space<semaphore_mem>>) attributes {dimension_semantics = [#tpu.dimension_semantics<core_parallel>, #tpu.dimension_semantics<subcore_parallel>], iteration_bounds = array<i64: 2, 16>, scalar_prefetch = 0 : i64, scratch_operands = 20 : i64, tpu.core_type = #tpu.core_type<sc_vector_subcore>, window_params = [{transform_indices = #map}, {transform_indices = #map1}, {transform_indices = #map}, {transform_indices = #map}]} {
    %mul3A = arith.constant 2 : i32
    %mul3A_0 = arith.muli %arg1, %mul3A : i32
    %add3A = arith.addi %mul3A_0, %arg0 : i32
    %mul3A_1 = arith.constant 80 : i32
    %mul3A_2 = arith.muli %add3A, %mul3A_1 : i32
    %dma_start3A = arith.constant 0 : i32
    %dma_start3A_3 = arith.constant 0 : i32
    %dma_start3A_4 = tpu.memref_slice %arg3[%dma_start3A, %mul3A_2, %dma_start3A_3] : memref<2x2560x125xi32, #tpu.memory_space<hbm>> -> memref<1x80x125xi32, #tpu.memory_space<hbm>>
    %dma_start3A_5 = tpu.memref_squeeze %dma_start3A_4 : memref<1x80x125xi32, #tpu.memory_space<hbm>> -> memref<80x125xi32, #tpu.memory_space<hbm>>
    %dma_start3A_6 = arith.constant 0 : i32
    %dma_start3A_7 = tpu.memref_slice %arg3[%dma_start3A, %mul3A_2, %dma_start3A_6] : memref<2x2560x125xi32, #tpu.memory_space<hbm>> -> memref<1x80x125xi32, #tpu.memory_space<hbm>>
    %dma_start3A_8 = tpu.memref_squeeze %dma_start3A_7 : memref<1x80x125xi32, #tpu.memory_space<hbm>> -> memref<80x125xi32, #tpu.memory_space<hbm>>
    tpu.enqueue_dma source(%dma_start3A_8 : memref<80x125xi32, #tpu.memory_space<hbm>>) target(%arg6 : memref<80x125xi32, #tpu.memory_space<vmem>>) target_semaphore(%arg15 : memref<!tpu.dma_semaphore, #tpu.memory_space<semaphore_mem>>)
    %mul3A_9 = arith.constant 80 : i32
    %mul3A_10 = arith.muli %add3A, %mul3A_9 : i32
    %dma_start3A_11 = arith.constant 1 : i32
    %dma_start3A_12 = arith.constant 0 : i32
    %dma_start3A_13 = tpu.memref_slice %arg3[%dma_start3A_11, %mul3A_10, %dma_start3A_12] : memref<2x2560x125xi32, #tpu.memory_space<hbm>> -> memref<1x80x125xi32, #tpu.memory_space<hbm>>
    %dma_start3A_14 = tpu.memref_squeeze %dma_start3A_13 : memref<1x80x125xi32, #tpu.memory_space<hbm>> -> memref<80x125xi32, #tpu.memory_space<hbm>>
    %dma_start3A_15 = arith.constant 0 : i32
    %dma_start3A_16 = tpu.memref_slice %arg3[%dma_start3A_11, %mul3A_10, %dma_start3A_15] : memref<2x2560x125xi32, #tpu.memory_space<hbm>> -> memref<1x80x125xi32, #tpu.memory_space<hbm>>
    %dma_start3A_17 = tpu.memref_squeeze %dma_start3A_16 : memref<1x80x125xi32, #tpu.memory_space<hbm>> -> memref<80x125xi32, #tpu.memory_space<hbm>>
    tpu.enqueue_dma source(%dma_start3A_17 : memref<80x125xi32, #tpu.memory_space<hbm>>) target(%arg7 : memref<80x125xi32, #tpu.memory_space<vmem>>) target_semaphore(%arg16 : memref<!tpu.dma_semaphore, #tpu.memory_space<semaphore_mem>>)
    %broadcast_in_dim3A = arith.constant 0.000000e+00 : f32
    %broadcast_in_dim3A_18 = vector.broadcast %broadcast_in_dim3A : f32 to vector<16xf32>
    %scan3A = arith.constant 0 : i32
    %scan3A_19 = arith.constant 0 : i32
    %scan3A_20 = arith.constant 128 : i32
    %scan3A_21 = arith.addi %scan3A_19, %scan3A_20 : i32
    %scan3A_22 = arith.constant 1 : i32
    %scan3A_23 = scf.for %scan3A_178 = %scan3A_19 to %scan3A_21 step %scan3A_22 iter_args(%scan3A_179 = %scan3A) -> (i32)  : i32 {
      %swap3A = arith.index_cast %scan3A_178 : i32 to index
      %swap3A_180 = arith.constant 0 : index
      %swap3A_181 = tpu.vector_load %arg13[%swap3A, %swap3A_180] {strides = array<i32>} : memref<128x64xf32, #tpu.memory_space<vmem>>, vector<1x16xf32>,
      %swap3A_182 = vector.shape_cast %swap3A_181 : vector<1x16xf32> to vector<16xf32>
      %swap3A_183 = vector.shape_cast %broadcast_in_dim3A_18 : vector<16xf32> to vector<1x16xf32>
      tpu.vector_store %arg13[%swap3A, %swap3A_180], %swap3A_183 {strides = array<i32>} : memref<128x64xf32, #tpu.memory_space<vmem>>, vector<1x16xf32>,
      %swap3A_184 = arith.index_cast %scan3A_178 : i32 to index
      %swap3A_185 = arith.constant 16 : index
      %swap3A_186 = tpu.vector_load %arg13[%swap3A_184, %swap3A_185] {strides = array<i32>} : memref<128x64xf32, #tpu.memory_space<vmem>>, vector<1x16xf32>,
      %swap3A_187 = vector.shape_cast %swap3A_186 : vector<1x16xf32> to vector<16xf32>
      %swap3A_188 = vector.shape_cast %broadcast_in_dim3A_18 : vector<16xf32> to vector<1x16xf32>
      tpu.vector_store %arg13[%swap3A_184, %swap3A_185], %swap3A_188 {strides = array<i32>} : memref<128x64xf32, #tpu.memory_space<vmem>>, vector<1x16xf32>,
      %swap3A_189 = arith.index_cast %scan3A_178 : i32 to index
      %swap3A_190 = arith.constant 32 : index
      %swap3A_191 = tpu.vector_load %arg13[%swap3A_189, %swap3A_190] {strides = array<i32>} : memref<128x64xf32, #tpu.memory_space<vmem>>, vector<1x16xf32>,
      %swap3A_192 = vector.shape_cast %swap3A_191 : vector<1x16xf32> to vector<16xf32>
      %swap3A_193 = vector.shape_cast %broadcast_in_dim3A_18 : vector<16xf32> to vector<1x16xf32>
      tpu.vector_store %arg13[%swap3A_189, %swap3A_190], %swap3A_193 {strides = array<i32>} : memref<128x64xf32, #tpu.memory_space<vmem>>, vector<1x16xf32>,
      %swap3A_194 = arith.index_cast %scan3A_178 : i32 to index
      %swap3A_195 = arith.constant 48 : index
      %swap3A_196 = tpu.vector_load %arg13[%swap3A_194, %swap3A_195] {strides = array<i32>} : memref<128x64xf32, #tpu.memory_space<vmem>>, vector<1x16xf32>,
      %swap3A_197 = vector.shape_cast %swap3A_196 : vector<1x16xf32> to vector<16xf32>
      %swap3A_198 = vector.shape_cast %broadcast_in_dim3A_18 : vector<16xf32> to vector<1x16xf32>
      tpu.vector_store %arg13[%swap3A_194, %swap3A_195], %swap3A_198 {strides = array<i32>} : memref<128x64xf32, #tpu.memory_space<vmem>>, vector<1x16xf32>,
      %scan3A_199 = arith.constant 0 : i32
      scf.yield %scan3A_199 : i32
    }
    %scan3A_24 = arith.constant 128 : i32
    %mul3A_25 = arith.constant 640 : i32
    %mul3A_26 = arith.muli %arg1, %mul3A_25 : i32
    %add3A_27 = arith.constant 0 : i32
    %add3A_28 = arith.addi %mul3A_26, %add3A_27 : i32
    %dma_start3A_29 = arith.constant 0 : i32
    %dma_start3A_30 = tpu.memref_slice %arg14[%add3A_28, %dma_start3A_29] : memref<10240x64xf32, #tpu.memory_space<vmem_shared>> -> memref<128x64xf32, #tpu.memory_space<vmem_shared>>
    %dma_start3A_31 = arith.constant 0 : i32
    %dma_start3A_32 = tpu.memref_slice %arg14[%add3A_28, %dma_start3A_31] : memref<10240x64xf32, #tpu.memory_space<vmem_shared>> -> memref<128x64xf32, #tpu.memory_space<vmem_shared>>
    tpu.enqueue_dma source(%arg13 : memref<128x64xf32, #tpu.memory_space<vmem>>) target(%dma_start3A_32 : memref<128x64xf32, #tpu.memory_space<vmem_shared>>) target_semaphore(%arg25 : memref<!tpu.dma_semaphore, #tpu.memory_space<semaphore_mem>>)
    %add3A_33 = arith.constant 128 : i32
    %add3A_34 = arith.addi %mul3A_26, %add3A_33 : i32
    %dma_start3A_35 = arith.constant 0 : i32
    %dma_start3A_36 = tpu.memref_slice %arg14[%add3A_34, %dma_start3A_35] : memref<10240x64xf32, #tpu.memory_space<vmem_shared>> -> memref<128x64xf32, #tpu.memory_space<vmem_shared>>
    %dma_start3A_37 = arith.constant 0 : i32
    %dma_start3A_38 = tpu.memref_slice %arg14[%add3A_34, %dma_start3A_37] : memref<10240x64xf32, #tpu.memory_space<vmem_shared>> -> memref<128x64xf32, #tpu.memory_space<vmem_shared>>
    tpu.enqueue_dma source(%arg13 : memref<128x64xf32, #tpu.memory_space<vmem>>) target(%dma_start3A_38 : memref<128x64xf32, #tpu.memory_space<vmem_shared>>) target_semaphore(%arg25 : memref<!tpu.dma_semaphore, #tpu.memory_space<semaphore_mem>>)
    %add3A_39 = arith.constant 256 : i32
    %add3A_40 = arith.addi %mul3A_26, %add3A_39 : i32
    %dma_start3A_41 = arith.constant 0 : i32
    %dma_start3A_42 = tpu.memref_slice %arg14[%add3A_40, %dma_start3A_41] : memref<10240x64xf32, #tpu.memory_space<vmem_shared>> -> memref<128x64xf32, #tpu.memory_space<vmem_shared>>
    %dma_start3A_43 = arith.constant 0 : i32
    %dma_start3A_44 = tpu.memref_slice %arg14[%add3A_40, %dma_start3A_43] : memref<10240x64xf32, #tpu.memory_space<vmem_shared>> -> memref<128x64xf32, #tpu.memory_space<vmem_shared>>
    tpu.enqueue_dma source(%arg13 : memref<128x64xf32, #tpu.memory_space<vmem>>) target(%dma_start3A_44 : memref<128x64xf32, #tpu.memory_space<vmem_shared>>) target_semaphore(%arg25 : memref<!tpu.dma_semaphore, #tpu.memory_space<semaphore_mem>>)
    %add3A_45 = arith.constant 384 : i32
    %add3A_46 = arith.addi %mul3A_26, %add3A_45 : i32
    %dma_start3A_47 = arith.constant 0 : i32
    %dma_start3A_48 = tpu.memref_slice %arg14[%add3A_46, %dma_start3A_47] : memref<10240x64xf32, #tpu.memory_space<vmem_shared>> -> memref<128x64xf32, #tpu.memory_space<vmem_shared>>
    %dma_start3A_49 = arith.constant 0 : i32
    %dma_start3A_50 = tpu.memref_slice %arg14[%add3A_46, %dma_start3A_49] : memref<10240x64xf32, #tpu.memory_space<vmem_shared>> -> memref<128x64xf32, #tpu.memory_space<vmem_shared>>
    tpu.enqueue_dma source(%arg13 : memref<128x64xf32, #tpu.memory_space<vmem>>) target(%dma_start3A_50 : memref<128x64xf32, #tpu.memory_space<vmem_shared>>) target_semaphore(%arg25 : memref<!tpu.dma_semaphore, #tpu.memory_space<semaphore_mem>>)
    %add3A_51 = arith.constant 512 : i32
    %add3A_52 = arith.addi %mul3A_26, %add3A_51 : i32
    %dma_start3A_53 = arith.constant 0 : i32
    %dma_start3A_54 = tpu.memref_slice %arg14[%add3A_52, %dma_start3A_53] : memref<10240x64xf32, #tpu.memory_space<vmem_shared>> -> memref<128x64xf32, #tpu.memory_space<vmem_shared>>
    %dma_start3A_55 = arith.constant 0 : i32
    %dma_start3A_56 = tpu.memref_slice %arg14[%add3A_52, %dma_start3A_55] : memref<10240x64xf32, #tpu.memory_space<vmem_shared>> -> memref<128x64xf32, #tpu.memory_space<vmem_shared>>
    tpu.enqueue_dma source(%arg13 : memref<128x64xf32, #tpu.memory_space<vmem>>) target(%dma_start3A_56 : memref<128x64xf32, #tpu.memory_space<vmem_shared>>) target_semaphore(%arg25 : memref<!tpu.dma_semaphore, #tpu.memory_space<semaphore_mem>>)
    %add3A_57 = arith.constant 0 : i32
    %add3A_58 = arith.addi %mul3A_26, %add3A_57 : i32
    %dma_wait3A = arith.constant 0 : i32
    %dma_wait3A_59 = tpu.memref_slice %arg14[%add3A_58, %dma_wait3A] : memref<10240x64xf32, #tpu.memory_space<vmem_shared>> -> memref<128x64xf32, #tpu.memory_space<vmem_shared>>
    %dma_wait3A_60 = arith.constant 0 : i32
    %dma_wait3A_61 = tpu.memref_slice %arg14[%add3A_58, %dma_wait3A_60] : memref<10240x64xf32, #tpu.memory_space<vmem_shared>> -> memref<128x64xf32, #tpu.memory_space<vmem_shared>>
    tpu.wait_dma2 semaphore(%arg25 : memref<!tpu.dma_semaphore, #tpu.memory_space<semaphore_mem>>) src(%arg13 : memref<128x64xf32, #tpu.memory_space<vmem>>) dst(%dma_wait3A_61 : memref<128x64xf32, #tpu.memory_space<vmem_shared>>)
    %add3A_62 = arith.constant 128 : i32
    %add3A_63 = arith.addi %mul3A_26, %add3A_62 : i32
    %dma_wait3A_64 = arith.constant 0 : i32
    %dma_wait3A_65 = tpu.memref_slice %arg14[%add3A_63, %dma_wait3A_64] : memref<10240x64xf32, #tpu.memory_space<vmem_shared>> -> memref<128x64xf32, #tpu.memory_space<vmem_shared>>
    %dma_wait3A_66 = arith.constant 0 : i32
    %dma_wait3A_67 = tpu.memref_slice %arg14[%add3A_63, %dma_wait3A_66] : memref<10240x64xf32, #tpu.memory_space<vmem_shared>> -> memref<128x64xf32, #tpu.memory_space<vmem_shared>>
    tpu.wait_dma2 semaphore(%arg25 : memref<!tpu.dma_semaphore, #tpu.memory_space<semaphore_mem>>) src(%arg13 : memref<128x64xf32, #tpu.memory_space<vmem>>) dst(%dma_wait3A_67 : memref<128x64xf32, #tpu.memory_space<vmem_shared>>)
    %add3A_68 = arith.constant 256 : i32
    %add3A_69 = arith.addi %mul3A_26, %add3A_68 : i32
    %dma_wait3A_70 = arith.constant 0 : i32
    %dma_wait3A_71 = tpu.memref_slice %arg14[%add3A_69, %dma_wait3A_70] : memref<10240x64xf32, #tpu.memory_space<vmem_shared>> -> memref<128x64xf32, #tpu.memory_space<vmem_shared>>
    %dma_wait3A_72 = arith.constant 0 : i32
    %dma_wait3A_73 = tpu.memref_slice %arg14[%add3A_69, %dma_wait3A_72] : memref<10240x64xf32, #tpu.memory_space<vmem_shared>> -> memref<128x64xf32, #tpu.memory_space<vmem_shared>>
    tpu.wait_dma2 semaphore(%arg25 : memref<!tpu.dma_semaphore, #tpu.memory_space<semaphore_mem>>) src(%arg13 : memref<128x64xf32, #tpu.memory_space<vmem>>) dst(%dma_wait3A_73 : memref<128x64xf32, #tpu.memory_space<vmem_shared>>)
    %add3A_74 = arith.constant 384 : i32
    %add3A_75 = arith.addi %mul3A_26, %add3A_74 : i32
    %dma_wait3A_76 = arith.constant 0 : i32
    %dma_wait3A_77 = tpu.memref_slice %arg14[%add3A_75, %dma_wait3A_76] : memref<10240x64xf32, #tpu.memory_space<vmem_shared>> -> memref<128x64xf32, #tpu.memory_space<vmem_shared>>
    %dma_wait3A_78 = arith.constant 0 : i32
    %dma_wait3A_79 = tpu.memref_slice %arg14[%add3A_75, %dma_wait3A_78] : memref<10240x64xf32, #tpu.memory_space<vmem_shared>> -> memref<128x64xf32, #tpu.memory_space<vmem_shared>>
    tpu.wait_dma2 semaphore(%arg25 : memref<!tpu.dma_semaphore, #tpu.memory_space<semaphore_mem>>) src(%arg13 : memref<128x64xf32, #tpu.memory_space<vmem>>) dst(%dma_wait3A_79 : memref<128x64xf32, #tpu.memory_space<vmem_shared>>)
    %add3A_80 = arith.constant 512 : i32
    %add3A_81 = arith.addi %mul3A_26, %add3A_80 : i32
    %dma_wait3A_82 = arith.constant 0 : i32
    %dma_wait3A_83 = tpu.memref_slice %arg14[%add3A_81, %dma_wait3A_82] : memref<10240x64xf32, #tpu.memory_space<vmem_shared>> -> memref<128x64xf32, #tpu.memory_space<vmem_shared>>
    %dma_wait3A_84 = arith.constant 0 : i32
    %dma_wait3A_85 = tpu.memref_slice %arg14[%add3A_81, %dma_wait3A_84] : memref<10240x64xf32, #tpu.memory_space<vmem_shared>> -> memref<128x64xf32, #tpu.memory_space<vmem_shared>>
    tpu.wait_dma2 semaphore(%arg25 : memref<!tpu.dma_semaphore, #tpu.memory_space<semaphore_mem>>) src(%arg13 : memref<128x64xf32, #tpu.memory_space<vmem>>) dst(%dma_wait3A_85 : memref<128x64xf32, #tpu.memory_space<vmem_shared>>)
    %dma_wait3A_86 = arith.constant 0 : i32
    %dma_wait3A_87 = arith.constant 0 : i32
    %dma_wait3A_88 = tpu.memref_slice %arg3[%dma_wait3A_86, %mul3A_2, %dma_wait3A_87] : memref<2x2560x125xi32, #tpu.memory_space<hbm>> -> memref<1x80x125xi32, #tpu.memory_space<hbm>>
    %dma_wait3A_89 = tpu.memref_squeeze %dma_wait3A_88 : memref<1x80x125xi32, #tpu.memory_space<hbm>> -> memref<80x125xi32, #tpu.memory_space<hbm>>
    %dma_wait3A_90 = arith.constant 0 : i32
    %dma_wait3A_91 = tpu.memref_slice %arg3[%dma_wait3A_86, %mul3A_2, %dma_wait3A_90] : memref<2x2560x125xi32, #tpu.memory_space<hbm>> -> memref<1x80x125xi32, #tpu.memory_space<hbm>>
    %dma_wait3A_92 = tpu.memref_squeeze %dma_wait3A_91 : memref<1x80x125xi32, #tpu.memory_space<hbm>> -> memref<80x125xi32, #tpu.memory_space<hbm>>
    tpu.wait_dma2 semaphore(%arg15 : memref<!tpu.dma_semaphore, #tpu.memory_space<semaphore_mem>>) src(%dma_wait3A_92 : memref<80x125xi32, #tpu.memory_space<hbm>>) dst(%arg6 : memref<80x125xi32, #tpu.memory_space<vmem>>)
    %dma_wait3A_93 = arith.constant 1 : i32
    %dma_wait3A_94 = arith.constant 0 : i32
    %dma_wait3A_95 = tpu.memref_slice %arg3[%dma_wait3A_93, %mul3A_10, %dma_wait3A_94] : memref<2x2560x125xi32, #tpu.memory_space<hbm>> -> memref<1x80x125xi32, #tpu.memory_space<hbm>>
    %dma_wait3A_96 = tpu.memref_squeeze %dma_wait3A_95 : memref<1x80x125xi32, #tpu.memory_space<hbm>> -> memref<80x125xi32, #tpu.memory_space<hbm>>
    %dma_wait3A_97 = arith.constant 0 : i32
    %dma_wait3A_98 = tpu.memref_slice %arg3[%dma_wait3A_93, %mul3A_10, %dma_wait3A_97] : memref<2x2560x125xi32, #tpu.memory_space<hbm>> -> memref<1x80x125xi32, #tpu.memory_space<hbm>>
    %dma_wait3A_99 = tpu.memref_squeeze %dma_wait3A_98 : memref<1x80x125xi32, #tpu.memory_space<hbm>> -> memref<80x125xi32, #tpu.memory_space<hbm>>
    tpu.wait_dma2 semaphore(%arg16 : memref<!tpu.dma_semaphore, #tpu.memory_space<semaphore_mem>>) src(%dma_wait3A_99 : memref<80x125xi32, #tpu.memory_space<hbm>>) dst(%arg7 : memref<80x125xi32, #tpu.memory_space<vmem>>)
    %barrier3A = arith.constant 0 : index
    tpu.barrier barrier_id(%barrier3A)
    %dma_start3A_100 = arith.constant 0 : i32
    %dma_start3A_101 = arith.constant 0 : i32
    %dma_start3A_102 = tpu.memref_slice %arg6[%dma_start3A_100, %dma_start3A_101] : memref<80x125xi32, #tpu.memory_space<vmem>> -> memref<1x125xi32, #tpu.memory_space<vmem>>
    %dma_start3A_103 = tpu.memref_squeeze %dma_start3A_102 : memref<1x125xi32, #tpu.memory_space<vmem>> -> memref<125xi32, #tpu.memory_space<vmem>>
    %dma_start3A_104 = arith.constant 0 : i32
    %dma_start3A_105 = arith.constant 0 : i32
    %dma_start3A_106 = tpu.memref_slice %arg2[%dma_start3A_104, %dma_start3A_105] : memref<10000x64xf32, #tpu.memory_space<hbm>> -> memref<10000x64xf32, #tpu.memory_space<hbm>>
    tpu.enqueue_indirect_dma source(%dma_start3A_106 : memref<10000x64xf32, #tpu.memory_space<hbm>>) target(%arg8 : memref<125x64xf32, #tpu.memory_space<vmem>>) offsets(%dma_start3A_103 : memref<125xi32, #tpu.memory_space<vmem>>) semaphore(%arg15 : memref<!tpu.dma_semaphore, #tpu.memory_space<semaphore_mem>>)
    %dma_start3A_107 = arith.constant 1 : i32
    %dma_start3A_108 = arith.constant 0 : i32
    %dma_start3A_109 = tpu.memref_slice %arg6[%dma_start3A_107, %dma_start3A_108] : memref<80x125xi32, #tpu.memory_space<vmem>> -> memref<1x125xi32, #tpu.memory_space<vmem>>
    %dma_start3A_110 = tpu.memref_squeeze %dma_start3A_109 : memref<1x125xi32, #tpu.memory_space<vmem>> -> memref<125xi32, #tpu.memory_space<vmem>>
    %dma_start3A_111 = arith.constant 0 : i32
    %dma_start3A_112 = arith.constant 0 : i32
    %dma_start3A_113 = tpu.memref_slice %arg2[%dma_start3A_111, %dma_start3A_112] : memref<10000x64xf32, #tpu.memory_space<hbm>> -> memref<10000x64xf32, #tpu.memory_space<hbm>>
    tpu.enqueue_indirect_dma source(%dma_start3A_113 : memref<10000x64xf32, #tpu.memory_space<hbm>>) target(%arg9 : memref<125x64xf32, #tpu.memory_space<vmem>>) offsets(%dma_start3A_110 : memref<125xi32, #tpu.memory_space<vmem>>) semaphore(%arg16 : memref<!tpu.dma_semaphore, #tpu.memory_space<semaphore_mem>>)
    %dma_start3A_114 = arith.constant 2 : i32
    %dma_start3A_115 = arith.constant 0 : i32
    %dma_start3A_116 = tpu.memref_slice %arg6[%dma_start3A_114, %dma_start3A_115] : memref<80x125xi32, #tpu.memory_space<vmem>> -> memref<1x125xi32, #tpu.memory_space<vmem>>
    %dma_start3A_117 = tpu.memref_squeeze %dma_start3A_116 : memref<1x125xi32, #tpu.memory_space<vmem>> -> memref<125xi32, #tpu.memory_space<vmem>>
    %dma_start3A_118 = arith.constant 0 : i32
    %dma_start3A_119 = arith.constant 0 : i32
    %dma_start3A_120 = tpu.memref_slice %arg2[%dma_start3A_118, %dma_start3A_119] : memref<10000x64xf32, #tpu.memory_space<hbm>> -> memref<10000x64xf32, #tpu.memory_space<hbm>>
    tpu.enqueue_indirect_dma source(%dma_start3A_120 : memref<10000x64xf32, #tpu.memory_space<hbm>>) target(%arg10 : memref<125x64xf32, #tpu.memory_space<vmem>>) offsets(%dma_start3A_117 : memref<125xi32, #tpu.memory_space<vmem>>) semaphore(%arg17 : memref<!tpu.dma_semaphore, #tpu.memory_space<semaphore_mem>>)
    %dma_start3A_121 = arith.constant 3 : i32
    %dma_start3A_122 = arith.constant 0 : i32
    %dma_start3A_123 = tpu.memref_slice %arg6[%dma_start3A_121, %dma_start3A_122] : memref<80x125xi32, #tpu.memory_space<vmem>> -> memref<1x125xi32, #tpu.memory_space<vmem>>
    %dma_start3A_124 = tpu.memref_squeeze %dma_start3A_123 : memref<1x125xi32, #tpu.memory_space<vmem>> -> memref<125xi32, #tpu.memory_space<vmem>>
    %dma_start3A_125 = arith.constant 0 : i32
    %dma_start3A_126 = arith.constant 0 : i32
    %dma_start3A_127 = tpu.memref_slice %arg2[%dma_start3A_125, %dma_start3A_126] : memref<10000x64xf32, #tpu.memory_space<hbm>> -> memref<10000x64xf32, #tpu.memory_space<hbm>>
    tpu.enqueue_indirect_dma source(%dma_start3A_127 : memref<10000x64xf32, #tpu.memory_space<hbm>>) target(%arg11 : memref<125x64xf32, #tpu.memory_space<vmem>>) offsets(%dma_start3A_124 : memref<125xi32, #tpu.memory_space<vmem>>) semaphore(%arg18 : memref<!tpu.dma_semaphore, #tpu.memory_space<semaphore_mem>>)
    %scan3A_128 = arith.constant 0 : i32
    %scan3A_129 = arith.constant 0 : i32
    %scan3A_130 = arith.constant 16 : i32
    %scan3A_131 = arith.addi %scan3A_129, %scan3A_130 : i32
    %scan3A_132 = arith.constant 1 : i32
    %scan3A_133 = scf.for %scan3A_178 = %scan3A_129 to %scan3A_131 step %scan3A_132 iter_args(%scan3A_179 = %scan3A_128) -> (i32)  : i32 {
      %mul3A_180 = arith.constant 5 : i32
      %mul3A_181 = arith.muli %mul3A_180, %scan3A_178 : i32
      %add3A_182 = arith.constant 0 : i32
      %add3A_183 = arith.addi %mul3A_181, %add3A_182 : i32
      %dma_wait3A_184 = arith.constant 0 : i32
      %dma_wait3A_185 = tpu.memref_slice %arg6[%add3A_183, %dma_wait3A_184] : memref<80x125xi32, #tpu.memory_space<vmem>> -> memref<1x125xi32, #tpu.memory_space<vmem>>
      %dma_wait3A_186 = tpu.memref_squeeze %dma_wait3A_185 : memref<1x125xi32, #tpu.memory_space<vmem>> -> memref<125xi32, #tpu.memory_space<vmem>>
      %dma_wait3A_187 = arith.constant 0 : i32
      %dma_wait3A_188 = arith.constant 0 : i32
      %dma_wait3A_189 = tpu.memref_slice %arg2[%dma_wait3A_187, %dma_wait3A_188] : memref<10000x64xf32, #tpu.memory_space<hbm>> -> memref<10000x64xf32, #tpu.memory_space<hbm>>
      tpu.wait_indirect_dma semaphore(%arg15 : memref<!tpu.dma_semaphore, #tpu.memory_space<semaphore_mem>>) src(%dma_wait3A_189 : memref<10000x64xf32, #tpu.memory_space<hbm>>) dst(%arg8 : memref<125x64xf32, #tpu.memory_space<vmem>>)
      %dma_start3A_190 = arith.constant 0 : i32
      %dma_start3A_191 = tpu.memref_slice %arg7[%add3A_183, %dma_start3A_190] : memref<80x125xi32, #tpu.memory_space<vmem>> -> memref<1x125xi32, #tpu.memory_space<vmem>>
      %dma_start3A_192 = tpu.memref_squeeze %dma_start3A_191 : memref<1x125xi32, #tpu.memory_space<vmem>> -> memref<125xi32, #tpu.memory_space<vmem>>
      %dma_start3A_193 = arith.constant 0 : i32
      %dma_start3A_194 = arith.constant 0 : i32
      %dma_start3A_195 = tpu.memref_slice %arg14[%dma_start3A_193, %dma_start3A_194] : memref<10240x64xf32, #tpu.memory_space<vmem_shared>> -> memref<10240x64xf32, #tpu.memory_space<vmem_shared>>
      tpu.enqueue_indirect_dma source(%arg8 : memref<125x64xf32, #tpu.memory_space<vmem>>) target(%dma_start3A_195 : memref<10240x64xf32, #tpu.memory_space<vmem_shared>>) offsets(%dma_start3A_192 : memref<125xi32, #tpu.memory_space<vmem>>) semaphore(%arg20 : memref<!tpu.dma_semaphore, #tpu.memory_space<semaphore_mem>>) {add = true}
      %add3A_196 = arith.constant 5 : i32
      %add3A_197 = arith.addi %add3A_183, %add3A_196 : i32
      %sub3A = arith.constant 1 : i32
      %sub3A_198 = arith.subi %add3A_197, %sub3A : i32
      %lt3A = arith.constant 80 : i32
      %lt3A_199 = arith.cmpi slt, %sub3A_198, %lt3A : i32
      %convert_element_type3A_200 = arith.extui %lt3A_199 : i1 to i32
      %cond3A_201 = arith.constant 0 : i32
      %cond3A_202 = arith.cmpi ne, %convert_element_type3A_200, %cond3A_201 : i32
      scf.if %cond3A_202 {
        %ge3A = arith.constant 1 : i32
        %ge3A_296 = arith.cmpi sge, %add3A_183, %ge3A : i32
        %convert_element_type3A_297 = arith.extui %ge3A_296 : i1 to i32
        %cond3A_298 = arith.constant 0 : i32
        %cond3A_299 = arith.cmpi ne, %convert_element_type3A_297, %cond3A_298 : i32
        scf.if %cond3A_299 {
          %sub3A_310 = arith.constant 1 : i32
          %sub3A_311 = arith.subi %add3A_183, %sub3A_310 : i32
          %dma_wait3A_312 = arith.constant 0 : i32
          %dma_wait3A_313 = tpu.memref_slice %arg7[%sub3A_311, %dma_wait3A_312] : memref<80x125xi32, #tpu.memory_space<vmem>> -> memref<1x125xi32, #tpu.memory_space<vmem>>
          %dma_wait3A_314 = tpu.memref_squeeze %dma_wait3A_313 : memref<1x125xi32, #tpu.memory_space<vmem>> -> memref<125xi32, #tpu.memory_space<vmem>>
          %dma_wait3A_315 = arith.constant 0 : i32
          %dma_wait3A_316 = arith.constant 0 : i32
          %dma_wait3A_317 = tpu.memref_slice %arg14[%dma_wait3A_315, %dma_wait3A_316] : memref<10240x64xf32, #tpu.memory_space<vmem_shared>> -> memref<10240x64xf32, #tpu.memory_space<vmem_shared>>
          tpu.wait_indirect_dma semaphore(%arg24 : memref<!tpu.dma_semaphore, #tpu.memory_space<semaphore_mem>>) src(%arg12 : memref<125x64xf32, #tpu.memory_space<vmem>>) dst(%dma_wait3A_317 : memref<10240x64xf32, #tpu.memory_space<vmem_shared>>)
        } else {
        }
        %add3A_300 = arith.constant 5 : i32
        %add3A_301 = arith.addi %add3A_183, %add3A_300 : i32
        %sub3A_302 = arith.constant 1 : i32
        %sub3A_303 = arith.subi %add3A_301, %sub3A_302 : i32
        %dma_start3A_304 = arith.constant 0 : i32
        %dma_start3A_305 = tpu.memref_slice %arg6[%sub3A_303, %dma_start3A_304] : memref<80x125xi32, #tpu.memory_space<vmem>> -> memref<1x125xi32, #tpu.memory_space<vmem>>
        %dma_start3A_306 = tpu.memref_squeeze %dma_start3A_305 : memref<1x125xi32, #tpu.memory_space<vmem>> -> memref<125xi32, #tpu.memory_space<vmem>>
        %dma_start3A_307 = arith.constant 0 : i32
        %dma_start3A_308 = arith.constant 0 : i32
        %dma_start3A_309 = tpu.memref_slice %arg2[%dma_start3A_307, %dma_start3A_308] : memref<10000x64xf32, #tpu.memory_space<hbm>> -> memref<10000x64xf32, #tpu.memory_space<hbm>>
        tpu.enqueue_indirect_dma source(%dma_start3A_309 : memref<10000x64xf32, #tpu.memory_space<hbm>>) target(%arg12 : memref<125x64xf32, #tpu.memory_space<vmem>>) offsets(%dma_start3A_306 : memref<125xi32, #tpu.memory_space<vmem>>) semaphore(%arg19 : memref<!tpu.dma_semaphore, #tpu.memory_space<semaphore_mem>>)
      } else {
      }
      %add3A_203 = arith.constant 1 : i32
      %add3A_204 = arith.addi %mul3A_181, %add3A_203 : i32
      %dma_wait3A_205 = arith.constant 0 : i32
      %dma_wait3A_206 = tpu.memref_slice %arg6[%add3A_204, %dma_wait3A_205] : memref<80x125xi32, #tpu.memory_space<vmem>> -> memref<1x125xi32, #tpu.memory_space<vmem>>
      %dma_wait3A_207 = tpu.memref_squeeze %dma_wait3A_206 : memref<1x125xi32, #tpu.memory_space<vmem>> -> memref<125xi32, #tpu.memory_space<vmem>>
      %dma_wait3A_208 = arith.constant 0 : i32
      %dma_wait3A_209 = arith.constant 0 : i32
      %dma_wait3A_210 = tpu.memref_slice %arg2[%dma_wait3A_208, %dma_wait3A_209] : memref<10000x64xf32, #tpu.memory_space<hbm>> -> memref<10000x64xf32, #tpu.memory_space<hbm>>
      tpu.wait_indirect_dma semaphore(%arg16 : memref<!tpu.dma_semaphore, #tpu.memory_space<semaphore_mem>>) src(%dma_wait3A_210 : memref<10000x64xf32, #tpu.memory_space<hbm>>) dst(%arg9 : memref<125x64xf32, #tpu.memory_space<vmem>>)
      %dma_start3A_211 = arith.constant 0 : i32
      %dma_start3A_212 = tpu.memref_slice %arg7[%add3A_204, %dma_start3A_211] : memref<80x125xi32, #tpu.memory_space<vmem>> -> memref<1x125xi32, #tpu.memory_space<vmem>>
      %dma_start3A_213 = tpu.memref_squeeze %dma_start3A_212 : memref<1x125xi32, #tpu.memory_space<vmem>> -> memref<125xi32, #tpu.memory_space<vmem>>
      %dma_start3A_214 = arith.constant 0 : i32
      %dma_start3A_215 = arith.constant 0 : i32
      %dma_start3A_216 = tpu.memref_slice %arg14[%dma_start3A_214, %dma_start3A_215] : memref<10240x64xf32, #tpu.memory_space<vmem_shared>> -> memref<10240x64xf32, #tpu.memory_space<vmem_shared>>
      tpu.enqueue_indirect_dma source(%arg9 : memref<125x64xf32, #tpu.memory_space<vmem>>) target(%dma_start3A_216 : memref<10240x64xf32, #tpu.memory_space<vmem_shared>>) offsets(%dma_start3A_213 : memref<125xi32, #tpu.memory_space<vmem>>) semaphore(%arg21 : memref<!tpu.dma_semaphore, #tpu.memory_space<semaphore_mem>>) {add = true}
      %add3A_217 = arith.constant 5 : i32
      %add3A_218 = arith.addi %add3A_204, %add3A_217 : i32
      %sub3A_219 = arith.constant 1 : i32
      %sub3A_220 = arith.subi %add3A_218, %sub3A_219 : i32
      %lt3A_221 = arith.constant 80 : i32
      %lt3A_222 = arith.cmpi slt, %sub3A_220, %lt3A_221 : i32
      %convert_element_type3A_223 = arith.extui %lt3A_222 : i1 to i32
      %cond3A_224 = arith.constant 0 : i32
      %cond3A_225 = arith.cmpi ne, %convert_element_type3A_223, %cond3A_224 : i32
      scf.if %cond3A_225 {
        %ge3A = arith.constant 1 : i32
        %ge3A_296 = arith.cmpi sge, %add3A_204, %ge3A : i32
        %convert_element_type3A_297 = arith.extui %ge3A_296 : i1 to i32
        %cond3A_298 = arith.constant 0 : i32
        %cond3A_299 = arith.cmpi ne, %convert_element_type3A_297, %cond3A_298 : i32
        scf.if %cond3A_299 {
          %sub3A_310 = arith.constant 1 : i32
          %sub3A_311 = arith.subi %add3A_204, %sub3A_310 : i32
          %dma_wait3A_312 = arith.constant 0 : i32
          %dma_wait3A_313 = tpu.memref_slice %arg7[%sub3A_311, %dma_wait3A_312] : memref<80x125xi32, #tpu.memory_space<vmem>> -> memref<1x125xi32, #tpu.memory_space<vmem>>
          %dma_wait3A_314 = tpu.memref_squeeze %dma_wait3A_313 : memref<1x125xi32, #tpu.memory_space<vmem>> -> memref<125xi32, #tpu.memory_space<vmem>>
          %dma_wait3A_315 = arith.constant 0 : i32
          %dma_wait3A_316 = arith.constant 0 : i32
          %dma_wait3A_317 = tpu.memref_slice %arg14[%dma_wait3A_315, %dma_wait3A_316] : memref<10240x64xf32, #tpu.memory_space<vmem_shared>> -> memref<10240x64xf32, #tpu.memory_space<vmem_shared>>
          tpu.wait_indirect_dma semaphore(%arg20 : memref<!tpu.dma_semaphore, #tpu.memory_space<semaphore_mem>>) src(%arg8 : memref<125x64xf32, #tpu.memory_space<vmem>>) dst(%dma_wait3A_317 : memref<10240x64xf32, #tpu.memory_space<vmem_shared>>)
        } else {
        }
        %add3A_300 = arith.constant 5 : i32
        %add3A_301 = arith.addi %add3A_204, %add3A_300 : i32
        %sub3A_302 = arith.constant 1 : i32
        %sub3A_303 = arith.subi %add3A_301, %sub3A_302 : i32
        %dma_start3A_304 = arith.constant 0 : i32
        %dma_start3A_305 = tpu.memref_slice %arg6[%sub3A_303, %dma_start3A_304] : memref<80x125xi32, #tpu.memory_space<vmem>> -> memref<1x125xi32, #tpu.memory_space<vmem>>
        %dma_start3A_306 = tpu.memref_squeeze %dma_start3A_305 : memref<1x125xi32, #tpu.memory_space<vmem>> -> memref<125xi32, #tpu.memory_space<vmem>>
        %dma_start3A_307 = arith.constant 0 : i32
        %dma_start3A_308 = arith.constant 0 : i32
        %dma_start3A_309 = tpu.memref_slice %arg2[%dma_start3A_307, %dma_start3A_308] : memref<10000x64xf32, #tpu.memory_space<hbm>> -> memref<10000x64xf32, #tpu.memory_space<hbm>>
        tpu.enqueue_indirect_dma source(%dma_start3A_309 : memref<10000x64xf32, #tpu.memory_space<hbm>>) target(%arg8 : memref<125x64xf32, #tpu.memory_space<vmem>>) offsets(%dma_start3A_306 : memref<125xi32, #tpu.memory_space<vmem>>) semaphore(%arg15 : memref<!tpu.dma_semaphore, #tpu.memory_space<semaphore_mem>>)
      } else {
      }
      %add3A_226 = arith.constant 2 : i32
      %add3A_227 = arith.addi %mul3A_181, %add3A_226 : i32
      %dma_wait3A_228 = arith.constant 0 : i32
      %dma_wait3A_229 = tpu.memref_slice %arg6[%add3A_227, %dma_wait3A_228] : memref<80x125xi32, #tpu.memory_space<vmem>> -> memref<1x125xi32, #tpu.memory_space<vmem>>
      %dma_wait3A_230 = tpu.memref_squeeze %dma_wait3A_229 : memref<1x125xi32, #tpu.memory_space<vmem>> -> memref<125xi32, #tpu.memory_space<vmem>>
      %dma_wait3A_231 = arith.constant 0 : i32
      %dma_wait3A_232 = arith.constant 0 : i32
      %dma_wait3A_233 = tpu.memref_slice %arg2[%dma_wait3A_231, %dma_wait3A_232] : memref<10000x64xf32, #tpu.memory_space<hbm>> -> memref<10000x64xf32, #tpu.memory_space<hbm>>
      tpu.wait_indirect_dma semaphore(%arg17 : memref<!tpu.dma_semaphore, #tpu.memory_space<semaphore_mem>>) src(%dma_wait3A_233 : memref<10000x64xf32, #tpu.memory_space<hbm>>) dst(%arg10 : memref<125x64xf32, #tpu.memory_space<vmem>>)
      %dma_start3A_234 = arith.constant 0 : i32
      %dma_start3A_235 = tpu.memref_slice %arg7[%add3A_227, %dma_start3A_234] : memref<80x125xi32, #tpu.memory_space<vmem>> -> memref<1x125xi32, #tpu.memory_space<vmem>>
      %dma_start3A_236 = tpu.memref_squeeze %dma_start3A_235 : memref<1x125xi32, #tpu.memory_space<vmem>> -> memref<125xi32, #tpu.memory_space<vmem>>
      %dma_start3A_237 = arith.constant 0 : i32
      %dma_start3A_238 = arith.constant 0 : i32
      %dma_start3A_239 = tpu.memref_slice %arg14[%dma_start3A_237, %dma_start3A_238] : memref<10240x64xf32, #tpu.memory_space<vmem_shared>> -> memref<10240x64xf32, #tpu.memory_space<vmem_shared>>
      tpu.enqueue_indirect_dma source(%arg10 : memref<125x64xf32, #tpu.memory_space<vmem>>) target(%dma_start3A_239 : memref<10240x64xf32, #tpu.memory_space<vmem_shared>>) offsets(%dma_start3A_236 : memref<125xi32, #tpu.memory_space<vmem>>) semaphore(%arg22 : memref<!tpu.dma_semaphore, #tpu.memory_space<semaphore_mem>>) {add = true}
      %add3A_240 = arith.constant 5 : i32
      %add3A_241 = arith.addi %add3A_227, %add3A_240 : i32
      %sub3A_242 = arith.constant 1 : i32
      %sub3A_243 = arith.subi %add3A_241, %sub3A_242 : i32
      %lt3A_244 = arith.constant 80 : i32
      %lt3A_245 = arith.cmpi slt, %sub3A_243, %lt3A_244 : i32
      %convert_element_type3A_246 = arith.extui %lt3A_245 : i1 to i32
      %cond3A_247 = arith.constant 0 : i32
      %cond3A_248 = arith.cmpi ne, %convert_element_type3A_246, %cond3A_247 : i32
      scf.if %cond3A_248 {
        %ge3A = arith.constant 1 : i32
        %ge3A_296 = arith.cmpi sge, %add3A_227, %ge3A : i32
        %convert_element_type3A_297 = arith.extui %ge3A_296 : i1 to i32
        %cond3A_298 = arith.constant 0 : i32
        %cond3A_299 = arith.cmpi ne, %convert_element_type3A_297, %cond3A_298 : i32
        scf.if %cond3A_299 {
          %sub3A_310 = arith.constant 1 : i32
          %sub3A_311 = arith.subi %add3A_227, %sub3A_310 : i32
          %dma_wait3A_312 = arith.constant 0 : i32
          %dma_wait3A_313 = tpu.memref_slice %arg7[%sub3A_311, %dma_wait3A_312] : memref<80x125xi32, #tpu.memory_space<vmem>> -> memref<1x125xi32, #tpu.memory_space<vmem>>
          %dma_wait3A_314 = tpu.memref_squeeze %dma_wait3A_313 : memref<1x125xi32, #tpu.memory_space<vmem>> -> memref<125xi32, #tpu.memory_space<vmem>>
          %dma_wait3A_315 = arith.constant 0 : i32
          %dma_wait3A_316 = arith.constant 0 : i32
          %dma_wait3A_317 = tpu.memref_slice %arg14[%dma_wait3A_315, %dma_wait3A_316] : memref<10240x64xf32, #tpu.memory_space<vmem_shared>> -> memref<10240x64xf32, #tpu.memory_space<vmem_shared>>
          tpu.wait_indirect_dma semaphore(%arg21 : memref<!tpu.dma_semaphore, #tpu.memory_space<semaphore_mem>>) src(%arg9 : memref<125x64xf32, #tpu.memory_space<vmem>>) dst(%dma_wait3A_317 : memref<10240x64xf32, #tpu.memory_space<vmem_shared>>)
        } else {
        }
        %add3A_300 = arith.constant 5 : i32
        %add3A_301 = arith.addi %add3A_227, %add3A_300 : i32
        %sub3A_302 = arith.constant 1 : i32
        %sub3A_303 = arith.subi %add3A_301, %sub3A_302 : i32
        %dma_start3A_304 = arith.constant 0 : i32
        %dma_start3A_305 = tpu.memref_slice %arg6[%sub3A_303, %dma_start3A_304] : memref<80x125xi32, #tpu.memory_space<vmem>> -> memref<1x125xi32, #tpu.memory_space<vmem>>
        %dma_start3A_306 = tpu.memref_squeeze %dma_start3A_305 : memref<1x125xi32, #tpu.memory_space<vmem>> -> memref<125xi32, #tpu.memory_space<vmem>>
        %dma_start3A_307 = arith.constant 0 : i32
        %dma_start3A_308 = arith.constant 0 : i32
        %dma_start3A_309 = tpu.memref_slice %arg2[%dma_start3A_307, %dma_start3A_308] : memref<10000x64xf32, #tpu.memory_space<hbm>> -> memref<10000x64xf32, #tpu.memory_space<hbm>>
        tpu.enqueue_indirect_dma source(%dma_start3A_309 : memref<10000x64xf32, #tpu.memory_space<hbm>>) target(%arg9 : memref<125x64xf32, #tpu.memory_space<vmem>>) offsets(%dma_start3A_306 : memref<125xi32, #tpu.memory_space<vmem>>) semaphore(%arg16 : memref<!tpu.dma_semaphore, #tpu.memory_space<semaphore_mem>>)
      } else {
      }
      %add3A_249 = arith.constant 3 : i32
      %add3A_250 = arith.addi %mul3A_181, %add3A_249 : i32
      %dma_wait3A_251 = arith.constant 0 : i32
      %dma_wait3A_252 = tpu.memref_slice %arg6[%add3A_250, %dma_wait3A_251] : memref<80x125xi32, #tpu.memory_space<vmem>> -> memref<1x125xi32, #tpu.memory_space<vmem>>
      %dma_wait3A_253 = tpu.memref_squeeze %dma_wait3A_252 : memref<1x125xi32, #tpu.memory_space<vmem>> -> memref<125xi32, #tpu.memory_space<vmem>>
      %dma_wait3A_254 = arith.constant 0 : i32
      %dma_wait3A_255 = arith.constant 0 : i32
      %dma_wait3A_256 = tpu.memref_slice %arg2[%dma_wait3A_254, %dma_wait3A_255] : memref<10000x64xf32, #tpu.memory_space<hbm>> -> memref<10000x64xf32, #tpu.memory_space<hbm>>
      tpu.wait_indirect_dma semaphore(%arg18 : memref<!tpu.dma_semaphore, #tpu.memory_space<semaphore_mem>>) src(%dma_wait3A_256 : memref<10000x64xf32, #tpu.memory_space<hbm>>) dst(%arg11 : memref<125x64xf32, #tpu.memory_space<vmem>>)
      %dma_start3A_257 = arith.constant 0 : i32
      %dma_start3A_258 = tpu.memref_slice %arg7[%add3A_250, %dma_start3A_257] : memref<80x125xi32, #tpu.memory_space<vmem>> -> memref<1x125xi32, #tpu.memory_space<vmem>>
      %dma_start3A_259 = tpu.memref_squeeze %dma_start3A_258 : memref<1x125xi32, #tpu.memory_space<vmem>> -> memref<125xi32, #tpu.memory_space<vmem>>
      %dma_start3A_260 = arith.constant 0 : i32
      %dma_start3A_261 = arith.constant 0 : i32
      %dma_start3A_262 = tpu.memref_slice %arg14[%dma_start3A_260, %dma_start3A_261] : memref<10240x64xf32, #tpu.memory_space<vmem_shared>> -> memref<10240x64xf32, #tpu.memory_space<vmem_shared>>
      tpu.enqueue_indirect_dma source(%arg11 : memref<125x64xf32, #tpu.memory_space<vmem>>) target(%dma_start3A_262 : memref<10240x64xf32, #tpu.memory_space<vmem_shared>>) offsets(%dma_start3A_259 : memref<125xi32, #tpu.memory_space<vmem>>) semaphore(%arg23 : memref<!tpu.dma_semaphore, #tpu.memory_space<semaphore_mem>>) {add = true}
      %add3A_263 = arith.constant 5 : i32
      %add3A_264 = arith.addi %add3A_250, %add3A_263 : i32
      %sub3A_265 = arith.constant 1 : i32
      %sub3A_266 = arith.subi %add3A_264, %sub3A_265 : i32
      %lt3A_267 = arith.constant 80 : i32
      %lt3A_268 = arith.cmpi slt, %sub3A_266, %lt3A_267 : i32
      %convert_element_type3A_269 = arith.extui %lt3A_268 : i1 to i32
      %cond3A_270 = arith.constant 0 : i32
      %cond3A_271 = arith.cmpi ne, %convert_element_type3A_269, %cond3A_270 : i32
      scf.if %cond3A_271 {
        %ge3A = arith.constant 1 : i32
        %ge3A_296 = arith.cmpi sge, %add3A_250, %ge3A : i32
        %convert_element_type3A_297 = arith.extui %ge3A_296 : i1 to i32
        %cond3A_298 = arith.constant 0 : i32
        %cond3A_299 = arith.cmpi ne, %convert_element_type3A_297, %cond3A_298 : i32
        scf.if %cond3A_299 {
          %sub3A_310 = arith.constant 1 : i32
          %sub3A_311 = arith.subi %add3A_250, %sub3A_310 : i32
          %dma_wait3A_312 = arith.constant 0 : i32
          %dma_wait3A_313 = tpu.memref_slice %arg7[%sub3A_311, %dma_wait3A_312] : memref<80x125xi32, #tpu.memory_space<vmem>> -> memref<1x125xi32, #tpu.memory_space<vmem>>
          %dma_wait3A_314 = tpu.memref_squeeze %dma_wait3A_313 : memref<1x125xi32, #tpu.memory_space<vmem>> -> memref<125xi32, #tpu.memory_space<vmem>>
          %dma_wait3A_315 = arith.constant 0 : i32
          %dma_wait3A_316 = arith.constant 0 : i32
          %dma_wait3A_317 = tpu.memref_slice %arg14[%dma_wait3A_315, %dma_wait3A_316] : memref<10240x64xf32, #tpu.memory_space<vmem_shared>> -> memref<10240x64xf32, #tpu.memory_space<vmem_shared>>
          tpu.wait_indirect_dma semaphore(%arg22 : memref<!tpu.dma_semaphore, #tpu.memory_space<semaphore_mem>>) src(%arg10 : memref<125x64xf32, #tpu.memory_space<vmem>>) dst(%dma_wait3A_317 : memref<10240x64xf32, #tpu.memory_space<vmem_shared>>)
        } else {
        }
        %add3A_300 = arith.constant 5 : i32
        %add3A_301 = arith.addi %add3A_250, %add3A_300 : i32
        %sub3A_302 = arith.constant 1 : i32
        %sub3A_303 = arith.subi %add3A_301, %sub3A_302 : i32
        %dma_start3A_304 = arith.constant 0 : i32
        %dma_start3A_305 = tpu.memref_slice %arg6[%sub3A_303, %dma_start3A_304] : memref<80x125xi32, #tpu.memory_space<vmem>> -> memref<1x125xi32, #tpu.memory_space<vmem>>
        %dma_start3A_306 = tpu.memref_squeeze %dma_start3A_305 : memref<1x125xi32, #tpu.memory_space<vmem>> -> memref<125xi32, #tpu.memory_space<vmem>>
        %dma_start3A_307 = arith.constant 0 : i32
        %dma_start3A_308 = arith.constant 0 : i32
        %dma_start3A_309 = tpu.memref_slice %arg2[%dma_start3A_307, %dma_start3A_308] : memref<10000x64xf32, #tpu.memory_space<hbm>> -> memref<10000x64xf32, #tpu.memory_space<hbm>>
        tpu.enqueue_indirect_dma source(%dma_start3A_309 : memref<10000x64xf32, #tpu.memory_space<hbm>>) target(%arg10 : memref<125x64xf32, #tpu.memory_space<vmem>>) offsets(%dma_start3A_306 : memref<125xi32, #tpu.memory_space<vmem>>) semaphore(%arg17 : memref<!tpu.dma_semaphore, #tpu.memory_space<semaphore_mem>>)
      } else {
      }
      %add3A_272 = arith.constant 4 : i32
      %add3A_273 = arith.addi %mul3A_181, %add3A_272 : i32
      %dma_wait3A_274 = arith.constant 0 : i32
      %dma_wait3A_275 = tpu.memref_slice %arg6[%add3A_273, %dma_wait3A_274] : memref<80x125xi32, #tpu.memory_space<vmem>> -> memref<1x125xi32, #tpu.memory_space<vmem>>
      %dma_wait3A_276 = tpu.memref_squeeze %dma_wait3A_275 : memref<1x125xi32, #tpu.memory_space<vmem>> -> memref<125xi32, #tpu.memory_space<vmem>>
      %dma_wait3A_277 = arith.constant 0 : i32
      %dma_wait3A_278 = arith.constant 0 : i32
      %dma_wait3A_279 = tpu.memref_slice %arg2[%dma_wait3A_277, %dma_wait3A_278] : memref<10000x64xf32, #tpu.memory_space<hbm>> -> memref<10000x64xf32, #tpu.memory_space<hbm>>
      tpu.wait_indirect_dma semaphore(%arg19 : memref<!tpu.dma_semaphore, #tpu.memory_space<semaphore_mem>>) src(%dma_wait3A_279 : memref<10000x64xf32, #tpu.memory_space<hbm>>) dst(%arg12 : memref<125x64xf32, #tpu.memory_space<vmem>>)
      %dma_start3A_280 = arith.constant 0 : i32
      %dma_start3A_281 = tpu.memref_slice %arg7[%add3A_273, %dma_start3A_280] : memref<80x125xi32, #tpu.memory_space<vmem>> -> memref<1x125xi32, #tpu.memory_space<vmem>>
      %dma_start3A_282 = tpu.memref_squeeze %dma_start3A_281 : memref<1x125xi32, #tpu.memory_space<vmem>> -> memref<125xi32, #tpu.memory_space<vmem>>
      %dma_start3A_283 = arith.constant 0 : i32
      %dma_start3A_284 = arith.constant 0 : i32
      %dma_start3A_285 = tpu.memref_slice %arg14[%dma_start3A_283, %dma_start3A_284] : memref<10240x64xf32, #tpu.memory_space<vmem_shared>> -> memref<10240x64xf32, #tpu.memory_space<vmem_shared>>
      tpu.enqueue_indirect_dma source(%arg12 : memref<125x64xf32, #tpu.memory_space<vmem>>) target(%dma_start3A_285 : memref<10240x64xf32, #tpu.memory_space<vmem_shared>>) offsets(%dma_start3A_282 : memref<125xi32, #tpu.memory_space<vmem>>) semaphore(%arg24 : memref<!tpu.dma_semaphore, #tpu.memory_space<semaphore_mem>>) {add = true}
      %add3A_286 = arith.constant 5 : i32
      %add3A_287 = arith.addi %add3A_273, %add3A_286 : i32
      %sub3A_288 = arith.constant 1 : i32
      %sub3A_289 = arith.subi %add3A_287, %sub3A_288 : i32
      %lt3A_290 = arith.constant 80 : i32
      %lt3A_291 = arith.cmpi slt, %sub3A_289, %lt3A_290 : i32
      %convert_element_type3A_292 = arith.extui %lt3A_291 : i1 to i32
      %cond3A_293 = arith.constant 0 : i32
      %cond3A_294 = arith.cmpi ne, %convert_element_type3A_292, %cond3A_293 : i32
      scf.if %cond3A_294 {
        %ge3A = arith.constant 1 : i32
        %ge3A_296 = arith.cmpi sge, %add3A_273, %ge3A : i32
        %convert_element_type3A_297 = arith.extui %ge3A_296 : i1 to i32
        %cond3A_298 = arith.constant 0 : i32
        %cond3A_299 = arith.cmpi ne, %convert_element_type3A_297, %cond3A_298 : i32
        scf.if %cond3A_299 {
          %sub3A_310 = arith.constant 1 : i32
          %sub3A_311 = arith.subi %add3A_273, %sub3A_310 : i32
          %dma_wait3A_312 = arith.constant 0 : i32
          %dma_wait3A_313 = tpu.memref_slice %arg7[%sub3A_311, %dma_wait3A_312] : memref<80x125xi32, #tpu.memory_space<vmem>> -> memref<1x125xi32, #tpu.memory_space<vmem>>
          %dma_wait3A_314 = tpu.memref_squeeze %dma_wait3A_313 : memref<1x125xi32, #tpu.memory_space<vmem>> -> memref<125xi32, #tpu.memory_space<vmem>>
          %dma_wait3A_315 = arith.constant 0 : i32
          %dma_wait3A_316 = arith.constant 0 : i32
          %dma_wait3A_317 = tpu.memref_slice %arg14[%dma_wait3A_315, %dma_wait3A_316] : memref<10240x64xf32, #tpu.memory_space<vmem_shared>> -> memref<10240x64xf32, #tpu.memory_space<vmem_shared>>
          tpu.wait_indirect_dma semaphore(%arg23 : memref<!tpu.dma_semaphore, #tpu.memory_space<semaphore_mem>>) src(%arg11 : memref<125x64xf32, #tpu.memory_space<vmem>>) dst(%dma_wait3A_317 : memref<10240x64xf32, #tpu.memory_space<vmem_shared>>)
        } else {
        }
        %add3A_300 = arith.constant 5 : i32
        %add3A_301 = arith.addi %add3A_273, %add3A_300 : i32
        %sub3A_302 = arith.constant 1 : i32
        %sub3A_303 = arith.subi %add3A_301, %sub3A_302 : i32
        %dma_start3A_304 = arith.constant 0 : i32
        %dma_start3A_305 = tpu.memref_slice %arg6[%sub3A_303, %dma_start3A_304] : memref<80x125xi32, #tpu.memory_space<vmem>> -> memref<1x125xi32, #tpu.memory_space<vmem>>
        %dma_start3A_306 = tpu.memref_squeeze %dma_start3A_305 : memref<1x125xi32, #tpu.memory_space<vmem>> -> memref<125xi32, #tpu.memory_space<vmem>>
        %dma_start3A_307 = arith.constant 0 : i32
        %dma_start3A_308 = arith.constant 0 : i32
        %dma_start3A_309 = tpu.memref_slice %arg2[%dma_start3A_307, %dma_start3A_308] : memref<10000x64xf32, #tpu.memory_space<hbm>> -> memref<10000x64xf32, #tpu.memory_space<hbm>>
        tpu.enqueue_indirect_dma source(%dma_start3A_309 : memref<10000x64xf32, #tpu.memory_space<hbm>>) target(%arg11 : memref<125x64xf32, #tpu.memory_space<vmem>>) offsets(%dma_start3A_306 : memref<125xi32, #tpu.memory_space<vmem>>) semaphore(%arg18 : memref<!tpu.dma_semaphore, #tpu.memory_space<semaphore_mem>>)
      } else {
      }
      %scan3A_295 = arith.constant 0 : i32
      scf.yield %scan3A_295 : i32
    }
    %scan3A_134 = arith.constant 16 : i32
    %dma_wait3A_135 = arith.constant 75 : i32
    %dma_wait3A_136 = arith.constant 0 : i32
    %dma_wait3A_137 = tpu.memref_slice %arg7[%dma_wait3A_135, %dma_wait3A_136] : memref<80x125xi32, #tpu.memory_space<vmem>> -> memref<1x125xi32, #tpu.memory_space<vmem>>
    %dma_wait3A_138 = tpu.memref_squeeze %dma_wait3A_137 : memref<1x125xi32, #tpu.memory_space<vmem>> -> memref<125xi32, #tpu.memory_space<vmem>>
    %dma_wait3A_139 = arith.constant 0 : i32
    %dma_wait3A_140 = arith.constant 0 : i32
    %dma_wait3A_141 = tpu.memref_slice %arg14[%dma_wait3A_139, %dma_wait3A_140] : memref<10240x64xf32, #tpu.memory_space<vmem_shared>> -> memref<10240x64xf32, #tpu.memory_space<vmem_shared>>
    tpu.wait_indirect_dma semaphore(%arg20 : memref<!tpu.dma_semaphore, #tpu.memory_space<semaphore_mem>>) src(%arg8 : memref<125x64xf32, #tpu.memory_space<vmem>>) dst(%dma_wait3A_141 : memref<10240x64xf32, #tpu.memory_space<vmem_shared>>)
    %dma_wait3A_142 = arith.constant 76 : i32
    %dma_wait3A_143 = arith.constant 0 : i32
    %dma_wait3A_144 = tpu.memref_slice %arg7[%dma_wait3A_142, %dma_wait3A_143] : memref<80x125xi32, #tpu.memory_space<vmem>> -> memref<1x125xi32, #tpu.memory_space<vmem>>
    %dma_wait3A_145 = tpu.memref_squeeze %dma_wait3A_144 : memref<1x125xi32, #tpu.memory_space<vmem>> -> memref<125xi32, #tpu.memory_space<vmem>>
    %dma_wait3A_146 = arith.constant 0 : i32
    %dma_wait3A_147 = arith.constant 0 : i32
    %dma_wait3A_148 = tpu.memref_slice %arg14[%dma_wait3A_146, %dma_wait3A_147] : memref<10240x64xf32, #tpu.memory_space<vmem_shared>> -> memref<10240x64xf32, #tpu.memory_space<vmem_shared>>
    tpu.wait_indirect_dma semaphore(%arg21 : memref<!tpu.dma_semaphore, #tpu.memory_space<semaphore_mem>>) src(%arg9 : memref<125x64xf32, #tpu.memory_space<vmem>>) dst(%dma_wait3A_148 : memref<10240x64xf32, #tpu.memory_space<vmem_shared>>)
    %dma_wait3A_149 = arith.constant 77 : i32
    %dma_wait3A_150 = arith.constant 0 : i32
    %dma_wait3A_151 = tpu.memref_slice %arg7[%dma_wait3A_149, %dma_wait3A_150] : memref<80x125xi32, #tpu.memory_space<vmem>> -> memref<1x125xi32, #tpu.memory_space<vmem>>
    %dma_wait3A_152 = tpu.memref_squeeze %dma_wait3A_151 : memref<1x125xi32, #tpu.memory_space<vmem>> -> memref<125xi32, #tpu.memory_space<vmem>>
    %dma_wait3A_153 = arith.constant 0 : i32
    %dma_wait3A_154 = arith.constant 0 : i32
    %dma_wait3A_155 = tpu.memref_slice %arg14[%dma_wait3A_153, %dma_wait3A_154] : memref<10240x64xf32, #tpu.memory_space<vmem_shared>> -> memref<10240x64xf32, #tpu.memory_space<vmem_shared>>
    tpu.wait_indirect_dma semaphore(%arg22 : memref<!tpu.dma_semaphore, #tpu.memory_space<semaphore_mem>>) src(%arg10 : memref<125x64xf32, #tpu.memory_space<vmem>>) dst(%dma_wait3A_155 : memref<10240x64xf32, #tpu.memory_space<vmem_shared>>)
    %dma_wait3A_156 = arith.constant 78 : i32
    %dma_wait3A_157 = arith.constant 0 : i32
    %dma_wait3A_158 = tpu.memref_slice %arg7[%dma_wait3A_156, %dma_wait3A_157] : memref<80x125xi32, #tpu.memory_space<vmem>> -> memref<1x125xi32, #tpu.memory_space<vmem>>
    %dma_wait3A_159 = tpu.memref_squeeze %dma_wait3A_158 : memref<1x125xi32, #tpu.memory_space<vmem>> -> memref<125xi32, #tpu.memory_space<vmem>>
    %dma_wait3A_160 = arith.constant 0 : i32
    %dma_wait3A_161 = arith.constant 0 : i32
    %dma_wait3A_162 = tpu.memref_slice %arg14[%dma_wait3A_160, %dma_wait3A_161] : memref<10240x64xf32, #tpu.memory_space<vmem_shared>> -> memref<10240x64xf32, #tpu.memory_space<vmem_shared>>
    tpu.wait_indirect_dma semaphore(%arg23 : memref<!tpu.dma_semaphore, #tpu.memory_space<semaphore_mem>>) src(%arg11 : memref<125x64xf32, #tpu.memory_space<vmem>>) dst(%dma_wait3A_162 : memref<10240x64xf32, #tpu.memory_space<vmem_shared>>)
    %dma_wait3A_163 = arith.constant 79 : i32
    %dma_wait3A_164 = arith.constant 0 : i32
    %dma_wait3A_165 = tpu.memref_slice %arg7[%dma_wait3A_163, %dma_wait3A_164] : memref<80x125xi32, #tpu.memory_space<vmem>> -> memref<1x125xi32, #tpu.memory_space<vmem>>
    %dma_wait3A_166 = tpu.memref_squeeze %dma_wait3A_165 : memref<1x125xi32, #tpu.memory_space<vmem>> -> memref<125xi32, #tpu.memory_space<vmem>>
    %dma_wait3A_167 = arith.constant 0 : i32
    %dma_wait3A_168 = arith.constant 0 : i32
    %dma_wait3A_169 = tpu.memref_slice %arg14[%dma_wait3A_167, %dma_wait3A_168] : memref<10240x64xf32, #tpu.memory_space<vmem_shared>> -> memref<10240x64xf32, #tpu.memory_space<vmem_shared>>
    tpu.wait_indirect_dma semaphore(%arg24 : memref<!tpu.dma_semaphore, #tpu.memory_space<semaphore_mem>>) src(%arg12 : memref<125x64xf32, #tpu.memory_space<vmem>>) dst(%dma_wait3A_169 : memref<10240x64xf32, #tpu.memory_space<vmem_shared>>)
    %barrier3A_170 = arith.constant 0 : index
    tpu.barrier barrier_id(%barrier3A_170)
    %eq3A = arith.constant 0 : i32
    %eq3A_171 = arith.cmpi eq, %arg0, %eq3A : i32
    %convert_element_type3A = arith.extui %eq3A_171 : i1 to i32
    %cond3A = arith.constant 0 : i32
    %cond3A_172 = arith.cmpi ne, %convert_element_type3A, %cond3A : i32
    scf.if %cond3A_172 {
      "tpu.region"() ({
        %run_scoped3A = tpu.sem_alloc : memref<!tpu.dma_semaphore, #tpu.memory_space<semaphore_mem>>
        %dma_start3A_178 = arith.constant 0 : i32
        %dma_start3A_179 = tpu.memref_slice %arg4[%mul3A_26, %dma_start3A_178] : memref<10240x128xf32, #tpu.memory_space<hbm>> -> memref<640x64xf32, #tpu.memory_space<hbm>>
        %dma_start3A_180 = arith.constant 0 : i32
        %dma_start3A_181 = tpu.memref_slice %arg14[%mul3A_26, %dma_start3A_180] : memref<10240x64xf32, #tpu.memory_space<vmem_shared>> -> memref<640x64xf32, #tpu.memory_space<vmem_shared>>
        tpu.enqueue_dma source(%dma_start3A_181 : memref<640x64xf32, #tpu.memory_space<vmem_shared>>) target(%dma_start3A_179 : memref<640x64xf32, #tpu.memory_space<hbm>>) target_semaphore(%run_scoped3A : memref<!tpu.dma_semaphore, #tpu.memory_space<semaphore_mem>>)
        %dma_wait3A_182 = arith.constant 0 : i32
        %dma_wait3A_183 = tpu.memref_slice %arg4[%mul3A_26, %dma_wait3A_182] : memref<10240x128xf32, #tpu.memory_space<hbm>> -> memref<640x64xf32, #tpu.memory_space<hbm>>
        %dma_wait3A_184 = arith.constant 0 : i32
        %dma_wait3A_185 = tpu.memref_slice %arg14[%mul3A_26, %dma_wait3A_184] : memref<10240x64xf32, #tpu.memory_space<vmem_shared>> -> memref<640x64xf32, #tpu.memory_space<vmem_shared>>
        tpu.wait_dma2 semaphore(%run_scoped3A : memref<!tpu.dma_semaphore, #tpu.memory_space<semaphore_mem>>) src(%dma_wait3A_185 : memref<640x64xf32, #tpu.memory_space<vmem_shared>>) dst(%dma_wait3A_183 : memref<640x64xf32, #tpu.memory_space<hbm>>)
        tpu.yield
      }) : () -> ()
    } else {
    }
    %eq3A_173 = arith.constant 1 : i32
    %eq3A_174 = arith.cmpi eq, %arg0, %eq3A_173 : i32
    %convert_element_type3A_175 = arith.extui %eq3A_174 : i1 to i32
    %cond3A_176 = arith.constant 0 : i32
    %cond3A_177 = arith.cmpi ne, %convert_element_type3A_175, %cond3A_176 : i32
    scf.if %cond3A_177 {
      "tpu.region"() ({
        %run_scoped3A = tpu.sem_alloc : memref<!tpu.dma_semaphore, #tpu.memory_space<semaphore_mem>>
        %dma_start3A_178 = arith.constant 0 : i32
        %dma_start3A_179 = tpu.memref_slice %arg5[%mul3A_26, %dma_start3A_178] : memref<10240x128xf32, #tpu.memory_space<hbm>> -> memref<640x64xf32, #tpu.memory_space<hbm>>
        %dma_start3A_180 = arith.constant 0 : i32
        %dma_start3A_181 = tpu.memref_slice %arg14[%mul3A_26, %dma_start3A_180] : memref<10240x64xf32, #tpu.memory_space<vmem_shared>> -> memref<640x64xf32, #tpu.memory_space<vmem_shared>>
        tpu.enqueue_dma source(%dma_start3A_181 : memref<640x64xf32, #tpu.memory_space<vmem_shared>>) target(%dma_start3A_179 : memref<640x64xf32, #tpu.memory_space<hbm>>) target_semaphore(%run_scoped3A : memref<!tpu.dma_semaphore, #tpu.memory_space<semaphore_mem>>)
        %dma_wait3A_182 = arith.constant 0 : i32
        %dma_wait3A_183 = tpu.memref_slice %arg5[%mul3A_26, %dma_wait3A_182] : memref<10240x128xf32, #tpu.memory_space<hbm>> -> memref<640x64xf32, #tpu.memory_space<hbm>>
        %dma_wait3A_184 = arith.constant 0 : i32
        %dma_wait3A_185 = tpu.memref_slice %arg14[%mul3A_26, %dma_wait3A_184] : memref<10240x64xf32, #tpu.memory_space<vmem_shared>> -> memref<640x64xf32, #tpu.memory_space<vmem_shared>>
        tpu.wait_dma2 semaphore(%run_scoped3A : memref<!tpu.dma_semaphore, #tpu.memory_space<semaphore_mem>>) src(%dma_wait3A_185 : memref<640x64xf32, #tpu.memory_space<vmem_shared>>) dst(%dma_wait3A_183 : memref<640x64xf32, #tpu.memory_space<hbm>>)
        tpu.yield
      }) : () -> ()
    } else {
    }
    return
  }
}

#map = affine_map<(d0, d1) -> (0, 0, 0)>
#map1 = affine_map<(d0, d1) -> (0, 0)>
module attributes {stable_mosaic.version = 14 : i64} {
  func.func @k(%arg0: i32, %arg1: i32, %arg2: memref<2x2560x125xi32, #tpu.memory_space<hbm>>, %arg3: memref<10240x128xf32, #tpu.memory_space<hbm>>, %arg4: memref<10240x128xf32, #tpu.memory_space<hbm>>, %arg5: memref<80x125xi32, #tpu.memory_space<vmem>>, %arg6: memref<125x16xf32, #tpu.memory_space<vmem>>, %arg7: memref<128x16xf32, #tpu.memory_space<vmem>>, %arg8: memref<10240x16xf32, #tpu.memory_space<vmem_shared>>, %arg9: memref<!tpu.dma_semaphore, #tpu.memory_space<semaphore_mem>>, %arg10: memref<!tpu.dma_semaphore, #tpu.memory_space<semaphore_mem>>, %arg11: memref<!tpu.dma_semaphore, #tpu.memory_space<semaphore_mem>>, %arg12: memref<!tpu.dma_semaphore, #tpu.memory_space<semaphore_mem>>, %arg13: memref<!tpu.dma_semaphore, #tpu.memory_space<semaphore_mem>>, %arg14: memref<!tpu.dma_semaphore, #tpu.memory_space<semaphore_mem>>) attributes {dimension_semantics = [#tpu.dimension_semantics<core_parallel>, #tpu.dimension_semantics<subcore_parallel>], iteration_bounds = array<i64: 2, 16>, scalar_prefetch = 0 : i64, scratch_operands = 10 : i64, tpu.core_type = #tpu.core_type<sc_vector_subcore>, window_params = [{transform_indices = #map}, {transform_indices = #map1}, {transform_indices = #map1}]} {
    %mul3A = arith.constant 2 : i32
    %mul3A_0 = arith.muli %arg1, %mul3A : i32
    %add3A = arith.addi %mul3A_0, %arg0 : i32
    %mul3A_1 = arith.constant 80 : i32
    %mul3A_2 = arith.muli %add3A, %mul3A_1 : i32
    %dma_start3A = arith.constant 1 : i32
    %dma_start3A_3 = arith.constant 0 : i32
    %dma_start3A_4 = tpu.memref_slice %arg2[%dma_start3A, %mul3A_2, %dma_start3A_3] : memref<2x2560x125xi32, #tpu.memory_space<hbm>> -> memref<1x80x125xi32, #tpu.memory_space<hbm>>
    %dma_start3A_5 = tpu.memref_squeeze %dma_start3A_4 : memref<1x80x125xi32, #tpu.memory_space<hbm>> -> memref<80x125xi32, #tpu.memory_space<hbm>>
    %dma_start3A_6 = arith.constant 0 : i32
    %dma_start3A_7 = tpu.memref_slice %arg2[%dma_start3A, %mul3A_2, %dma_start3A_6] : memref<2x2560x125xi32, #tpu.memory_space<hbm>> -> memref<1x80x125xi32, #tpu.memory_space<hbm>>
    %dma_start3A_8 = tpu.memref_squeeze %dma_start3A_7 : memref<1x80x125xi32, #tpu.memory_space<hbm>> -> memref<80x125xi32, #tpu.memory_space<hbm>>
    tpu.enqueue_dma source(%dma_start3A_8 : memref<80x125xi32, #tpu.memory_space<hbm>>) target(%arg5 : memref<80x125xi32, #tpu.memory_space<vmem>>) target_semaphore(%arg14 : memref<!tpu.dma_semaphore, #tpu.memory_space<semaphore_mem>>)
    %broadcast_in_dim3A = arith.constant 0.000000e+00 : f32
    %broadcast_in_dim3A_9 = vector.broadcast %broadcast_in_dim3A : f32 to vector<16xf32>
    %scan3A = arith.constant 0 : i32
    %scan3A_10 = arith.constant 0 : i32
    %scan3A_11 = arith.constant 128 : i32
    %scan3A_12 = arith.addi %scan3A_10, %scan3A_11 : i32
    %scan3A_13 = arith.constant 1 : i32
    %scan3A_14 = scf.for %scan3A_136 = %scan3A_10 to %scan3A_12 step %scan3A_13 iter_args(%scan3A_137 = %scan3A) -> (i32)  : i32 {
      %swap3A = arith.index_cast %scan3A_136 : i32 to index
      %swap3A_138 = arith.constant 0 : index
      %swap3A_139 = tpu.vector_load %arg7[%swap3A, %swap3A_138] {strides = array<i32>} : memref<128x16xf32, #tpu.memory_space<vmem>>, vector<1x16xf32>,
      %swap3A_140 = vector.shape_cast %swap3A_139 : vector<1x16xf32> to vector<16xf32>
      %swap3A_141 = vector.shape_cast %broadcast_in_dim3A_9 : vector<16xf32> to vector<1x16xf32>
      tpu.vector_store %arg7[%swap3A, %swap3A_138], %swap3A_141 {strides = array<i32>} : memref<128x16xf32, #tpu.memory_space<vmem>>, vector<1x16xf32>,
      %scan3A_142 = arith.constant 0 : i32
      scf.yield %scan3A_142 : i32
    }
    %scan3A_15 = arith.constant 128 : i32
    %mul3A_16 = arith.constant 640 : i32
    %mul3A_17 = arith.muli %arg1, %mul3A_16 : i32
    %add3A_18 = arith.constant 0 : i32
    %add3A_19 = arith.addi %mul3A_17, %add3A_18 : i32
    %dma_start3A_20 = arith.constant 0 : i32
    %dma_start3A_21 = tpu.memref_slice %arg8[%add3A_19, %dma_start3A_20] : memref<10240x16xf32, #tpu.memory_space<vmem_shared>> -> memref<128x16xf32, #tpu.memory_space<vmem_shared>>
    %dma_start3A_22 = arith.constant 0 : i32
    %dma_start3A_23 = tpu.memref_slice %arg8[%add3A_19, %dma_start3A_22] : memref<10240x16xf32, #tpu.memory_space<vmem_shared>> -> memref<128x16xf32, #tpu.memory_space<vmem_shared>>
    tpu.enqueue_dma source(%arg7 : memref<128x16xf32, #tpu.memory_space<vmem>>) target(%dma_start3A_23 : memref<128x16xf32, #tpu.memory_space<vmem_shared>>) target_semaphore(%arg13 : memref<!tpu.dma_semaphore, #tpu.memory_space<semaphore_mem>>)
    %add3A_24 = arith.constant 128 : i32
    %add3A_25 = arith.addi %mul3A_17, %add3A_24 : i32
    %dma_start3A_26 = arith.constant 0 : i32
    %dma_start3A_27 = tpu.memref_slice %arg8[%add3A_25, %dma_start3A_26] : memref<10240x16xf32, #tpu.memory_space<vmem_shared>> -> memref<128x16xf32, #tpu.memory_space<vmem_shared>>
    %dma_start3A_28 = arith.constant 0 : i32
    %dma_start3A_29 = tpu.memref_slice %arg8[%add3A_25, %dma_start3A_28] : memref<10240x16xf32, #tpu.memory_space<vmem_shared>> -> memref<128x16xf32, #tpu.memory_space<vmem_shared>>
    tpu.enqueue_dma source(%arg7 : memref<128x16xf32, #tpu.memory_space<vmem>>) target(%dma_start3A_29 : memref<128x16xf32, #tpu.memory_space<vmem_shared>>) target_semaphore(%arg13 : memref<!tpu.dma_semaphore, #tpu.memory_space<semaphore_mem>>)
    %add3A_30 = arith.constant 256 : i32
    %add3A_31 = arith.addi %mul3A_17, %add3A_30 : i32
    %dma_start3A_32 = arith.constant 0 : i32
    %dma_start3A_33 = tpu.memref_slice %arg8[%add3A_31, %dma_start3A_32] : memref<10240x16xf32, #tpu.memory_space<vmem_shared>> -> memref<128x16xf32, #tpu.memory_space<vmem_shared>>
    %dma_start3A_34 = arith.constant 0 : i32
    %dma_start3A_35 = tpu.memref_slice %arg8[%add3A_31, %dma_start3A_34] : memref<10240x16xf32, #tpu.memory_space<vmem_shared>> -> memref<128x16xf32, #tpu.memory_space<vmem_shared>>
    tpu.enqueue_dma source(%arg7 : memref<128x16xf32, #tpu.memory_space<vmem>>) target(%dma_start3A_35 : memref<128x16xf32, #tpu.memory_space<vmem_shared>>) target_semaphore(%arg13 : memref<!tpu.dma_semaphore, #tpu.memory_space<semaphore_mem>>)
    %add3A_36 = arith.constant 384 : i32
    %add3A_37 = arith.addi %mul3A_17, %add3A_36 : i32
    %dma_start3A_38 = arith.constant 0 : i32
    %dma_start3A_39 = tpu.memref_slice %arg8[%add3A_37, %dma_start3A_38] : memref<10240x16xf32, #tpu.memory_space<vmem_shared>> -> memref<128x16xf32, #tpu.memory_space<vmem_shared>>
    %dma_start3A_40 = arith.constant 0 : i32
    %dma_start3A_41 = tpu.memref_slice %arg8[%add3A_37, %dma_start3A_40] : memref<10240x16xf32, #tpu.memory_space<vmem_shared>> -> memref<128x16xf32, #tpu.memory_space<vmem_shared>>
    tpu.enqueue_dma source(%arg7 : memref<128x16xf32, #tpu.memory_space<vmem>>) target(%dma_start3A_41 : memref<128x16xf32, #tpu.memory_space<vmem_shared>>) target_semaphore(%arg13 : memref<!tpu.dma_semaphore, #tpu.memory_space<semaphore_mem>>)
    %add3A_42 = arith.constant 512 : i32
    %add3A_43 = arith.addi %mul3A_17, %add3A_42 : i32
    %dma_start3A_44 = arith.constant 0 : i32
    %dma_start3A_45 = tpu.memref_slice %arg8[%add3A_43, %dma_start3A_44] : memref<10240x16xf32, #tpu.memory_space<vmem_shared>> -> memref<128x16xf32, #tpu.memory_space<vmem_shared>>
    %dma_start3A_46 = arith.constant 0 : i32
    %dma_start3A_47 = tpu.memref_slice %arg8[%add3A_43, %dma_start3A_46] : memref<10240x16xf32, #tpu.memory_space<vmem_shared>> -> memref<128x16xf32, #tpu.memory_space<vmem_shared>>
    tpu.enqueue_dma source(%arg7 : memref<128x16xf32, #tpu.memory_space<vmem>>) target(%dma_start3A_47 : memref<128x16xf32, #tpu.memory_space<vmem_shared>>) target_semaphore(%arg13 : memref<!tpu.dma_semaphore, #tpu.memory_space<semaphore_mem>>)
    %broadcast_in_dim3A_48 = arith.constant 1.000000e+00 : f32
    %broadcast_in_dim3A_49 = vector.broadcast %broadcast_in_dim3A_48 : f32 to vector<16xf32>
    %scan3A_50 = arith.constant 0 : i32
    %scan3A_51 = arith.constant 0 : i32
    %scan3A_52 = arith.constant 125 : i32
    %scan3A_53 = arith.addi %scan3A_51, %scan3A_52 : i32
    %scan3A_54 = arith.constant 1 : i32
    %scan3A_55 = scf.for %scan3A_136 = %scan3A_51 to %scan3A_53 step %scan3A_54 iter_args(%scan3A_137 = %scan3A_50) -> (i32)  : i32 {
      %swap3A = arith.index_cast %scan3A_136 : i32 to index
      %swap3A_138 = arith.constant 0 : index
      %swap3A_139 = tpu.vector_load %arg6[%swap3A, %swap3A_138] {strides = array<i32>} : memref<125x16xf32, #tpu.memory_space<vmem>>, vector<1x16xf32>,
      %swap3A_140 = vector.shape_cast %swap3A_139 : vector<1x16xf32> to vector<16xf32>
      %swap3A_141 = vector.shape_cast %broadcast_in_dim3A_49 : vector<16xf32> to vector<1x16xf32>
      tpu.vector_store %arg6[%swap3A, %swap3A_138], %swap3A_141 {strides = array<i32>} : memref<125x16xf32, #tpu.memory_space<vmem>>, vector<1x16xf32>,
      %scan3A_142 = arith.constant 0 : i32
      scf.yield %scan3A_142 : i32
    }
    %scan3A_56 = arith.constant 125 : i32
    %add3A_57 = arith.constant 0 : i32
    %add3A_58 = arith.addi %mul3A_17, %add3A_57 : i32
    %dma_wait3A = arith.constant 0 : i32
    %dma_wait3A_59 = tpu.memref_slice %arg8[%add3A_58, %dma_wait3A] : memref<10240x16xf32, #tpu.memory_space<vmem_shared>> -> memref<128x16xf32, #tpu.memory_space<vmem_shared>>
    %dma_wait3A_60 = arith.constant 0 : i32
    %dma_wait3A_61 = tpu.memref_slice %arg8[%add3A_58, %dma_wait3A_60] : memref<10240x16xf32, #tpu.memory_space<vmem_shared>> -> memref<128x16xf32, #tpu.memory_space<vmem_shared>>
    tpu.wait_dma2 semaphore(%arg13 : memref<!tpu.dma_semaphore, #tpu.memory_space<semaphore_mem>>) src(%arg7 : memref<128x16xf32, #tpu.memory_space<vmem>>) dst(%dma_wait3A_61 : memref<128x16xf32, #tpu.memory_space<vmem_shared>>)
    %add3A_62 = arith.constant 128 : i32
    %add3A_63 = arith.addi %mul3A_17, %add3A_62 : i32
    %dma_wait3A_64 = arith.constant 0 : i32
    %dma_wait3A_65 = tpu.memref_slice %arg8[%add3A_63, %dma_wait3A_64] : memref<10240x16xf32, #tpu.memory_space<vmem_shared>> -> memref<128x16xf32, #tpu.memory_space<vmem_shared>>
    %dma_wait3A_66 = arith.constant 0 : i32
    %dma_wait3A_67 = tpu.memref_slice %arg8[%add3A_63, %dma_wait3A_66] : memref<10240x16xf32, #tpu.memory_space<vmem_shared>> -> memref<128x16xf32, #tpu.memory_space<vmem_shared>>
    tpu.wait_dma2 semaphore(%arg13 : memref<!tpu.dma_semaphore, #tpu.memory_space<semaphore_mem>>) src(%arg7 : memref<128x16xf32, #tpu.memory_space<vmem>>) dst(%dma_wait3A_67 : memref<128x16xf32, #tpu.memory_space<vmem_shared>>)
    %add3A_68 = arith.constant 256 : i32
    %add3A_69 = arith.addi %mul3A_17, %add3A_68 : i32
    %dma_wait3A_70 = arith.constant 0 : i32
    %dma_wait3A_71 = tpu.memref_slice %arg8[%add3A_69, %dma_wait3A_70] : memref<10240x16xf32, #tpu.memory_space<vmem_shared>> -> memref<128x16xf32, #tpu.memory_space<vmem_shared>>
    %dma_wait3A_72 = arith.constant 0 : i32
    %dma_wait3A_73 = tpu.memref_slice %arg8[%add3A_69, %dma_wait3A_72] : memref<10240x16xf32, #tpu.memory_space<vmem_shared>> -> memref<128x16xf32, #tpu.memory_space<vmem_shared>>
    tpu.wait_dma2 semaphore(%arg13 : memref<!tpu.dma_semaphore, #tpu.memory_space<semaphore_mem>>) src(%arg7 : memref<128x16xf32, #tpu.memory_space<vmem>>) dst(%dma_wait3A_73 : memref<128x16xf32, #tpu.memory_space<vmem_shared>>)
    %add3A_74 = arith.constant 384 : i32
    %add3A_75 = arith.addi %mul3A_17, %add3A_74 : i32
    %dma_wait3A_76 = arith.constant 0 : i32
    %dma_wait3A_77 = tpu.memref_slice %arg8[%add3A_75, %dma_wait3A_76] : memref<10240x16xf32, #tpu.memory_space<vmem_shared>> -> memref<128x16xf32, #tpu.memory_space<vmem_shared>>
    %dma_wait3A_78 = arith.constant 0 : i32
    %dma_wait3A_79 = tpu.memref_slice %arg8[%add3A_75, %dma_wait3A_78] : memref<10240x16xf32, #tpu.memory_space<vmem_shared>> -> memref<128x16xf32, #tpu.memory_space<vmem_shared>>
    tpu.wait_dma2 semaphore(%arg13 : memref<!tpu.dma_semaphore, #tpu.memory_space<semaphore_mem>>) src(%arg7 : memref<128x16xf32, #tpu.memory_space<vmem>>) dst(%dma_wait3A_79 : memref<128x16xf32, #tpu.memory_space<vmem_shared>>)
    %add3A_80 = arith.constant 512 : i32
    %add3A_81 = arith.addi %mul3A_17, %add3A_80 : i32
    %dma_wait3A_82 = arith.constant 0 : i32
    %dma_wait3A_83 = tpu.memref_slice %arg8[%add3A_81, %dma_wait3A_82] : memref<10240x16xf32, #tpu.memory_space<vmem_shared>> -> memref<128x16xf32, #tpu.memory_space<vmem_shared>>
    %dma_wait3A_84 = arith.constant 0 : i32
    %dma_wait3A_85 = tpu.memref_slice %arg8[%add3A_81, %dma_wait3A_84] : memref<10240x16xf32, #tpu.memory_space<vmem_shared>> -> memref<128x16xf32, #tpu.memory_space<vmem_shared>>
    tpu.wait_dma2 semaphore(%arg13 : memref<!tpu.dma_semaphore, #tpu.memory_space<semaphore_mem>>) src(%arg7 : memref<128x16xf32, #tpu.memory_space<vmem>>) dst(%dma_wait3A_85 : memref<128x16xf32, #tpu.memory_space<vmem_shared>>)
    %dma_wait3A_86 = arith.constant 1 : i32
    %dma_wait3A_87 = arith.constant 0 : i32
    %dma_wait3A_88 = tpu.memref_slice %arg2[%dma_wait3A_86, %mul3A_2, %dma_wait3A_87] : memref<2x2560x125xi32, #tpu.memory_space<hbm>> -> memref<1x80x125xi32, #tpu.memory_space<hbm>>
    %dma_wait3A_89 = tpu.memref_squeeze %dma_wait3A_88 : memref<1x80x125xi32, #tpu.memory_space<hbm>> -> memref<80x125xi32, #tpu.memory_space<hbm>>
    %dma_wait3A_90 = arith.constant 0 : i32
    %dma_wait3A_91 = tpu.memref_slice %arg2[%dma_wait3A_86, %mul3A_2, %dma_wait3A_90] : memref<2x2560x125xi32, #tpu.memory_space<hbm>> -> memref<1x80x125xi32, #tpu.memory_space<hbm>>
    %dma_wait3A_92 = tpu.memref_squeeze %dma_wait3A_91 : memref<1x80x125xi32, #tpu.memory_space<hbm>> -> memref<80x125xi32, #tpu.memory_space<hbm>>
    tpu.wait_dma2 semaphore(%arg14 : memref<!tpu.dma_semaphore, #tpu.memory_space<semaphore_mem>>) src(%dma_wait3A_92 : memref<80x125xi32, #tpu.memory_space<hbm>>) dst(%arg5 : memref<80x125xi32, #tpu.memory_space<vmem>>)
    %barrier3A = arith.constant 0 : index
    tpu.barrier barrier_id(%barrier3A)
    %scan3A_93 = arith.constant 0 : i32
    %scan3A_94 = arith.constant 0 : i32
    %scan3A_95 = arith.constant 20 : i32
    %scan3A_96 = arith.addi %scan3A_94, %scan3A_95 : i32
    %scan3A_97 = arith.constant 1 : i32
    %scan3A_98 = scf.for %scan3A_136 = %scan3A_94 to %scan3A_96 step %scan3A_97 iter_args(%scan3A_137 = %scan3A_93) -> (i32)  : i32 {
      %mul3A_138 = arith.constant 4 : i32
      %mul3A_139 = arith.muli %mul3A_138, %scan3A_136 : i32
      %add3A_140 = arith.constant 0 : i32
      %add3A_141 = arith.addi %mul3A_139, %add3A_140 : i32
      %ge3A = arith.constant 4 : i32
      %ge3A_142 = arith.cmpi sge, %add3A_141, %ge3A : i32
      %convert_element_type3A_143 = arith.extui %ge3A_142 : i1 to i32
      %cond3A_144 = arith.constant 0 : i32
      %cond3A_145 = arith.cmpi ne, %convert_element_type3A_143, %cond3A_144 : i32
      scf.if %cond3A_145 {
        %sub3A = arith.constant 4 : i32
        %sub3A_192 = arith.subi %add3A_141, %sub3A : i32
        %dma_wait3A_193 = arith.constant 0 : i32
        %dma_wait3A_194 = tpu.memref_slice %arg5[%sub3A_192, %dma_wait3A_193] : memref<80x125xi32, #tpu.memory_space<vmem>> -> memref<1x125xi32, #tpu.memory_space<vmem>>
        %dma_wait3A_195 = tpu.memref_squeeze %dma_wait3A_194 : memref<1x125xi32, #tpu.memory_space<vmem>> -> memref<125xi32, #tpu.memory_space<vmem>>
        %dma_wait3A_196 = arith.constant 0 : i32
        %dma_wait3A_197 = arith.constant 0 : i32
        %dma_wait3A_198 = tpu.memref_slice %arg8[%dma_wait3A_196, %dma_wait3A_197] : memref<10240x16xf32, #tpu.memory_space<vmem_shared>> -> memref<10240x16xf32, #tpu.memory_space<vmem_shared>>
        tpu.wait_indirect_dma semaphore(%arg9 : memref<!tpu.dma_semaphore, #tpu.memory_space<semaphore_mem>>) src(%arg6 : memref<125x16xf32, #tpu.memory_space<vmem>>) dst(%dma_wait3A_198 : memref<10240x16xf32, #tpu.memory_space<vmem_shared>>)
      } else {
      }
      %dma_start3A_146 = arith.constant 0 : i32
      %dma_start3A_147 = tpu.memref_slice %arg5[%add3A_141, %dma_start3A_146] : memref<80x125xi32, #tpu.memory_space<vmem>> -> memref<1x125xi32, #tpu.memory_space<vmem>>
      %dma_start3A_148 = tpu.memref_squeeze %dma_start3A_147 : memref<1x125xi32, #tpu.memory_space<vmem>> -> memref<125xi32, #tpu.memory_space<vmem>>
      %dma_start3A_149 = arith.constant 0 : i32
      %dma_start3A_150 = arith.constant 0 : i32
      %dma_start3A_151 = tpu.memref_slice %arg8[%dma_start3A_149, %dma_start3A_150] : memref<10240x16xf32, #tpu.memory_space<vmem_shared>> -> memref<10240x16xf32, #tpu.memory_space<vmem_shared>>
      tpu.enqueue_indirect_dma source(%arg6 : memref<125x16xf32, #tpu.memory_space<vmem>>) target(%dma_start3A_151 : memref<10240x16xf32, #tpu.memory_space<vmem_shared>>) offsets(%dma_start3A_148 : memref<125xi32, #tpu.memory_space<vmem>>) semaphore(%arg9 : memref<!tpu.dma_semaphore, #tpu.memory_space<semaphore_mem>>) {add = true}
      %add3A_152 = arith.constant 1 : i32
      %add3A_153 = arith.addi %mul3A_139, %add3A_152 : i32
      %ge3A_154 = arith.constant 4 : i32
      %ge3A_155 = arith.cmpi sge, %add3A_153, %ge3A_154 : i32
      %convert_element_type3A_156 = arith.extui %ge3A_155 : i1 to i32
      %cond3A_157 = arith.constant 0 : i32
      %cond3A_158 = arith.cmpi ne, %convert_element_type3A_156, %cond3A_157 : i32
      scf.if %cond3A_158 {
        %sub3A = arith.constant 4 : i32
        %sub3A_192 = arith.subi %add3A_153, %sub3A : i32
        %dma_wait3A_193 = arith.constant 0 : i32
        %dma_wait3A_194 = tpu.memref_slice %arg5[%sub3A_192, %dma_wait3A_193] : memref<80x125xi32, #tpu.memory_space<vmem>> -> memref<1x125xi32, #tpu.memory_space<vmem>>
        %dma_wait3A_195 = tpu.memref_squeeze %dma_wait3A_194 : memref<1x125xi32, #tpu.memory_space<vmem>> -> memref<125xi32, #tpu.memory_space<vmem>>
        %dma_wait3A_196 = arith.constant 0 : i32
        %dma_wait3A_197 = arith.constant 0 : i32
        %dma_wait3A_198 = tpu.memref_slice %arg8[%dma_wait3A_196, %dma_wait3A_197] : memref<10240x16xf32, #tpu.memory_space<vmem_shared>> -> memref<10240x16xf32, #tpu.memory_space<vmem_shared>>
        tpu.wait_indirect_dma semaphore(%arg10 : memref<!tpu.dma_semaphore, #tpu.memory_space<semaphore_mem>>) src(%arg6 : memref<125x16xf32, #tpu.memory_space<vmem>>) dst(%dma_wait3A_198 : memref<10240x16xf32, #tpu.memory_space<vmem_shared>>)
      } else {
      }
      %dma_start3A_159 = arith.constant 0 : i32
      %dma_start3A_160 = tpu.memref_slice %arg5[%add3A_153, %dma_start3A_159] : memref<80x125xi32, #tpu.memory_space<vmem>> -> memref<1x125xi32, #tpu.memory_space<vmem>>
      %dma_start3A_161 = tpu.memref_squeeze %dma_start3A_160 : memref<1x125xi32, #tpu.memory_space<vmem>> -> memref<125xi32, #tpu.memory_space<vmem>>
      %dma_start3A_162 = arith.constant 0 : i32
      %dma_start3A_163 = arith.constant 0 : i32
      %dma_start3A_164 = tpu.memref_slice %arg8[%dma_start3A_162, %dma_start3A_163] : memref<10240x16xf32, #tpu.memory_space<vmem_shared>> -> memref<10240x16xf32, #tpu.memory_space<vmem_shared>>
      tpu.enqueue_indirect_dma source(%arg6 : memref<125x16xf32, #tpu.memory_space<vmem>>) target(%dma_start3A_164 : memref<10240x16xf32, #tpu.memory_space<vmem_shared>>) offsets(%dma_start3A_161 : memref<125xi32, #tpu.memory_space<vmem>>) semaphore(%arg10 : memref<!tpu.dma_semaphore, #tpu.memory_space<semaphore_mem>>) {add = true}
      %add3A_165 = arith.constant 2 : i32
      %add3A_166 = arith.addi %mul3A_139, %add3A_165 : i32
      %ge3A_167 = arith.constant 4 : i32
      %ge3A_168 = arith.cmpi sge, %add3A_166, %ge3A_167 : i32
      %convert_element_type3A_169 = arith.extui %ge3A_168 : i1 to i32
      %cond3A_170 = arith.constant 0 : i32
      %cond3A_171 = arith.cmpi ne, %convert_element_type3A_169, %cond3A_170 : i32
      scf.if %cond3A_171 {
        %sub3A = arith.constant 4 : i32
        %sub3A_192 = arith.subi %add3A_166, %sub3A : i32
        %dma_wait3A_193 = arith.constant 0 : i32
        %dma_wait3A_194 = tpu.memref_slice %arg5[%sub3A_192, %dma_wait3A_193] : memref<80x125xi32, #tpu.memory_space<vmem>> -> memref<1x125xi32, #tpu.memory_space<vmem>>
        %dma_wait3A_195 = tpu.memref_squeeze %dma_wait3A_194 : memref<1x125xi32, #tpu.memory_space<vmem>> -> memref<125xi32, #tpu.memory_space<vmem>>
        %dma_wait3A_196 = arith.constant 0 : i32
        %dma_wait3A_197 = arith.constant 0 : i32
        %dma_wait3A_198 = tpu.memref_slice %arg8[%dma_wait3A_196, %dma_wait3A_197] : memref<10240x16xf32, #tpu.memory_space<vmem_shared>> -> memref<10240x16xf32, #tpu.memory_space<vmem_shared>>
        tpu.wait_indirect_dma semaphore(%arg11 : memref<!tpu.dma_semaphore, #tpu.memory_space<semaphore_mem>>) src(%arg6 : memref<125x16xf32, #tpu.memory_space<vmem>>) dst(%dma_wait3A_198 : memref<10240x16xf32, #tpu.memory_space<vmem_shared>>)
      } else {
      }
      %dma_start3A_172 = arith.constant 0 : i32
      %dma_start3A_173 = tpu.memref_slice %arg5[%add3A_166, %dma_start3A_172] : memref<80x125xi32, #tpu.memory_space<vmem>> -> memref<1x125xi32, #tpu.memory_space<vmem>>
      %dma_start3A_174 = tpu.memref_squeeze %dma_start3A_173 : memref<1x125xi32, #tpu.memory_space<vmem>> -> memref<125xi32, #tpu.memory_space<vmem>>
      %dma_start3A_175 = arith.constant 0 : i32
      %dma_start3A_176 = arith.constant 0 : i32
      %dma_start3A_177 = tpu.memref_slice %arg8[%dma_start3A_175, %dma_start3A_176] : memref<10240x16xf32, #tpu.memory_space<vmem_shared>> -> memref<10240x16xf32, #tpu.memory_space<vmem_shared>>
      tpu.enqueue_indirect_dma source(%arg6 : memref<125x16xf32, #tpu.memory_space<vmem>>) target(%dma_start3A_177 : memref<10240x16xf32, #tpu.memory_space<vmem_shared>>) offsets(%dma_start3A_174 : memref<125xi32, #tpu.memory_space<vmem>>) semaphore(%arg11 : memref<!tpu.dma_semaphore, #tpu.memory_space<semaphore_mem>>) {add = true}
      %add3A_178 = arith.constant 3 : i32
      %add3A_179 = arith.addi %mul3A_139, %add3A_178 : i32
      %ge3A_180 = arith.constant 4 : i32
      %ge3A_181 = arith.cmpi sge, %add3A_179, %ge3A_180 : i32
      %convert_element_type3A_182 = arith.extui %ge3A_181 : i1 to i32
      %cond3A_183 = arith.constant 0 : i32
      %cond3A_184 = arith.cmpi ne, %convert_element_type3A_182, %cond3A_183 : i32
      scf.if %cond3A_184 {
        %sub3A = arith.constant 4 : i32
        %sub3A_192 = arith.subi %add3A_179, %sub3A : i32
        %dma_wait3A_193 = arith.constant 0 : i32
        %dma_wait3A_194 = tpu.memref_slice %arg5[%sub3A_192, %dma_wait3A_193] : memref<80x125xi32, #tpu.memory_space<vmem>> -> memref<1x125xi32, #tpu.memory_space<vmem>>
        %dma_wait3A_195 = tpu.memref_squeeze %dma_wait3A_194 : memref<1x125xi32, #tpu.memory_space<vmem>> -> memref<125xi32, #tpu.memory_space<vmem>>
        %dma_wait3A_196 = arith.constant 0 : i32
        %dma_wait3A_197 = arith.constant 0 : i32
        %dma_wait3A_198 = tpu.memref_slice %arg8[%dma_wait3A_196, %dma_wait3A_197] : memref<10240x16xf32, #tpu.memory_space<vmem_shared>> -> memref<10240x16xf32, #tpu.memory_space<vmem_shared>>
        tpu.wait_indirect_dma semaphore(%arg12 : memref<!tpu.dma_semaphore, #tpu.memory_space<semaphore_mem>>) src(%arg6 : memref<125x16xf32, #tpu.memory_space<vmem>>) dst(%dma_wait3A_198 : memref<10240x16xf32, #tpu.memory_space<vmem_shared>>)
      } else {
      }
      %dma_start3A_185 = arith.constant 0 : i32
      %dma_start3A_186 = tpu.memref_slice %arg5[%add3A_179, %dma_start3A_185] : memref<80x125xi32, #tpu.memory_space<vmem>> -> memref<1x125xi32, #tpu.memory_space<vmem>>
      %dma_start3A_187 = tpu.memref_squeeze %dma_start3A_186 : memref<1x125xi32, #tpu.memory_space<vmem>> -> memref<125xi32, #tpu.memory_space<vmem>>
      %dma_start3A_188 = arith.constant 0 : i32
      %dma_start3A_189 = arith.constant 0 : i32
      %dma_start3A_190 = tpu.memref_slice %arg8[%dma_start3A_188, %dma_start3A_189] : memref<10240x16xf32, #tpu.memory_space<vmem_shared>> -> memref<10240x16xf32, #tpu.memory_space<vmem_shared>>
      tpu.enqueue_indirect_dma source(%arg6 : memref<125x16xf32, #tpu.memory_space<vmem>>) target(%dma_start3A_190 : memref<10240x16xf32, #tpu.memory_space<vmem_shared>>) offsets(%dma_start3A_187 : memref<125xi32, #tpu.memory_space<vmem>>) semaphore(%arg12 : memref<!tpu.dma_semaphore, #tpu.memory_space<semaphore_mem>>) {add = true}
      %scan3A_191 = arith.constant 0 : i32
      scf.yield %scan3A_191 : i32
    }
    %scan3A_99 = arith.constant 20 : i32
    %dma_wait3A_100 = arith.constant 76 : i32
    %dma_wait3A_101 = arith.constant 0 : i32
    %dma_wait3A_102 = tpu.memref_slice %arg5[%dma_wait3A_100, %dma_wait3A_101] : memref<80x125xi32, #tpu.memory_space<vmem>> -> memref<1x125xi32, #tpu.memory_space<vmem>>
    %dma_wait3A_103 = tpu.memref_squeeze %dma_wait3A_102 : memref<1x125xi32, #tpu.memory_space<vmem>> -> memref<125xi32, #tpu.memory_space<vmem>>
    %dma_wait3A_104 = arith.constant 0 : i32
    %dma_wait3A_105 = arith.constant 0 : i32
    %dma_wait3A_106 = tpu.memref_slice %arg8[%dma_wait3A_104, %dma_wait3A_105] : memref<10240x16xf32, #tpu.memory_space<vmem_shared>> -> memref<10240x16xf32, #tpu.memory_space<vmem_shared>>
    tpu.wait_indirect_dma semaphore(%arg9 : memref<!tpu.dma_semaphore, #tpu.memory_space<semaphore_mem>>) src(%arg6 : memref<125x16xf32, #tpu.memory_space<vmem>>) dst(%dma_wait3A_106 : memref<10240x16xf32, #tpu.memory_space<vmem_shared>>)
    %dma_wait3A_107 = arith.constant 77 : i32
    %dma_wait3A_108 = arith.constant 0 : i32
    %dma_wait3A_109 = tpu.memref_slice %arg5[%dma_wait3A_107, %dma_wait3A_108] : memref<80x125xi32, #tpu.memory_space<vmem>> -> memref<1x125xi32, #tpu.memory_space<vmem>>
    %dma_wait3A_110 = tpu.memref_squeeze %dma_wait3A_109 : memref<1x125xi32, #tpu.memory_space<vmem>> -> memref<125xi32, #tpu.memory_space<vmem>>
    %dma_wait3A_111 = arith.constant 0 : i32
    %dma_wait3A_112 = arith.constant 0 : i32
    %dma_wait3A_113 = tpu.memref_slice %arg8[%dma_wait3A_111, %dma_wait3A_112] : memref<10240x16xf32, #tpu.memory_space<vmem_shared>> -> memref<10240x16xf32, #tpu.memory_space<vmem_shared>>
    tpu.wait_indirect_dma semaphore(%arg10 : memref<!tpu.dma_semaphore, #tpu.memory_space<semaphore_mem>>) src(%arg6 : memref<125x16xf32, #tpu.memory_space<vmem>>) dst(%dma_wait3A_113 : memref<10240x16xf32, #tpu.memory_space<vmem_shared>>)
    %dma_wait3A_114 = arith.constant 78 : i32
    %dma_wait3A_115 = arith.constant 0 : i32
    %dma_wait3A_116 = tpu.memref_slice %arg5[%dma_wait3A_114, %dma_wait3A_115] : memref<80x125xi32, #tpu.memory_space<vmem>> -> memref<1x125xi32, #tpu.memory_space<vmem>>
    %dma_wait3A_117 = tpu.memref_squeeze %dma_wait3A_116 : memref<1x125xi32, #tpu.memory_space<vmem>> -> memref<125xi32, #tpu.memory_space<vmem>>
    %dma_wait3A_118 = arith.constant 0 : i32
    %dma_wait3A_119 = arith.constant 0 : i32
    %dma_wait3A_120 = tpu.memref_slice %arg8[%dma_wait3A_118, %dma_wait3A_119] : memref<10240x16xf32, #tpu.memory_space<vmem_shared>> -> memref<10240x16xf32, #tpu.memory_space<vmem_shared>>
    tpu.wait_indirect_dma semaphore(%arg11 : memref<!tpu.dma_semaphore, #tpu.memory_space<semaphore_mem>>) src(%arg6 : memref<125x16xf32, #tpu.memory_space<vmem>>) dst(%dma_wait3A_120 : memref<10240x16xf32, #tpu.memory_space<vmem_shared>>)
    %dma_wait3A_121 = arith.constant 79 : i32
    %dma_wait3A_122 = arith.constant 0 : i32
    %dma_wait3A_123 = tpu.memref_slice %arg5[%dma_wait3A_121, %dma_wait3A_122] : memref<80x125xi32, #tpu.memory_space<vmem>> -> memref<1x125xi32, #tpu.memory_space<vmem>>
    %dma_wait3A_124 = tpu.memref_squeeze %dma_wait3A_123 : memref<1x125xi32, #tpu.memory_space<vmem>> -> memref<125xi32, #tpu.memory_space<vmem>>
    %dma_wait3A_125 = arith.constant 0 : i32
    %dma_wait3A_126 = arith.constant 0 : i32
    %dma_wait3A_127 = tpu.memref_slice %arg8[%dma_wait3A_125, %dma_wait3A_126] : memref<10240x16xf32, #tpu.memory_space<vmem_shared>> -> memref<10240x16xf32, #tpu.memory_space<vmem_shared>>
    tpu.wait_indirect_dma semaphore(%arg12 : memref<!tpu.dma_semaphore, #tpu.memory_space<semaphore_mem>>) src(%arg6 : memref<125x16xf32, #tpu.memory_space<vmem>>) dst(%dma_wait3A_127 : memref<10240x16xf32, #tpu.memory_space<vmem_shared>>)
    %barrier3A_128 = arith.constant 0 : index
    tpu.barrier barrier_id(%barrier3A_128)
    %eq3A = arith.constant 0 : i32
    %eq3A_129 = arith.cmpi eq, %arg0, %eq3A : i32
    %convert_element_type3A = arith.extui %eq3A_129 : i1 to i32
    %cond3A = arith.constant 0 : i32
    %cond3A_130 = arith.cmpi ne, %convert_element_type3A, %cond3A : i32
    scf.if %cond3A_130 {
      "tpu.region"() ({
        %run_scoped3A = tpu.sem_alloc : memref<!tpu.dma_semaphore, #tpu.memory_space<semaphore_mem>>
        %dma_start3A_136 = arith.constant 0 : i32
        %dma_start3A_137 = tpu.memref_slice %arg3[%mul3A_17, %dma_start3A_136] : memref<10240x128xf32, #tpu.memory_space<hbm>> -> memref<640x16xf32, #tpu.memory_space<hbm>>
        %dma_start3A_138 = arith.constant 0 : i32
        %dma_start3A_139 = tpu.memref_slice %arg8[%mul3A_17, %dma_start3A_138] : memref<10240x16xf32, #tpu.memory_space<vmem_shared>> -> memref<640x16xf32, #tpu.memory_space<vmem_shared>>
        tpu.enqueue_dma source(%dma_start3A_139 : memref<640x16xf32, #tpu.memory_space<vmem_shared>>) target(%dma_start3A_137 : memref<640x16xf32, #tpu.memory_space<hbm>>) target_semaphore(%run_scoped3A : memref<!tpu.dma_semaphore, #tpu.memory_space<semaphore_mem>>)
        %dma_wait3A_140 = arith.constant 0 : i32
        %dma_wait3A_141 = tpu.memref_slice %arg3[%mul3A_17, %dma_wait3A_140] : memref<10240x128xf32, #tpu.memory_space<hbm>> -> memref<640x16xf32, #tpu.memory_space<hbm>>
        %dma_wait3A_142 = arith.constant 0 : i32
        %dma_wait3A_143 = tpu.memref_slice %arg8[%mul3A_17, %dma_wait3A_142] : memref<10240x16xf32, #tpu.memory_space<vmem_shared>> -> memref<640x16xf32, #tpu.memory_space<vmem_shared>>
        tpu.wait_dma2 semaphore(%run_scoped3A : memref<!tpu.dma_semaphore, #tpu.memory_space<semaphore_mem>>) src(%dma_wait3A_143 : memref<640x16xf32, #tpu.memory_space<vmem_shared>>) dst(%dma_wait3A_141 : memref<640x16xf32, #tpu.memory_space<hbm>>)
        tpu.yield
      }) : () -> ()
    } else {
    }
    %eq3A_131 = arith.constant 1 : i32
    %eq3A_132 = arith.cmpi eq, %arg0, %eq3A_131 : i32
    %convert_element_type3A_133 = arith.extui %eq3A_132 : i1 to i32
    %cond3A_134 = arith.constant 0 : i32
    %cond3A_135 = arith.cmpi ne, %convert_element_type3A_133, %cond3A_134 : i32
    scf.if %cond3A_135 {
      "tpu.region"() ({
        %run_scoped3A = tpu.sem_alloc : memref<!tpu.dma_semaphore, #tpu.memory_space<semaphore_mem>>
        %dma_start3A_136 = arith.constant 0 : i32
        %dma_start3A_137 = tpu.memref_slice %arg4[%mul3A_17, %dma_start3A_136] : memref<10240x128xf32, #tpu.memory_space<hbm>> -> memref<640x16xf32, #tpu.memory_space<hbm>>
        %dma_start3A_138 = arith.constant 0 : i32
        %dma_start3A_139 = tpu.memref_slice %arg8[%mul3A_17, %dma_start3A_138] : memref<10240x16xf32, #tpu.memory_space<vmem_shared>> -> memref<640x16xf32, #tpu.memory_space<vmem_shared>>
        tpu.enqueue_dma source(%dma_start3A_139 : memref<640x16xf32, #tpu.memory_space<vmem_shared>>) target(%dma_start3A_137 : memref<640x16xf32, #tpu.memory_space<hbm>>) target_semaphore(%run_scoped3A : memref<!tpu.dma_semaphore, #tpu.memory_space<semaphore_mem>>)
        %dma_wait3A_140 = arith.constant 0 : i32
        %dma_wait3A_141 = tpu.memref_slice %arg4[%mul3A_17, %dma_wait3A_140] : memref<10240x128xf32, #tpu.memory_space<hbm>> -> memref<640x16xf32, #tpu.memory_space<hbm>>
        %dma_wait3A_142 = arith.constant 0 : i32
        %dma_wait3A_143 = tpu.memref_slice %arg8[%mul3A_17, %dma_wait3A_142] : memref<10240x16xf32, #tpu.memory_space<vmem_shared>> -> memref<640x16xf32, #tpu.memory_space<vmem_shared>>
        tpu.wait_dma2 semaphore(%run_scoped3A : memref<!tpu.dma_semaphore, #tpu.memory_space<semaphore_mem>>) src(%dma_wait3A_143 : memref<640x16xf32, #tpu.memory_space<vmem_shared>>) dst(%dma_wait3A_141 : memref<640x16xf32, #tpu.memory_space<hbm>>)
        tpu.yield
      }) : () -> ()
    } else {
    }
    return
  }
}

#map = affine_map<(d0, d1) -> (0, 0)>
#map1 = affine_map<(d0, d1) -> (0, 0, 0)>
module attributes {stable_mosaic.version = 14 : i64} {
  func.func @k(%arg0: i32, %arg1: i32, %arg2: memref<10000x48xf32, #tpu.memory_space<hbm>>, %arg3: memref<2x2560x125xi32, #tpu.memory_space<hbm>>, %arg4: memref<10240x128xf32, #tpu.memory_space<hbm>>, %arg5: memref<10240x128xf32, #tpu.memory_space<hbm>>, %arg6: memref<80x125xi32, #tpu.memory_space<vmem>>, %arg7: memref<80x125xi32, #tpu.memory_space<vmem>>, %arg8: memref<125x48xf32, #tpu.memory_space<vmem>>, %arg9: memref<125x48xf32, #tpu.memory_space<vmem>>, %arg10: memref<125x48xf32, #tpu.memory_space<vmem>>, %arg11: memref<125x48xf32, #tpu.memory_space<vmem>>, %arg12: memref<125x48xf32, #tpu.memory_space<vmem>>, %arg13: memref<128x48xf32, #tpu.memory_space<vmem>>, %arg14: memref<10240x48xf32, #tpu.memory_space<vmem_shared>>, %arg15: memref<!tpu.dma_semaphore, #tpu.memory_space<semaphore_mem>>, %arg16: memref<!tpu.dma_semaphore, #tpu.memory_space<semaphore_mem>>, %arg17: memref<!tpu.dma_semaphore, #tpu.memory_space<semaphore_mem>>, %arg18: memref<!tpu.dma_semaphore, #tpu.memory_space<semaphore_mem>>, %arg19: memref<!tpu.dma_semaphore, #tpu.memory_space<semaphore_mem>>, %arg20: memref<!tpu.dma_semaphore, #tpu.memory_space<semaphore_mem>>, %arg21: memref<!tpu.dma_semaphore, #tpu.memory_space<semaphore_mem>>, %arg22: memref<!tpu.dma_semaphore, #tpu.memory_space<semaphore_mem>>, %arg23: memref<!tpu.dma_semaphore, #tpu.memory_space<semaphore_mem>>, %arg24: memref<!tpu.dma_semaphore, #tpu.memory_space<semaphore_mem>>, %arg25: memref<!tpu.dma_semaphore, #tpu.memory_space<semaphore_mem>>) attributes {dimension_semantics = [#tpu.dimension_semantics<core_parallel>, #tpu.dimension_semantics<subcore_parallel>], iteration_bounds = array<i64: 2, 16>, scalar_prefetch = 0 : i64, scratch_operands = 20 : i64, tpu.core_type = #tpu.core_type<sc_vector_subcore>, window_params = [{transform_indices = #map}, {transform_indices = #map1}, {transform_indices = #map}, {transform_indices = #map}]} {
    %mul3A = arith.constant 2 : i32
    %mul3A_0 = arith.muli %arg1, %mul3A : i32
    %add3A = arith.addi %mul3A_0, %arg0 : i32
    %mul3A_1 = arith.constant 80 : i32
    %mul3A_2 = arith.muli %add3A, %mul3A_1 : i32
    %dma_start3A = arith.constant 0 : i32
    %dma_start3A_3 = arith.constant 0 : i32
    %dma_start3A_4 = tpu.memref_slice %arg3[%dma_start3A, %mul3A_2, %dma_start3A_3] : memref<2x2560x125xi32, #tpu.memory_space<hbm>> -> memref<1x80x125xi32, #tpu.memory_space<hbm>>
    %dma_start3A_5 = tpu.memref_squeeze %dma_start3A_4 : memref<1x80x125xi32, #tpu.memory_space<hbm>> -> memref<80x125xi32, #tpu.memory_space<hbm>>
    %dma_start3A_6 = arith.constant 0 : i32
    %dma_start3A_7 = tpu.memref_slice %arg3[%dma_start3A, %mul3A_2, %dma_start3A_6] : memref<2x2560x125xi32, #tpu.memory_space<hbm>> -> memref<1x80x125xi32, #tpu.memory_space<hbm>>
    %dma_start3A_8 = tpu.memref_squeeze %dma_start3A_7 : memref<1x80x125xi32, #tpu.memory_space<hbm>> -> memref<80x125xi32, #tpu.memory_space<hbm>>
    tpu.enqueue_dma source(%dma_start3A_8 : memref<80x125xi32, #tpu.memory_space<hbm>>) target(%arg6 : memref<80x125xi32, #tpu.memory_space<vmem>>) target_semaphore(%arg15 : memref<!tpu.dma_semaphore, #tpu.memory_space<semaphore_mem>>)
    %mul3A_9 = arith.constant 80 : i32
    %mul3A_10 = arith.muli %add3A, %mul3A_9 : i32
    %dma_start3A_11 = arith.constant 1 : i32
    %dma_start3A_12 = arith.constant 0 : i32
    %dma_start3A_13 = tpu.memref_slice %arg3[%dma_start3A_11, %mul3A_10, %dma_start3A_12] : memref<2x2560x125xi32, #tpu.memory_space<hbm>> -> memref<1x80x125xi32, #tpu.memory_space<hbm>>
    %dma_start3A_14 = tpu.memref_squeeze %dma_start3A_13 : memref<1x80x125xi32, #tpu.memory_space<hbm>> -> memref<80x125xi32, #tpu.memory_space<hbm>>
    %dma_start3A_15 = arith.constant 0 : i32
    %dma_start3A_16 = tpu.memref_slice %arg3[%dma_start3A_11, %mul3A_10, %dma_start3A_15] : memref<2x2560x125xi32, #tpu.memory_space<hbm>> -> memref<1x80x125xi32, #tpu.memory_space<hbm>>
    %dma_start3A_17 = tpu.memref_squeeze %dma_start3A_16 : memref<1x80x125xi32, #tpu.memory_space<hbm>> -> memref<80x125xi32, #tpu.memory_space<hbm>>
    tpu.enqueue_dma source(%dma_start3A_17 : memref<80x125xi32, #tpu.memory_space<hbm>>) target(%arg7 : memref<80x125xi32, #tpu.memory_space<vmem>>) target_semaphore(%arg16 : memref<!tpu.dma_semaphore, #tpu.memory_space<semaphore_mem>>)
    %broadcast_in_dim3A = arith.constant 0.000000e+00 : f32
    %broadcast_in_dim3A_18 = vector.broadcast %broadcast_in_dim3A : f32 to vector<16xf32>
    %scan3A = arith.constant 0 : i32
    %scan3A_19 = arith.constant 0 : i32
    %scan3A_20 = arith.constant 128 : i32
    %scan3A_21 = arith.addi %scan3A_19, %scan3A_20 : i32
    %scan3A_22 = arith.constant 1 : i32
    %scan3A_23 = scf.for %scan3A_178 = %scan3A_19 to %scan3A_21 step %scan3A_22 iter_args(%scan3A_179 = %scan3A) -> (i32)  : i32 {
      %swap3A = arith.index_cast %scan3A_178 : i32 to index
      %swap3A_180 = arith.constant 0 : index
      %swap3A_181 = tpu.vector_load %arg13[%swap3A, %swap3A_180] {strides = array<i32>} : memref<128x48xf32, #tpu.memory_space<vmem>>, vector<1x16xf32>,
      %swap3A_182 = vector.shape_cast %swap3A_181 : vector<1x16xf32> to vector<16xf32>
      %swap3A_183 = vector.shape_cast %broadcast_in_dim3A_18 : vector<16xf32> to vector<1x16xf32>
      tpu.vector_store %arg13[%swap3A, %swap3A_180], %swap3A_183 {strides = array<i32>} : memref<128x48xf32, #tpu.memory_space<vmem>>, vector<1x16xf32>,
      %swap3A_184 = arith.index_cast %scan3A_178 : i32 to index
      %swap3A_185 = arith.constant 16 : index
      %swap3A_186 = tpu.vector_load %arg13[%swap3A_184, %swap3A_185] {strides = array<i32>} : memref<128x48xf32, #tpu.memory_space<vmem>>, vector<1x16xf32>,
      %swap3A_187 = vector.shape_cast %swap3A_186 : vector<1x16xf32> to vector<16xf32>
      %swap3A_188 = vector.shape_cast %broadcast_in_dim3A_18 : vector<16xf32> to vector<1x16xf32>
      tpu.vector_store %arg13[%swap3A_184, %swap3A_185], %swap3A_188 {strides = array<i32>} : memref<128x48xf32, #tpu.memory_space<vmem>>, vector<1x16xf32>,
      %swap3A_189 = arith.index_cast %scan3A_178 : i32 to index
      %swap3A_190 = arith.constant 32 : index
      %swap3A_191 = tpu.vector_load %arg13[%swap3A_189, %swap3A_190] {strides = array<i32>} : memref<128x48xf32, #tpu.memory_space<vmem>>, vector<1x16xf32>,
      %swap3A_192 = vector.shape_cast %swap3A_191 : vector<1x16xf32> to vector<16xf32>
      %swap3A_193 = vector.shape_cast %broadcast_in_dim3A_18 : vector<16xf32> to vector<1x16xf32>
      tpu.vector_store %arg13[%swap3A_189, %swap3A_190], %swap3A_193 {strides = array<i32>} : memref<128x48xf32, #tpu.memory_space<vmem>>, vector<1x16xf32>,
      %scan3A_194 = arith.constant 0 : i32
      scf.yield %scan3A_194 : i32
    }
    %scan3A_24 = arith.constant 128 : i32
    %mul3A_25 = arith.constant 640 : i32
    %mul3A_26 = arith.muli %arg1, %mul3A_25 : i32
    %add3A_27 = arith.constant 0 : i32
    %add3A_28 = arith.addi %mul3A_26, %add3A_27 : i32
    %dma_start3A_29 = arith.constant 0 : i32
    %dma_start3A_30 = tpu.memref_slice %arg14[%add3A_28, %dma_start3A_29] : memref<10240x48xf32, #tpu.memory_space<vmem_shared>> -> memref<128x48xf32, #tpu.memory_space<vmem_shared>>
    %dma_start3A_31 = arith.constant 0 : i32
    %dma_start3A_32 = tpu.memref_slice %arg14[%add3A_28, %dma_start3A_31] : memref<10240x48xf32, #tpu.memory_space<vmem_shared>> -> memref<128x48xf32, #tpu.memory_space<vmem_shared>>
    tpu.enqueue_dma source(%arg13 : memref<128x48xf32, #tpu.memory_space<vmem>>) target(%dma_start3A_32 : memref<128x48xf32, #tpu.memory_space<vmem_shared>>) target_semaphore(%arg25 : memref<!tpu.dma_semaphore, #tpu.memory_space<semaphore_mem>>)
    %add3A_33 = arith.constant 128 : i32
    %add3A_34 = arith.addi %mul3A_26, %add3A_33 : i32
    %dma_start3A_35 = arith.constant 0 : i32
    %dma_start3A_36 = tpu.memref_slice %arg14[%add3A_34, %dma_start3A_35] : memref<10240x48xf32, #tpu.memory_space<vmem_shared>> -> memref<128x48xf32, #tpu.memory_space<vmem_shared>>
    %dma_start3A_37 = arith.constant 0 : i32
    %dma_start3A_38 = tpu.memref_slice %arg14[%add3A_34, %dma_start3A_37] : memref<10240x48xf32, #tpu.memory_space<vmem_shared>> -> memref<128x48xf32, #tpu.memory_space<vmem_shared>>
    tpu.enqueue_dma source(%arg13 : memref<128x48xf32, #tpu.memory_space<vmem>>) target(%dma_start3A_38 : memref<128x48xf32, #tpu.memory_space<vmem_shared>>) target_semaphore(%arg25 : memref<!tpu.dma_semaphore, #tpu.memory_space<semaphore_mem>>)
    %add3A_39 = arith.constant 256 : i32
    %add3A_40 = arith.addi %mul3A_26, %add3A_39 : i32
    %dma_start3A_41 = arith.constant 0 : i32
    %dma_start3A_42 = tpu.memref_slice %arg14[%add3A_40, %dma_start3A_41] : memref<10240x48xf32, #tpu.memory_space<vmem_shared>> -> memref<128x48xf32, #tpu.memory_space<vmem_shared>>
    %dma_start3A_43 = arith.constant 0 : i32
    %dma_start3A_44 = tpu.memref_slice %arg14[%add3A_40, %dma_start3A_43] : memref<10240x48xf32, #tpu.memory_space<vmem_shared>> -> memref<128x48xf32, #tpu.memory_space<vmem_shared>>
    tpu.enqueue_dma source(%arg13 : memref<128x48xf32, #tpu.memory_space<vmem>>) target(%dma_start3A_44 : memref<128x48xf32, #tpu.memory_space<vmem_shared>>) target_semaphore(%arg25 : memref<!tpu.dma_semaphore, #tpu.memory_space<semaphore_mem>>)
    %add3A_45 = arith.constant 384 : i32
    %add3A_46 = arith.addi %mul3A_26, %add3A_45 : i32
    %dma_start3A_47 = arith.constant 0 : i32
    %dma_start3A_48 = tpu.memref_slice %arg14[%add3A_46, %dma_start3A_47] : memref<10240x48xf32, #tpu.memory_space<vmem_shared>> -> memref<128x48xf32, #tpu.memory_space<vmem_shared>>
    %dma_start3A_49 = arith.constant 0 : i32
    %dma_start3A_50 = tpu.memref_slice %arg14[%add3A_46, %dma_start3A_49] : memref<10240x48xf32, #tpu.memory_space<vmem_shared>> -> memref<128x48xf32, #tpu.memory_space<vmem_shared>>
    tpu.enqueue_dma source(%arg13 : memref<128x48xf32, #tpu.memory_space<vmem>>) target(%dma_start3A_50 : memref<128x48xf32, #tpu.memory_space<vmem_shared>>) target_semaphore(%arg25 : memref<!tpu.dma_semaphore, #tpu.memory_space<semaphore_mem>>)
    %add3A_51 = arith.constant 512 : i32
    %add3A_52 = arith.addi %mul3A_26, %add3A_51 : i32
    %dma_start3A_53 = arith.constant 0 : i32
    %dma_start3A_54 = tpu.memref_slice %arg14[%add3A_52, %dma_start3A_53] : memref<10240x48xf32, #tpu.memory_space<vmem_shared>> -> memref<128x48xf32, #tpu.memory_space<vmem_shared>>
    %dma_start3A_55 = arith.constant 0 : i32
    %dma_start3A_56 = tpu.memref_slice %arg14[%add3A_52, %dma_start3A_55] : memref<10240x48xf32, #tpu.memory_space<vmem_shared>> -> memref<128x48xf32, #tpu.memory_space<vmem_shared>>
    tpu.enqueue_dma source(%arg13 : memref<128x48xf32, #tpu.memory_space<vmem>>) target(%dma_start3A_56 : memref<128x48xf32, #tpu.memory_space<vmem_shared>>) target_semaphore(%arg25 : memref<!tpu.dma_semaphore, #tpu.memory_space<semaphore_mem>>)
    %add3A_57 = arith.constant 0 : i32
    %add3A_58 = arith.addi %mul3A_26, %add3A_57 : i32
    %dma_wait3A = arith.constant 0 : i32
    %dma_wait3A_59 = tpu.memref_slice %arg14[%add3A_58, %dma_wait3A] : memref<10240x48xf32, #tpu.memory_space<vmem_shared>> -> memref<128x48xf32, #tpu.memory_space<vmem_shared>>
    %dma_wait3A_60 = arith.constant 0 : i32
    %dma_wait3A_61 = tpu.memref_slice %arg14[%add3A_58, %dma_wait3A_60] : memref<10240x48xf32, #tpu.memory_space<vmem_shared>> -> memref<128x48xf32, #tpu.memory_space<vmem_shared>>
    tpu.wait_dma2 semaphore(%arg25 : memref<!tpu.dma_semaphore, #tpu.memory_space<semaphore_mem>>) src(%arg13 : memref<128x48xf32, #tpu.memory_space<vmem>>) dst(%dma_wait3A_61 : memref<128x48xf32, #tpu.memory_space<vmem_shared>>)
    %add3A_62 = arith.constant 128 : i32
    %add3A_63 = arith.addi %mul3A_26, %add3A_62 : i32
    %dma_wait3A_64 = arith.constant 0 : i32
    %dma_wait3A_65 = tpu.memref_slice %arg14[%add3A_63, %dma_wait3A_64] : memref<10240x48xf32, #tpu.memory_space<vmem_shared>> -> memref<128x48xf32, #tpu.memory_space<vmem_shared>>
    %dma_wait3A_66 = arith.constant 0 : i32
    %dma_wait3A_67 = tpu.memref_slice %arg14[%add3A_63, %dma_wait3A_66] : memref<10240x48xf32, #tpu.memory_space<vmem_shared>> -> memref<128x48xf32, #tpu.memory_space<vmem_shared>>
    tpu.wait_dma2 semaphore(%arg25 : memref<!tpu.dma_semaphore, #tpu.memory_space<semaphore_mem>>) src(%arg13 : memref<128x48xf32, #tpu.memory_space<vmem>>) dst(%dma_wait3A_67 : memref<128x48xf32, #tpu.memory_space<vmem_shared>>)
    %add3A_68 = arith.constant 256 : i32
    %add3A_69 = arith.addi %mul3A_26, %add3A_68 : i32
    %dma_wait3A_70 = arith.constant 0 : i32
    %dma_wait3A_71 = tpu.memref_slice %arg14[%add3A_69, %dma_wait3A_70] : memref<10240x48xf32, #tpu.memory_space<vmem_shared>> -> memref<128x48xf32, #tpu.memory_space<vmem_shared>>
    %dma_wait3A_72 = arith.constant 0 : i32
    %dma_wait3A_73 = tpu.memref_slice %arg14[%add3A_69, %dma_wait3A_72] : memref<10240x48xf32, #tpu.memory_space<vmem_shared>> -> memref<128x48xf32, #tpu.memory_space<vmem_shared>>
    tpu.wait_dma2 semaphore(%arg25 : memref<!tpu.dma_semaphore, #tpu.memory_space<semaphore_mem>>) src(%arg13 : memref<128x48xf32, #tpu.memory_space<vmem>>) dst(%dma_wait3A_73 : memref<128x48xf32, #tpu.memory_space<vmem_shared>>)
    %add3A_74 = arith.constant 384 : i32
    %add3A_75 = arith.addi %mul3A_26, %add3A_74 : i32
    %dma_wait3A_76 = arith.constant 0 : i32
    %dma_wait3A_77 = tpu.memref_slice %arg14[%add3A_75, %dma_wait3A_76] : memref<10240x48xf32, #tpu.memory_space<vmem_shared>> -> memref<128x48xf32, #tpu.memory_space<vmem_shared>>
    %dma_wait3A_78 = arith.constant 0 : i32
    %dma_wait3A_79 = tpu.memref_slice %arg14[%add3A_75, %dma_wait3A_78] : memref<10240x48xf32, #tpu.memory_space<vmem_shared>> -> memref<128x48xf32, #tpu.memory_space<vmem_shared>>
    tpu.wait_dma2 semaphore(%arg25 : memref<!tpu.dma_semaphore, #tpu.memory_space<semaphore_mem>>) src(%arg13 : memref<128x48xf32, #tpu.memory_space<vmem>>) dst(%dma_wait3A_79 : memref<128x48xf32, #tpu.memory_space<vmem_shared>>)
    %add3A_80 = arith.constant 512 : i32
    %add3A_81 = arith.addi %mul3A_26, %add3A_80 : i32
    %dma_wait3A_82 = arith.constant 0 : i32
    %dma_wait3A_83 = tpu.memref_slice %arg14[%add3A_81, %dma_wait3A_82] : memref<10240x48xf32, #tpu.memory_space<vmem_shared>> -> memref<128x48xf32, #tpu.memory_space<vmem_shared>>
    %dma_wait3A_84 = arith.constant 0 : i32
    %dma_wait3A_85 = tpu.memref_slice %arg14[%add3A_81, %dma_wait3A_84] : memref<10240x48xf32, #tpu.memory_space<vmem_shared>> -> memref<128x48xf32, #tpu.memory_space<vmem_shared>>
    tpu.wait_dma2 semaphore(%arg25 : memref<!tpu.dma_semaphore, #tpu.memory_space<semaphore_mem>>) src(%arg13 : memref<128x48xf32, #tpu.memory_space<vmem>>) dst(%dma_wait3A_85 : memref<128x48xf32, #tpu.memory_space<vmem_shared>>)
    %dma_wait3A_86 = arith.constant 0 : i32
    %dma_wait3A_87 = arith.constant 0 : i32
    %dma_wait3A_88 = tpu.memref_slice %arg3[%dma_wait3A_86, %mul3A_2, %dma_wait3A_87] : memref<2x2560x125xi32, #tpu.memory_space<hbm>> -> memref<1x80x125xi32, #tpu.memory_space<hbm>>
    %dma_wait3A_89 = tpu.memref_squeeze %dma_wait3A_88 : memref<1x80x125xi32, #tpu.memory_space<hbm>> -> memref<80x125xi32, #tpu.memory_space<hbm>>
    %dma_wait3A_90 = arith.constant 0 : i32
    %dma_wait3A_91 = tpu.memref_slice %arg3[%dma_wait3A_86, %mul3A_2, %dma_wait3A_90] : memref<2x2560x125xi32, #tpu.memory_space<hbm>> -> memref<1x80x125xi32, #tpu.memory_space<hbm>>
    %dma_wait3A_92 = tpu.memref_squeeze %dma_wait3A_91 : memref<1x80x125xi32, #tpu.memory_space<hbm>> -> memref<80x125xi32, #tpu.memory_space<hbm>>
    tpu.wait_dma2 semaphore(%arg15 : memref<!tpu.dma_semaphore, #tpu.memory_space<semaphore_mem>>) src(%dma_wait3A_92 : memref<80x125xi32, #tpu.memory_space<hbm>>) dst(%arg6 : memref<80x125xi32, #tpu.memory_space<vmem>>)
    %dma_wait3A_93 = arith.constant 1 : i32
    %dma_wait3A_94 = arith.constant 0 : i32
    %dma_wait3A_95 = tpu.memref_slice %arg3[%dma_wait3A_93, %mul3A_10, %dma_wait3A_94] : memref<2x2560x125xi32, #tpu.memory_space<hbm>> -> memref<1x80x125xi32, #tpu.memory_space<hbm>>
    %dma_wait3A_96 = tpu.memref_squeeze %dma_wait3A_95 : memref<1x80x125xi32, #tpu.memory_space<hbm>> -> memref<80x125xi32, #tpu.memory_space<hbm>>
    %dma_wait3A_97 = arith.constant 0 : i32
    %dma_wait3A_98 = tpu.memref_slice %arg3[%dma_wait3A_93, %mul3A_10, %dma_wait3A_97] : memref<2x2560x125xi32, #tpu.memory_space<hbm>> -> memref<1x80x125xi32, #tpu.memory_space<hbm>>
    %dma_wait3A_99 = tpu.memref_squeeze %dma_wait3A_98 : memref<1x80x125xi32, #tpu.memory_space<hbm>> -> memref<80x125xi32, #tpu.memory_space<hbm>>
    tpu.wait_dma2 semaphore(%arg16 : memref<!tpu.dma_semaphore, #tpu.memory_space<semaphore_mem>>) src(%dma_wait3A_99 : memref<80x125xi32, #tpu.memory_space<hbm>>) dst(%arg7 : memref<80x125xi32, #tpu.memory_space<vmem>>)
    %barrier3A = arith.constant 0 : index
    tpu.barrier barrier_id(%barrier3A)
    %dma_start3A_100 = arith.constant 0 : i32
    %dma_start3A_101 = arith.constant 0 : i32
    %dma_start3A_102 = tpu.memref_slice %arg6[%dma_start3A_100, %dma_start3A_101] : memref<80x125xi32, #tpu.memory_space<vmem>> -> memref<1x125xi32, #tpu.memory_space<vmem>>
    %dma_start3A_103 = tpu.memref_squeeze %dma_start3A_102 : memref<1x125xi32, #tpu.memory_space<vmem>> -> memref<125xi32, #tpu.memory_space<vmem>>
    %dma_start3A_104 = arith.constant 0 : i32
    %dma_start3A_105 = arith.constant 0 : i32
    %dma_start3A_106 = tpu.memref_slice %arg2[%dma_start3A_104, %dma_start3A_105] : memref<10000x48xf32, #tpu.memory_space<hbm>> -> memref<10000x48xf32, #tpu.memory_space<hbm>>
    tpu.enqueue_indirect_dma source(%dma_start3A_106 : memref<10000x48xf32, #tpu.memory_space<hbm>>) target(%arg8 : memref<125x48xf32, #tpu.memory_space<vmem>>) offsets(%dma_start3A_103 : memref<125xi32, #tpu.memory_space<vmem>>) semaphore(%arg15 : memref<!tpu.dma_semaphore, #tpu.memory_space<semaphore_mem>>)
    %dma_start3A_107 = arith.constant 1 : i32
    %dma_start3A_108 = arith.constant 0 : i32
    %dma_start3A_109 = tpu.memref_slice %arg6[%dma_start3A_107, %dma_start3A_108] : memref<80x125xi32, #tpu.memory_space<vmem>> -> memref<1x125xi32, #tpu.memory_space<vmem>>
    %dma_start3A_110 = tpu.memref_squeeze %dma_start3A_109 : memref<1x125xi32, #tpu.memory_space<vmem>> -> memref<125xi32, #tpu.memory_space<vmem>>
    %dma_start3A_111 = arith.constant 0 : i32
    %dma_start3A_112 = arith.constant 0 : i32
    %dma_start3A_113 = tpu.memref_slice %arg2[%dma_start3A_111, %dma_start3A_112] : memref<10000x48xf32, #tpu.memory_space<hbm>> -> memref<10000x48xf32, #tpu.memory_space<hbm>>
    tpu.enqueue_indirect_dma source(%dma_start3A_113 : memref<10000x48xf32, #tpu.memory_space<hbm>>) target(%arg9 : memref<125x48xf32, #tpu.memory_space<vmem>>) offsets(%dma_start3A_110 : memref<125xi32, #tpu.memory_space<vmem>>) semaphore(%arg16 : memref<!tpu.dma_semaphore, #tpu.memory_space<semaphore_mem>>)
    %dma_start3A_114 = arith.constant 2 : i32
    %dma_start3A_115 = arith.constant 0 : i32
    %dma_start3A_116 = tpu.memref_slice %arg6[%dma_start3A_114, %dma_start3A_115] : memref<80x125xi32, #tpu.memory_space<vmem>> -> memref<1x125xi32, #tpu.memory_space<vmem>>
    %dma_start3A_117 = tpu.memref_squeeze %dma_start3A_116 : memref<1x125xi32, #tpu.memory_space<vmem>> -> memref<125xi32, #tpu.memory_space<vmem>>
    %dma_start3A_118 = arith.constant 0 : i32
    %dma_start3A_119 = arith.constant 0 : i32
    %dma_start3A_120 = tpu.memref_slice %arg2[%dma_start3A_118, %dma_start3A_119] : memref<10000x48xf32, #tpu.memory_space<hbm>> -> memref<10000x48xf32, #tpu.memory_space<hbm>>
    tpu.enqueue_indirect_dma source(%dma_start3A_120 : memref<10000x48xf32, #tpu.memory_space<hbm>>) target(%arg10 : memref<125x48xf32, #tpu.memory_space<vmem>>) offsets(%dma_start3A_117 : memref<125xi32, #tpu.memory_space<vmem>>) semaphore(%arg17 : memref<!tpu.dma_semaphore, #tpu.memory_space<semaphore_mem>>)
    %dma_start3A_121 = arith.constant 3 : i32
    %dma_start3A_122 = arith.constant 0 : i32
    %dma_start3A_123 = tpu.memref_slice %arg6[%dma_start3A_121, %dma_start3A_122] : memref<80x125xi32, #tpu.memory_space<vmem>> -> memref<1x125xi32, #tpu.memory_space<vmem>>
    %dma_start3A_124 = tpu.memref_squeeze %dma_start3A_123 : memref<1x125xi32, #tpu.memory_space<vmem>> -> memref<125xi32, #tpu.memory_space<vmem>>
    %dma_start3A_125 = arith.constant 0 : i32
    %dma_start3A_126 = arith.constant 0 : i32
    %dma_start3A_127 = tpu.memref_slice %arg2[%dma_start3A_125, %dma_start3A_126] : memref<10000x48xf32, #tpu.memory_space<hbm>> -> memref<10000x48xf32, #tpu.memory_space<hbm>>
    tpu.enqueue_indirect_dma source(%dma_start3A_127 : memref<10000x48xf32, #tpu.memory_space<hbm>>) target(%arg11 : memref<125x48xf32, #tpu.memory_space<vmem>>) offsets(%dma_start3A_124 : memref<125xi32, #tpu.memory_space<vmem>>) semaphore(%arg18 : memref<!tpu.dma_semaphore, #tpu.memory_space<semaphore_mem>>)
    %scan3A_128 = arith.constant 0 : i32
    %scan3A_129 = arith.constant 0 : i32
    %scan3A_130 = arith.constant 16 : i32
    %scan3A_131 = arith.addi %scan3A_129, %scan3A_130 : i32
    %scan3A_132 = arith.constant 1 : i32
    %scan3A_133 = scf.for %scan3A_178 = %scan3A_129 to %scan3A_131 step %scan3A_132 iter_args(%scan3A_179 = %scan3A_128) -> (i32)  : i32 {
      %mul3A_180 = arith.constant 5 : i32
      %mul3A_181 = arith.muli %mul3A_180, %scan3A_178 : i32
      %add3A_182 = arith.constant 0 : i32
      %add3A_183 = arith.addi %mul3A_181, %add3A_182 : i32
      %dma_wait3A_184 = arith.constant 0 : i32
      %dma_wait3A_185 = tpu.memref_slice %arg6[%add3A_183, %dma_wait3A_184] : memref<80x125xi32, #tpu.memory_space<vmem>> -> memref<1x125xi32, #tpu.memory_space<vmem>>
      %dma_wait3A_186 = tpu.memref_squeeze %dma_wait3A_185 : memref<1x125xi32, #tpu.memory_space<vmem>> -> memref<125xi32, #tpu.memory_space<vmem>>
      %dma_wait3A_187 = arith.constant 0 : i32
      %dma_wait3A_188 = arith.constant 0 : i32
      %dma_wait3A_189 = tpu.memref_slice %arg2[%dma_wait3A_187, %dma_wait3A_188] : memref<10000x48xf32, #tpu.memory_space<hbm>> -> memref<10000x48xf32, #tpu.memory_space<hbm>>
      tpu.wait_indirect_dma semaphore(%arg15 : memref<!tpu.dma_semaphore, #tpu.memory_space<semaphore_mem>>) src(%dma_wait3A_189 : memref<10000x48xf32, #tpu.memory_space<hbm>>) dst(%arg8 : memref<125x48xf32, #tpu.memory_space<vmem>>)
      %dma_start3A_190 = arith.constant 0 : i32
      %dma_start3A_191 = tpu.memref_slice %arg7[%add3A_183, %dma_start3A_190] : memref<80x125xi32, #tpu.memory_space<vmem>> -> memref<1x125xi32, #tpu.memory_space<vmem>>
      %dma_start3A_192 = tpu.memref_squeeze %dma_start3A_191 : memref<1x125xi32, #tpu.memory_space<vmem>> -> memref<125xi32, #tpu.memory_space<vmem>>
      %dma_start3A_193 = arith.constant 0 : i32
      %dma_start3A_194 = arith.constant 0 : i32
      %dma_start3A_195 = tpu.memref_slice %arg14[%dma_start3A_193, %dma_start3A_194] : memref<10240x48xf32, #tpu.memory_space<vmem_shared>> -> memref<10240x48xf32, #tpu.memory_space<vmem_shared>>
      tpu.enqueue_indirect_dma source(%arg8 : memref<125x48xf32, #tpu.memory_space<vmem>>) target(%dma_start3A_195 : memref<10240x48xf32, #tpu.memory_space<vmem_shared>>) offsets(%dma_start3A_192 : memref<125xi32, #tpu.memory_space<vmem>>) semaphore(%arg20 : memref<!tpu.dma_semaphore, #tpu.memory_space<semaphore_mem>>) {add = true}
      %add3A_196 = arith.constant 5 : i32
      %add3A_197 = arith.addi %add3A_183, %add3A_196 : i32
      %sub3A = arith.constant 1 : i32
      %sub3A_198 = arith.subi %add3A_197, %sub3A : i32
      %lt3A = arith.constant 80 : i32
      %lt3A_199 = arith.cmpi slt, %sub3A_198, %lt3A : i32
      %convert_element_type3A_200 = arith.extui %lt3A_199 : i1 to i32
      %cond3A_201 = arith.constant 0 : i32
      %cond3A_202 = arith.cmpi ne, %convert_element_type3A_200, %cond3A_201 : i32
      scf.if %cond3A_202 {
        %ge3A = arith.constant 1 : i32
        %ge3A_296 = arith.cmpi sge, %add3A_183, %ge3A : i32
        %convert_element_type3A_297 = arith.extui %ge3A_296 : i1 to i32
        %cond3A_298 = arith.constant 0 : i32
        %cond3A_299 = arith.cmpi ne, %convert_element_type3A_297, %cond3A_298 : i32
        scf.if %cond3A_299 {
          %sub3A_310 = arith.constant 1 : i32
          %sub3A_311 = arith.subi %add3A_183, %sub3A_310 : i32
          %dma_wait3A_312 = arith.constant 0 : i32
          %dma_wait3A_313 = tpu.memref_slice %arg7[%sub3A_311, %dma_wait3A_312] : memref<80x125xi32, #tpu.memory_space<vmem>> -> memref<1x125xi32, #tpu.memory_space<vmem>>
          %dma_wait3A_314 = tpu.memref_squeeze %dma_wait3A_313 : memref<1x125xi32, #tpu.memory_space<vmem>> -> memref<125xi32, #tpu.memory_space<vmem>>
          %dma_wait3A_315 = arith.constant 0 : i32
          %dma_wait3A_316 = arith.constant 0 : i32
          %dma_wait3A_317 = tpu.memref_slice %arg14[%dma_wait3A_315, %dma_wait3A_316] : memref<10240x48xf32, #tpu.memory_space<vmem_shared>> -> memref<10240x48xf32, #tpu.memory_space<vmem_shared>>
          tpu.wait_indirect_dma semaphore(%arg24 : memref<!tpu.dma_semaphore, #tpu.memory_space<semaphore_mem>>) src(%arg12 : memref<125x48xf32, #tpu.memory_space<vmem>>) dst(%dma_wait3A_317 : memref<10240x48xf32, #tpu.memory_space<vmem_shared>>)
        } else {
        }
        %add3A_300 = arith.constant 5 : i32
        %add3A_301 = arith.addi %add3A_183, %add3A_300 : i32
        %sub3A_302 = arith.constant 1 : i32
        %sub3A_303 = arith.subi %add3A_301, %sub3A_302 : i32
        %dma_start3A_304 = arith.constant 0 : i32
        %dma_start3A_305 = tpu.memref_slice %arg6[%sub3A_303, %dma_start3A_304] : memref<80x125xi32, #tpu.memory_space<vmem>> -> memref<1x125xi32, #tpu.memory_space<vmem>>
        %dma_start3A_306 = tpu.memref_squeeze %dma_start3A_305 : memref<1x125xi32, #tpu.memory_space<vmem>> -> memref<125xi32, #tpu.memory_space<vmem>>
        %dma_start3A_307 = arith.constant 0 : i32
        %dma_start3A_308 = arith.constant 0 : i32
        %dma_start3A_309 = tpu.memref_slice %arg2[%dma_start3A_307, %dma_start3A_308] : memref<10000x48xf32, #tpu.memory_space<hbm>> -> memref<10000x48xf32, #tpu.memory_space<hbm>>
        tpu.enqueue_indirect_dma source(%dma_start3A_309 : memref<10000x48xf32, #tpu.memory_space<hbm>>) target(%arg12 : memref<125x48xf32, #tpu.memory_space<vmem>>) offsets(%dma_start3A_306 : memref<125xi32, #tpu.memory_space<vmem>>) semaphore(%arg19 : memref<!tpu.dma_semaphore, #tpu.memory_space<semaphore_mem>>)
      } else {
      }
      %add3A_203 = arith.constant 1 : i32
      %add3A_204 = arith.addi %mul3A_181, %add3A_203 : i32
      %dma_wait3A_205 = arith.constant 0 : i32
      %dma_wait3A_206 = tpu.memref_slice %arg6[%add3A_204, %dma_wait3A_205] : memref<80x125xi32, #tpu.memory_space<vmem>> -> memref<1x125xi32, #tpu.memory_space<vmem>>
      %dma_wait3A_207 = tpu.memref_squeeze %dma_wait3A_206 : memref<1x125xi32, #tpu.memory_space<vmem>> -> memref<125xi32, #tpu.memory_space<vmem>>
      %dma_wait3A_208 = arith.constant 0 : i32
      %dma_wait3A_209 = arith.constant 0 : i32
      %dma_wait3A_210 = tpu.memref_slice %arg2[%dma_wait3A_208, %dma_wait3A_209] : memref<10000x48xf32, #tpu.memory_space<hbm>> -> memref<10000x48xf32, #tpu.memory_space<hbm>>
      tpu.wait_indirect_dma semaphore(%arg16 : memref<!tpu.dma_semaphore, #tpu.memory_space<semaphore_mem>>) src(%dma_wait3A_210 : memref<10000x48xf32, #tpu.memory_space<hbm>>) dst(%arg9 : memref<125x48xf32, #tpu.memory_space<vmem>>)
      %dma_start3A_211 = arith.constant 0 : i32
      %dma_start3A_212 = tpu.memref_slice %arg7[%add3A_204, %dma_start3A_211] : memref<80x125xi32, #tpu.memory_space<vmem>> -> memref<1x125xi32, #tpu.memory_space<vmem>>
      %dma_start3A_213 = tpu.memref_squeeze %dma_start3A_212 : memref<1x125xi32, #tpu.memory_space<vmem>> -> memref<125xi32, #tpu.memory_space<vmem>>
      %dma_start3A_214 = arith.constant 0 : i32
      %dma_start3A_215 = arith.constant 0 : i32
      %dma_start3A_216 = tpu.memref_slice %arg14[%dma_start3A_214, %dma_start3A_215] : memref<10240x48xf32, #tpu.memory_space<vmem_shared>> -> memref<10240x48xf32, #tpu.memory_space<vmem_shared>>
      tpu.enqueue_indirect_dma source(%arg9 : memref<125x48xf32, #tpu.memory_space<vmem>>) target(%dma_start3A_216 : memref<10240x48xf32, #tpu.memory_space<vmem_shared>>) offsets(%dma_start3A_213 : memref<125xi32, #tpu.memory_space<vmem>>) semaphore(%arg21 : memref<!tpu.dma_semaphore, #tpu.memory_space<semaphore_mem>>) {add = true}
      %add3A_217 = arith.constant 5 : i32
      %add3A_218 = arith.addi %add3A_204, %add3A_217 : i32
      %sub3A_219 = arith.constant 1 : i32
      %sub3A_220 = arith.subi %add3A_218, %sub3A_219 : i32
      %lt3A_221 = arith.constant 80 : i32
      %lt3A_222 = arith.cmpi slt, %sub3A_220, %lt3A_221 : i32
      %convert_element_type3A_223 = arith.extui %lt3A_222 : i1 to i32
      %cond3A_224 = arith.constant 0 : i32
      %cond3A_225 = arith.cmpi ne, %convert_element_type3A_223, %cond3A_224 : i32
      scf.if %cond3A_225 {
        %ge3A = arith.constant 1 : i32
        %ge3A_296 = arith.cmpi sge, %add3A_204, %ge3A : i32
        %convert_element_type3A_297 = arith.extui %ge3A_296 : i1 to i32
        %cond3A_298 = arith.constant 0 : i32
        %cond3A_299 = arith.cmpi ne, %convert_element_type3A_297, %cond3A_298 : i32
        scf.if %cond3A_299 {
          %sub3A_310 = arith.constant 1 : i32
          %sub3A_311 = arith.subi %add3A_204, %sub3A_310 : i32
          %dma_wait3A_312 = arith.constant 0 : i32
          %dma_wait3A_313 = tpu.memref_slice %arg7[%sub3A_311, %dma_wait3A_312] : memref<80x125xi32, #tpu.memory_space<vmem>> -> memref<1x125xi32, #tpu.memory_space<vmem>>
          %dma_wait3A_314 = tpu.memref_squeeze %dma_wait3A_313 : memref<1x125xi32, #tpu.memory_space<vmem>> -> memref<125xi32, #tpu.memory_space<vmem>>
          %dma_wait3A_315 = arith.constant 0 : i32
          %dma_wait3A_316 = arith.constant 0 : i32
          %dma_wait3A_317 = tpu.memref_slice %arg14[%dma_wait3A_315, %dma_wait3A_316] : memref<10240x48xf32, #tpu.memory_space<vmem_shared>> -> memref<10240x48xf32, #tpu.memory_space<vmem_shared>>
          tpu.wait_indirect_dma semaphore(%arg20 : memref<!tpu.dma_semaphore, #tpu.memory_space<semaphore_mem>>) src(%arg8 : memref<125x48xf32, #tpu.memory_space<vmem>>) dst(%dma_wait3A_317 : memref<10240x48xf32, #tpu.memory_space<vmem_shared>>)
        } else {
        }
        %add3A_300 = arith.constant 5 : i32
        %add3A_301 = arith.addi %add3A_204, %add3A_300 : i32
        %sub3A_302 = arith.constant 1 : i32
        %sub3A_303 = arith.subi %add3A_301, %sub3A_302 : i32
        %dma_start3A_304 = arith.constant 0 : i32
        %dma_start3A_305 = tpu.memref_slice %arg6[%sub3A_303, %dma_start3A_304] : memref<80x125xi32, #tpu.memory_space<vmem>> -> memref<1x125xi32, #tpu.memory_space<vmem>>
        %dma_start3A_306 = tpu.memref_squeeze %dma_start3A_305 : memref<1x125xi32, #tpu.memory_space<vmem>> -> memref<125xi32, #tpu.memory_space<vmem>>
        %dma_start3A_307 = arith.constant 0 : i32
        %dma_start3A_308 = arith.constant 0 : i32
        %dma_start3A_309 = tpu.memref_slice %arg2[%dma_start3A_307, %dma_start3A_308] : memref<10000x48xf32, #tpu.memory_space<hbm>> -> memref<10000x48xf32, #tpu.memory_space<hbm>>
        tpu.enqueue_indirect_dma source(%dma_start3A_309 : memref<10000x48xf32, #tpu.memory_space<hbm>>) target(%arg8 : memref<125x48xf32, #tpu.memory_space<vmem>>) offsets(%dma_start3A_306 : memref<125xi32, #tpu.memory_space<vmem>>) semaphore(%arg15 : memref<!tpu.dma_semaphore, #tpu.memory_space<semaphore_mem>>)
      } else {
      }
      %add3A_226 = arith.constant 2 : i32
      %add3A_227 = arith.addi %mul3A_181, %add3A_226 : i32
      %dma_wait3A_228 = arith.constant 0 : i32
      %dma_wait3A_229 = tpu.memref_slice %arg6[%add3A_227, %dma_wait3A_228] : memref<80x125xi32, #tpu.memory_space<vmem>> -> memref<1x125xi32, #tpu.memory_space<vmem>>
      %dma_wait3A_230 = tpu.memref_squeeze %dma_wait3A_229 : memref<1x125xi32, #tpu.memory_space<vmem>> -> memref<125xi32, #tpu.memory_space<vmem>>
      %dma_wait3A_231 = arith.constant 0 : i32
      %dma_wait3A_232 = arith.constant 0 : i32
      %dma_wait3A_233 = tpu.memref_slice %arg2[%dma_wait3A_231, %dma_wait3A_232] : memref<10000x48xf32, #tpu.memory_space<hbm>> -> memref<10000x48xf32, #tpu.memory_space<hbm>>
      tpu.wait_indirect_dma semaphore(%arg17 : memref<!tpu.dma_semaphore, #tpu.memory_space<semaphore_mem>>) src(%dma_wait3A_233 : memref<10000x48xf32, #tpu.memory_space<hbm>>) dst(%arg10 : memref<125x48xf32, #tpu.memory_space<vmem>>)
      %dma_start3A_234 = arith.constant 0 : i32
      %dma_start3A_235 = tpu.memref_slice %arg7[%add3A_227, %dma_start3A_234] : memref<80x125xi32, #tpu.memory_space<vmem>> -> memref<1x125xi32, #tpu.memory_space<vmem>>
      %dma_start3A_236 = tpu.memref_squeeze %dma_start3A_235 : memref<1x125xi32, #tpu.memory_space<vmem>> -> memref<125xi32, #tpu.memory_space<vmem>>
      %dma_start3A_237 = arith.constant 0 : i32
      %dma_start3A_238 = arith.constant 0 : i32
      %dma_start3A_239 = tpu.memref_slice %arg14[%dma_start3A_237, %dma_start3A_238] : memref<10240x48xf32, #tpu.memory_space<vmem_shared>> -> memref<10240x48xf32, #tpu.memory_space<vmem_shared>>
      tpu.enqueue_indirect_dma source(%arg10 : memref<125x48xf32, #tpu.memory_space<vmem>>) target(%dma_start3A_239 : memref<10240x48xf32, #tpu.memory_space<vmem_shared>>) offsets(%dma_start3A_236 : memref<125xi32, #tpu.memory_space<vmem>>) semaphore(%arg22 : memref<!tpu.dma_semaphore, #tpu.memory_space<semaphore_mem>>) {add = true}
      %add3A_240 = arith.constant 5 : i32
      %add3A_241 = arith.addi %add3A_227, %add3A_240 : i32
      %sub3A_242 = arith.constant 1 : i32
      %sub3A_243 = arith.subi %add3A_241, %sub3A_242 : i32
      %lt3A_244 = arith.constant 80 : i32
      %lt3A_245 = arith.cmpi slt, %sub3A_243, %lt3A_244 : i32
      %convert_element_type3A_246 = arith.extui %lt3A_245 : i1 to i32
      %cond3A_247 = arith.constant 0 : i32
      %cond3A_248 = arith.cmpi ne, %convert_element_type3A_246, %cond3A_247 : i32
      scf.if %cond3A_248 {
        %ge3A = arith.constant 1 : i32
        %ge3A_296 = arith.cmpi sge, %add3A_227, %ge3A : i32
        %convert_element_type3A_297 = arith.extui %ge3A_296 : i1 to i32
        %cond3A_298 = arith.constant 0 : i32
        %cond3A_299 = arith.cmpi ne, %convert_element_type3A_297, %cond3A_298 : i32
        scf.if %cond3A_299 {
          %sub3A_310 = arith.constant 1 : i32
          %sub3A_311 = arith.subi %add3A_227, %sub3A_310 : i32
          %dma_wait3A_312 = arith.constant 0 : i32
          %dma_wait3A_313 = tpu.memref_slice %arg7[%sub3A_311, %dma_wait3A_312] : memref<80x125xi32, #tpu.memory_space<vmem>> -> memref<1x125xi32, #tpu.memory_space<vmem>>
          %dma_wait3A_314 = tpu.memref_squeeze %dma_wait3A_313 : memref<1x125xi32, #tpu.memory_space<vmem>> -> memref<125xi32, #tpu.memory_space<vmem>>
          %dma_wait3A_315 = arith.constant 0 : i32
          %dma_wait3A_316 = arith.constant 0 : i32
          %dma_wait3A_317 = tpu.memref_slice %arg14[%dma_wait3A_315, %dma_wait3A_316] : memref<10240x48xf32, #tpu.memory_space<vmem_shared>> -> memref<10240x48xf32, #tpu.memory_space<vmem_shared>>
          tpu.wait_indirect_dma semaphore(%arg21 : memref<!tpu.dma_semaphore, #tpu.memory_space<semaphore_mem>>) src(%arg9 : memref<125x48xf32, #tpu.memory_space<vmem>>) dst(%dma_wait3A_317 : memref<10240x48xf32, #tpu.memory_space<vmem_shared>>)
        } else {
        }
        %add3A_300 = arith.constant 5 : i32
        %add3A_301 = arith.addi %add3A_227, %add3A_300 : i32
        %sub3A_302 = arith.constant 1 : i32
        %sub3A_303 = arith.subi %add3A_301, %sub3A_302 : i32
        %dma_start3A_304 = arith.constant 0 : i32
        %dma_start3A_305 = tpu.memref_slice %arg6[%sub3A_303, %dma_start3A_304] : memref<80x125xi32, #tpu.memory_space<vmem>> -> memref<1x125xi32, #tpu.memory_space<vmem>>
        %dma_start3A_306 = tpu.memref_squeeze %dma_start3A_305 : memref<1x125xi32, #tpu.memory_space<vmem>> -> memref<125xi32, #tpu.memory_space<vmem>>
        %dma_start3A_307 = arith.constant 0 : i32
        %dma_start3A_308 = arith.constant 0 : i32
        %dma_start3A_309 = tpu.memref_slice %arg2[%dma_start3A_307, %dma_start3A_308] : memref<10000x48xf32, #tpu.memory_space<hbm>> -> memref<10000x48xf32, #tpu.memory_space<hbm>>
        tpu.enqueue_indirect_dma source(%dma_start3A_309 : memref<10000x48xf32, #tpu.memory_space<hbm>>) target(%arg9 : memref<125x48xf32, #tpu.memory_space<vmem>>) offsets(%dma_start3A_306 : memref<125xi32, #tpu.memory_space<vmem>>) semaphore(%arg16 : memref<!tpu.dma_semaphore, #tpu.memory_space<semaphore_mem>>)
      } else {
      }
      %add3A_249 = arith.constant 3 : i32
      %add3A_250 = arith.addi %mul3A_181, %add3A_249 : i32
      %dma_wait3A_251 = arith.constant 0 : i32
      %dma_wait3A_252 = tpu.memref_slice %arg6[%add3A_250, %dma_wait3A_251] : memref<80x125xi32, #tpu.memory_space<vmem>> -> memref<1x125xi32, #tpu.memory_space<vmem>>
      %dma_wait3A_253 = tpu.memref_squeeze %dma_wait3A_252 : memref<1x125xi32, #tpu.memory_space<vmem>> -> memref<125xi32, #tpu.memory_space<vmem>>
      %dma_wait3A_254 = arith.constant 0 : i32
      %dma_wait3A_255 = arith.constant 0 : i32
      %dma_wait3A_256 = tpu.memref_slice %arg2[%dma_wait3A_254, %dma_wait3A_255] : memref<10000x48xf32, #tpu.memory_space<hbm>> -> memref<10000x48xf32, #tpu.memory_space<hbm>>
      tpu.wait_indirect_dma semaphore(%arg18 : memref<!tpu.dma_semaphore, #tpu.memory_space<semaphore_mem>>) src(%dma_wait3A_256 : memref<10000x48xf32, #tpu.memory_space<hbm>>) dst(%arg11 : memref<125x48xf32, #tpu.memory_space<vmem>>)
      %dma_start3A_257 = arith.constant 0 : i32
      %dma_start3A_258 = tpu.memref_slice %arg7[%add3A_250, %dma_start3A_257] : memref<80x125xi32, #tpu.memory_space<vmem>> -> memref<1x125xi32, #tpu.memory_space<vmem>>
      %dma_start3A_259 = tpu.memref_squeeze %dma_start3A_258 : memref<1x125xi32, #tpu.memory_space<vmem>> -> memref<125xi32, #tpu.memory_space<vmem>>
      %dma_start3A_260 = arith.constant 0 : i32
      %dma_start3A_261 = arith.constant 0 : i32
      %dma_start3A_262 = tpu.memref_slice %arg14[%dma_start3A_260, %dma_start3A_261] : memref<10240x48xf32, #tpu.memory_space<vmem_shared>> -> memref<10240x48xf32, #tpu.memory_space<vmem_shared>>
      tpu.enqueue_indirect_dma source(%arg11 : memref<125x48xf32, #tpu.memory_space<vmem>>) target(%dma_start3A_262 : memref<10240x48xf32, #tpu.memory_space<vmem_shared>>) offsets(%dma_start3A_259 : memref<125xi32, #tpu.memory_space<vmem>>) semaphore(%arg23 : memref<!tpu.dma_semaphore, #tpu.memory_space<semaphore_mem>>) {add = true}
      %add3A_263 = arith.constant 5 : i32
      %add3A_264 = arith.addi %add3A_250, %add3A_263 : i32
      %sub3A_265 = arith.constant 1 : i32
      %sub3A_266 = arith.subi %add3A_264, %sub3A_265 : i32
      %lt3A_267 = arith.constant 80 : i32
      %lt3A_268 = arith.cmpi slt, %sub3A_266, %lt3A_267 : i32
      %convert_element_type3A_269 = arith.extui %lt3A_268 : i1 to i32
      %cond3A_270 = arith.constant 0 : i32
      %cond3A_271 = arith.cmpi ne, %convert_element_type3A_269, %cond3A_270 : i32
      scf.if %cond3A_271 {
        %ge3A = arith.constant 1 : i32
        %ge3A_296 = arith.cmpi sge, %add3A_250, %ge3A : i32
        %convert_element_type3A_297 = arith.extui %ge3A_296 : i1 to i32
        %cond3A_298 = arith.constant 0 : i32
        %cond3A_299 = arith.cmpi ne, %convert_element_type3A_297, %cond3A_298 : i32
        scf.if %cond3A_299 {
          %sub3A_310 = arith.constant 1 : i32
          %sub3A_311 = arith.subi %add3A_250, %sub3A_310 : i32
          %dma_wait3A_312 = arith.constant 0 : i32
          %dma_wait3A_313 = tpu.memref_slice %arg7[%sub3A_311, %dma_wait3A_312] : memref<80x125xi32, #tpu.memory_space<vmem>> -> memref<1x125xi32, #tpu.memory_space<vmem>>
          %dma_wait3A_314 = tpu.memref_squeeze %dma_wait3A_313 : memref<1x125xi32, #tpu.memory_space<vmem>> -> memref<125xi32, #tpu.memory_space<vmem>>
          %dma_wait3A_315 = arith.constant 0 : i32
          %dma_wait3A_316 = arith.constant 0 : i32
          %dma_wait3A_317 = tpu.memref_slice %arg14[%dma_wait3A_315, %dma_wait3A_316] : memref<10240x48xf32, #tpu.memory_space<vmem_shared>> -> memref<10240x48xf32, #tpu.memory_space<vmem_shared>>
          tpu.wait_indirect_dma semaphore(%arg22 : memref<!tpu.dma_semaphore, #tpu.memory_space<semaphore_mem>>) src(%arg10 : memref<125x48xf32, #tpu.memory_space<vmem>>) dst(%dma_wait3A_317 : memref<10240x48xf32, #tpu.memory_space<vmem_shared>>)
        } else {
        }
        %add3A_300 = arith.constant 5 : i32
        %add3A_301 = arith.addi %add3A_250, %add3A_300 : i32
        %sub3A_302 = arith.constant 1 : i32
        %sub3A_303 = arith.subi %add3A_301, %sub3A_302 : i32
        %dma_start3A_304 = arith.constant 0 : i32
        %dma_start3A_305 = tpu.memref_slice %arg6[%sub3A_303, %dma_start3A_304] : memref<80x125xi32, #tpu.memory_space<vmem>> -> memref<1x125xi32, #tpu.memory_space<vmem>>
        %dma_start3A_306 = tpu.memref_squeeze %dma_start3A_305 : memref<1x125xi32, #tpu.memory_space<vmem>> -> memref<125xi32, #tpu.memory_space<vmem>>
        %dma_start3A_307 = arith.constant 0 : i32
        %dma_start3A_308 = arith.constant 0 : i32
        %dma_start3A_309 = tpu.memref_slice %arg2[%dma_start3A_307, %dma_start3A_308] : memref<10000x48xf32, #tpu.memory_space<hbm>> -> memref<10000x48xf32, #tpu.memory_space<hbm>>
        tpu.enqueue_indirect_dma source(%dma_start3A_309 : memref<10000x48xf32, #tpu.memory_space<hbm>>) target(%arg10 : memref<125x48xf32, #tpu.memory_space<vmem>>) offsets(%dma_start3A_306 : memref<125xi32, #tpu.memory_space<vmem>>) semaphore(%arg17 : memref<!tpu.dma_semaphore, #tpu.memory_space<semaphore_mem>>)
      } else {
      }
      %add3A_272 = arith.constant 4 : i32
      %add3A_273 = arith.addi %mul3A_181, %add3A_272 : i32
      %dma_wait3A_274 = arith.constant 0 : i32
      %dma_wait3A_275 = tpu.memref_slice %arg6[%add3A_273, %dma_wait3A_274] : memref<80x125xi32, #tpu.memory_space<vmem>> -> memref<1x125xi32, #tpu.memory_space<vmem>>
      %dma_wait3A_276 = tpu.memref_squeeze %dma_wait3A_275 : memref<1x125xi32, #tpu.memory_space<vmem>> -> memref<125xi32, #tpu.memory_space<vmem>>
      %dma_wait3A_277 = arith.constant 0 : i32
      %dma_wait3A_278 = arith.constant 0 : i32
      %dma_wait3A_279 = tpu.memref_slice %arg2[%dma_wait3A_277, %dma_wait3A_278] : memref<10000x48xf32, #tpu.memory_space<hbm>> -> memref<10000x48xf32, #tpu.memory_space<hbm>>
      tpu.wait_indirect_dma semaphore(%arg19 : memref<!tpu.dma_semaphore, #tpu.memory_space<semaphore_mem>>) src(%dma_wait3A_279 : memref<10000x48xf32, #tpu.memory_space<hbm>>) dst(%arg12 : memref<125x48xf32, #tpu.memory_space<vmem>>)
      %dma_start3A_280 = arith.constant 0 : i32
      %dma_start3A_281 = tpu.memref_slice %arg7[%add3A_273, %dma_start3A_280] : memref<80x125xi32, #tpu.memory_space<vmem>> -> memref<1x125xi32, #tpu.memory_space<vmem>>
      %dma_start3A_282 = tpu.memref_squeeze %dma_start3A_281 : memref<1x125xi32, #tpu.memory_space<vmem>> -> memref<125xi32, #tpu.memory_space<vmem>>
      %dma_start3A_283 = arith.constant 0 : i32
      %dma_start3A_284 = arith.constant 0 : i32
      %dma_start3A_285 = tpu.memref_slice %arg14[%dma_start3A_283, %dma_start3A_284] : memref<10240x48xf32, #tpu.memory_space<vmem_shared>> -> memref<10240x48xf32, #tpu.memory_space<vmem_shared>>
      tpu.enqueue_indirect_dma source(%arg12 : memref<125x48xf32, #tpu.memory_space<vmem>>) target(%dma_start3A_285 : memref<10240x48xf32, #tpu.memory_space<vmem_shared>>) offsets(%dma_start3A_282 : memref<125xi32, #tpu.memory_space<vmem>>) semaphore(%arg24 : memref<!tpu.dma_semaphore, #tpu.memory_space<semaphore_mem>>) {add = true}
      %add3A_286 = arith.constant 5 : i32
      %add3A_287 = arith.addi %add3A_273, %add3A_286 : i32
      %sub3A_288 = arith.constant 1 : i32
      %sub3A_289 = arith.subi %add3A_287, %sub3A_288 : i32
      %lt3A_290 = arith.constant 80 : i32
      %lt3A_291 = arith.cmpi slt, %sub3A_289, %lt3A_290 : i32
      %convert_element_type3A_292 = arith.extui %lt3A_291 : i1 to i32
      %cond3A_293 = arith.constant 0 : i32
      %cond3A_294 = arith.cmpi ne, %convert_element_type3A_292, %cond3A_293 : i32
      scf.if %cond3A_294 {
        %ge3A = arith.constant 1 : i32
        %ge3A_296 = arith.cmpi sge, %add3A_273, %ge3A : i32
        %convert_element_type3A_297 = arith.extui %ge3A_296 : i1 to i32
        %cond3A_298 = arith.constant 0 : i32
        %cond3A_299 = arith.cmpi ne, %convert_element_type3A_297, %cond3A_298 : i32
        scf.if %cond3A_299 {
          %sub3A_310 = arith.constant 1 : i32
          %sub3A_311 = arith.subi %add3A_273, %sub3A_310 : i32
          %dma_wait3A_312 = arith.constant 0 : i32
          %dma_wait3A_313 = tpu.memref_slice %arg7[%sub3A_311, %dma_wait3A_312] : memref<80x125xi32, #tpu.memory_space<vmem>> -> memref<1x125xi32, #tpu.memory_space<vmem>>
          %dma_wait3A_314 = tpu.memref_squeeze %dma_wait3A_313 : memref<1x125xi32, #tpu.memory_space<vmem>> -> memref<125xi32, #tpu.memory_space<vmem>>
          %dma_wait3A_315 = arith.constant 0 : i32
          %dma_wait3A_316 = arith.constant 0 : i32
          %dma_wait3A_317 = tpu.memref_slice %arg14[%dma_wait3A_315, %dma_wait3A_316] : memref<10240x48xf32, #tpu.memory_space<vmem_shared>> -> memref<10240x48xf32, #tpu.memory_space<vmem_shared>>
          tpu.wait_indirect_dma semaphore(%arg23 : memref<!tpu.dma_semaphore, #tpu.memory_space<semaphore_mem>>) src(%arg11 : memref<125x48xf32, #tpu.memory_space<vmem>>) dst(%dma_wait3A_317 : memref<10240x48xf32, #tpu.memory_space<vmem_shared>>)
        } else {
        }
        %add3A_300 = arith.constant 5 : i32
        %add3A_301 = arith.addi %add3A_273, %add3A_300 : i32
        %sub3A_302 = arith.constant 1 : i32
        %sub3A_303 = arith.subi %add3A_301, %sub3A_302 : i32
        %dma_start3A_304 = arith.constant 0 : i32
        %dma_start3A_305 = tpu.memref_slice %arg6[%sub3A_303, %dma_start3A_304] : memref<80x125xi32, #tpu.memory_space<vmem>> -> memref<1x125xi32, #tpu.memory_space<vmem>>
        %dma_start3A_306 = tpu.memref_squeeze %dma_start3A_305 : memref<1x125xi32, #tpu.memory_space<vmem>> -> memref<125xi32, #tpu.memory_space<vmem>>
        %dma_start3A_307 = arith.constant 0 : i32
        %dma_start3A_308 = arith.constant 0 : i32
        %dma_start3A_309 = tpu.memref_slice %arg2[%dma_start3A_307, %dma_start3A_308] : memref<10000x48xf32, #tpu.memory_space<hbm>> -> memref<10000x48xf32, #tpu.memory_space<hbm>>
        tpu.enqueue_indirect_dma source(%dma_start3A_309 : memref<10000x48xf32, #tpu.memory_space<hbm>>) target(%arg11 : memref<125x48xf32, #tpu.memory_space<vmem>>) offsets(%dma_start3A_306 : memref<125xi32, #tpu.memory_space<vmem>>) semaphore(%arg18 : memref<!tpu.dma_semaphore, #tpu.memory_space<semaphore_mem>>)
      } else {
      }
      %scan3A_295 = arith.constant 0 : i32
      scf.yield %scan3A_295 : i32
    }
    %scan3A_134 = arith.constant 16 : i32
    %dma_wait3A_135 = arith.constant 75 : i32
    %dma_wait3A_136 = arith.constant 0 : i32
    %dma_wait3A_137 = tpu.memref_slice %arg7[%dma_wait3A_135, %dma_wait3A_136] : memref<80x125xi32, #tpu.memory_space<vmem>> -> memref<1x125xi32, #tpu.memory_space<vmem>>
    %dma_wait3A_138 = tpu.memref_squeeze %dma_wait3A_137 : memref<1x125xi32, #tpu.memory_space<vmem>> -> memref<125xi32, #tpu.memory_space<vmem>>
    %dma_wait3A_139 = arith.constant 0 : i32
    %dma_wait3A_140 = arith.constant 0 : i32
    %dma_wait3A_141 = tpu.memref_slice %arg14[%dma_wait3A_139, %dma_wait3A_140] : memref<10240x48xf32, #tpu.memory_space<vmem_shared>> -> memref<10240x48xf32, #tpu.memory_space<vmem_shared>>
    tpu.wait_indirect_dma semaphore(%arg20 : memref<!tpu.dma_semaphore, #tpu.memory_space<semaphore_mem>>) src(%arg8 : memref<125x48xf32, #tpu.memory_space<vmem>>) dst(%dma_wait3A_141 : memref<10240x48xf32, #tpu.memory_space<vmem_shared>>)
    %dma_wait3A_142 = arith.constant 76 : i32
    %dma_wait3A_143 = arith.constant 0 : i32
    %dma_wait3A_144 = tpu.memref_slice %arg7[%dma_wait3A_142, %dma_wait3A_143] : memref<80x125xi32, #tpu.memory_space<vmem>> -> memref<1x125xi32, #tpu.memory_space<vmem>>
    %dma_wait3A_145 = tpu.memref_squeeze %dma_wait3A_144 : memref<1x125xi32, #tpu.memory_space<vmem>> -> memref<125xi32, #tpu.memory_space<vmem>>
    %dma_wait3A_146 = arith.constant 0 : i32
    %dma_wait3A_147 = arith.constant 0 : i32
    %dma_wait3A_148 = tpu.memref_slice %arg14[%dma_wait3A_146, %dma_wait3A_147] : memref<10240x48xf32, #tpu.memory_space<vmem_shared>> -> memref<10240x48xf32, #tpu.memory_space<vmem_shared>>
    tpu.wait_indirect_dma semaphore(%arg21 : memref<!tpu.dma_semaphore, #tpu.memory_space<semaphore_mem>>) src(%arg9 : memref<125x48xf32, #tpu.memory_space<vmem>>) dst(%dma_wait3A_148 : memref<10240x48xf32, #tpu.memory_space<vmem_shared>>)
    %dma_wait3A_149 = arith.constant 77 : i32
    %dma_wait3A_150 = arith.constant 0 : i32
    %dma_wait3A_151 = tpu.memref_slice %arg7[%dma_wait3A_149, %dma_wait3A_150] : memref<80x125xi32, #tpu.memory_space<vmem>> -> memref<1x125xi32, #tpu.memory_space<vmem>>
    %dma_wait3A_152 = tpu.memref_squeeze %dma_wait3A_151 : memref<1x125xi32, #tpu.memory_space<vmem>> -> memref<125xi32, #tpu.memory_space<vmem>>
    %dma_wait3A_153 = arith.constant 0 : i32
    %dma_wait3A_154 = arith.constant 0 : i32
    %dma_wait3A_155 = tpu.memref_slice %arg14[%dma_wait3A_153, %dma_wait3A_154] : memref<10240x48xf32, #tpu.memory_space<vmem_shared>> -> memref<10240x48xf32, #tpu.memory_space<vmem_shared>>
    tpu.wait_indirect_dma semaphore(%arg22 : memref<!tpu.dma_semaphore, #tpu.memory_space<semaphore_mem>>) src(%arg10 : memref<125x48xf32, #tpu.memory_space<vmem>>) dst(%dma_wait3A_155 : memref<10240x48xf32, #tpu.memory_space<vmem_shared>>)
    %dma_wait3A_156 = arith.constant 78 : i32
    %dma_wait3A_157 = arith.constant 0 : i32
    %dma_wait3A_158 = tpu.memref_slice %arg7[%dma_wait3A_156, %dma_wait3A_157] : memref<80x125xi32, #tpu.memory_space<vmem>> -> memref<1x125xi32, #tpu.memory_space<vmem>>
    %dma_wait3A_159 = tpu.memref_squeeze %dma_wait3A_158 : memref<1x125xi32, #tpu.memory_space<vmem>> -> memref<125xi32, #tpu.memory_space<vmem>>
    %dma_wait3A_160 = arith.constant 0 : i32
    %dma_wait3A_161 = arith.constant 0 : i32
    %dma_wait3A_162 = tpu.memref_slice %arg14[%dma_wait3A_160, %dma_wait3A_161] : memref<10240x48xf32, #tpu.memory_space<vmem_shared>> -> memref<10240x48xf32, #tpu.memory_space<vmem_shared>>
    tpu.wait_indirect_dma semaphore(%arg23 : memref<!tpu.dma_semaphore, #tpu.memory_space<semaphore_mem>>) src(%arg11 : memref<125x48xf32, #tpu.memory_space<vmem>>) dst(%dma_wait3A_162 : memref<10240x48xf32, #tpu.memory_space<vmem_shared>>)
    %dma_wait3A_163 = arith.constant 79 : i32
    %dma_wait3A_164 = arith.constant 0 : i32
    %dma_wait3A_165 = tpu.memref_slice %arg7[%dma_wait3A_163, %dma_wait3A_164] : memref<80x125xi32, #tpu.memory_space<vmem>> -> memref<1x125xi32, #tpu.memory_space<vmem>>
    %dma_wait3A_166 = tpu.memref_squeeze %dma_wait3A_165 : memref<1x125xi32, #tpu.memory_space<vmem>> -> memref<125xi32, #tpu.memory_space<vmem>>
    %dma_wait3A_167 = arith.constant 0 : i32
    %dma_wait3A_168 = arith.constant 0 : i32
    %dma_wait3A_169 = tpu.memref_slice %arg14[%dma_wait3A_167, %dma_wait3A_168] : memref<10240x48xf32, #tpu.memory_space<vmem_shared>> -> memref<10240x48xf32, #tpu.memory_space<vmem_shared>>
    tpu.wait_indirect_dma semaphore(%arg24 : memref<!tpu.dma_semaphore, #tpu.memory_space<semaphore_mem>>) src(%arg12 : memref<125x48xf32, #tpu.memory_space<vmem>>) dst(%dma_wait3A_169 : memref<10240x48xf32, #tpu.memory_space<vmem_shared>>)
    %barrier3A_170 = arith.constant 0 : index
    tpu.barrier barrier_id(%barrier3A_170)
    %eq3A = arith.constant 0 : i32
    %eq3A_171 = arith.cmpi eq, %arg0, %eq3A : i32
    %convert_element_type3A = arith.extui %eq3A_171 : i1 to i32
    %cond3A = arith.constant 0 : i32
    %cond3A_172 = arith.cmpi ne, %convert_element_type3A, %cond3A : i32
    scf.if %cond3A_172 {
      "tpu.region"() ({
        %run_scoped3A = tpu.sem_alloc : memref<!tpu.dma_semaphore, #tpu.memory_space<semaphore_mem>>
        %dma_start3A_178 = arith.constant 0 : i32
        %dma_start3A_179 = tpu.memref_slice %arg4[%mul3A_26, %dma_start3A_178] : memref<10240x128xf32, #tpu.memory_space<hbm>> -> memref<640x48xf32, #tpu.memory_space<hbm>>
        %dma_start3A_180 = arith.constant 0 : i32
        %dma_start3A_181 = tpu.memref_slice %arg14[%mul3A_26, %dma_start3A_180] : memref<10240x48xf32, #tpu.memory_space<vmem_shared>> -> memref<640x48xf32, #tpu.memory_space<vmem_shared>>
        tpu.enqueue_dma source(%dma_start3A_181 : memref<640x48xf32, #tpu.memory_space<vmem_shared>>) target(%dma_start3A_179 : memref<640x48xf32, #tpu.memory_space<hbm>>) target_semaphore(%run_scoped3A : memref<!tpu.dma_semaphore, #tpu.memory_space<semaphore_mem>>)
        %dma_wait3A_182 = arith.constant 0 : i32
        %dma_wait3A_183 = tpu.memref_slice %arg4[%mul3A_26, %dma_wait3A_182] : memref<10240x128xf32, #tpu.memory_space<hbm>> -> memref<640x48xf32, #tpu.memory_space<hbm>>
        %dma_wait3A_184 = arith.constant 0 : i32
        %dma_wait3A_185 = tpu.memref_slice %arg14[%mul3A_26, %dma_wait3A_184] : memref<10240x48xf32, #tpu.memory_space<vmem_shared>> -> memref<640x48xf32, #tpu.memory_space<vmem_shared>>
        tpu.wait_dma2 semaphore(%run_scoped3A : memref<!tpu.dma_semaphore, #tpu.memory_space<semaphore_mem>>) src(%dma_wait3A_185 : memref<640x48xf32, #tpu.memory_space<vmem_shared>>) dst(%dma_wait3A_183 : memref<640x48xf32, #tpu.memory_space<hbm>>)
        tpu.yield
      }) : () -> ()
    } else {
    }
    %eq3A_173 = arith.constant 1 : i32
    %eq3A_174 = arith.cmpi eq, %arg0, %eq3A_173 : i32
    %convert_element_type3A_175 = arith.extui %eq3A_174 : i1 to i32
    %cond3A_176 = arith.constant 0 : i32
    %cond3A_177 = arith.cmpi ne, %convert_element_type3A_175, %cond3A_176 : i32
    scf.if %cond3A_177 {
      "tpu.region"() ({
        %run_scoped3A = tpu.sem_alloc : memref<!tpu.dma_semaphore, #tpu.memory_space<semaphore_mem>>
        %dma_start3A_178 = arith.constant 0 : i32
        %dma_start3A_179 = tpu.memref_slice %arg5[%mul3A_26, %dma_start3A_178] : memref<10240x128xf32, #tpu.memory_space<hbm>> -> memref<640x48xf32, #tpu.memory_space<hbm>>
        %dma_start3A_180 = arith.constant 0 : i32
        %dma_start3A_181 = tpu.memref_slice %arg14[%mul3A_26, %dma_start3A_180] : memref<10240x48xf32, #tpu.memory_space<vmem_shared>> -> memref<640x48xf32, #tpu.memory_space<vmem_shared>>
        tpu.enqueue_dma source(%dma_start3A_181 : memref<640x48xf32, #tpu.memory_space<vmem_shared>>) target(%dma_start3A_179 : memref<640x48xf32, #tpu.memory_space<hbm>>) target_semaphore(%run_scoped3A : memref<!tpu.dma_semaphore, #tpu.memory_space<semaphore_mem>>)
        %dma_wait3A_182 = arith.constant 0 : i32
        %dma_wait3A_183 = tpu.memref_slice %arg5[%mul3A_26, %dma_wait3A_182] : memref<10240x128xf32, #tpu.memory_space<hbm>> -> memref<640x48xf32, #tpu.memory_space<hbm>>
        %dma_wait3A_184 = arith.constant 0 : i32
        %dma_wait3A_185 = tpu.memref_slice %arg14[%mul3A_26, %dma_wait3A_184] : memref<10240x48xf32, #tpu.memory_space<vmem_shared>> -> memref<640x48xf32, #tpu.memory_space<vmem_shared>>
        tpu.wait_dma2 semaphore(%run_scoped3A : memref<!tpu.dma_semaphore, #tpu.memory_space<semaphore_mem>>) src(%dma_wait3A_185 : memref<640x48xf32, #tpu.memory_space<vmem_shared>>) dst(%dma_wait3A_183 : memref<640x48xf32, #tpu.memory_space<hbm>>)
        tpu.yield
      }) : () -> ()
    } else {
    }
    return
  }
}

module attributes {stable_mosaic.version = 14 : i64} {
  func.func @_mm1_body(%arg0: i32, %arg1: memref<2000x128xf32, #tpu.memory_space<vmem>>, %arg2: memref<128x64xf32, #tpu.memory_space<vmem>>, %arg3: memref<2000x64xf32, #tpu.memory_space<vmem>>) attributes {dimension_semantics = [#tpu.dimension_semantics<arbitrary>], iteration_bounds = array<i64: 5>, scalar_prefetch = 0 : i64, scratch_operands = 0 : i64, tpu.core_type = #tpu.core_type<tc>, window_params = [{transform_indices = @transform_0, window_bounds = array<i64: 2000, 128>}, {pipeline_mode = #tpu.pipeline_mode<synchronous>, transform_indices = @transform_1, window_bounds = array<i64: 128, 64>}, {transform_indices = @transform_2, window_bounds = array<i64: 2000, 64>}]} {
    %get3A = arith.constant 0 : index
    %get3A_0 = arith.constant 0 : index
    %get3A_1 = vector.load %arg1[%get3A, %get3A_0] : memref<2000x128xf32, #tpu.memory_space<vmem>>, vector<2000x128xf32>
    %get3A_2 = arith.constant 0 : index
    %get3A_3 = arith.constant 0 : index
    %get3A_4 = vector.load %arg2[%get3A_2, %get3A_3] : memref<128x64xf32, #tpu.memory_space<vmem>>, vector<128x64xf32>
    %dot_general3A = arith.constant dense<0.000000e+00> : vector<2000x64xf32>
    %dot_general3A_5 = tpu.matmul %get3A_1, %get3A_4, %dot_general3A {dimension_numbers = #tpu.dot_dimension_numbers<[1], [0], [0], [1], [0, 0, 1, 1], [], []>, transpose_lhs_hint = false} : vector<2000x128xf32>, vector<128x64xf32>, vector<2000x64xf32> -> vector<2000x64xf32>
    %swap3A = arith.constant 0 : index
    %swap3A_6 = arith.constant 0 : index
    %swap3A_7 = vector.load %arg3[%swap3A, %swap3A_6] : memref<2000x64xf32, #tpu.memory_space<vmem>>, vector<2000x64xf32>
    tpu.vector_store %arg3[%swap3A, %swap3A_6], %dot_general3A_5 {strides = array<i32>} : memref<2000x64xf32, #tpu.memory_space<vmem>>, vector<2000x64xf32>,
    return
  }
  func.func @transform_0(%arg0: i32) -> (i32, i32) {
    %c0_i32 = arith.constant 0 : i32
    %c0_i32_0 = arith.constant 0 : i32
    return %arg0, %c0_i32 : i32, i32
  }
  func.func @transform_1(%arg0: i32) -> (i32, i32) {
    %c0_i32 = arith.constant 0 : i32
    %c0_i32_0 = arith.constant 0 : i32
    %c0_i32_1 = arith.constant 0 : i32
    return %c0_i32, %c0_i32_0 : i32, i32
  }
  func.func @transform_2(%arg0: i32) -> (i32, i32) {
    %c0_i32 = arith.constant 0 : i32
    %c0_i32_0 = arith.constant 0 : i32
    return %arg0, %c0_i32 : i32, i32
  }
}

module attributes {stable_mosaic.version = 14 : i64} {
  func.func @_scale_body(%arg0: i32, %arg1: memref<2000x64xf32, #tpu.memory_space<vmem>>, %arg2: memref<2000x128xf32, #tpu.memory_space<vmem>>, %arg3: memref<2000x128xf32, #tpu.memory_space<vmem>>, %arg4: memref<2000x64xf32, #tpu.memory_space<vmem>>) attributes {dimension_semantics = [#tpu.dimension_semantics<arbitrary>], iteration_bounds = array<i64: 5>, scalar_prefetch = 0 : i64, scratch_operands = 0 : i64, tpu.core_type = #tpu.core_type<tc>, window_params = [{transform_indices = @transform_0, window_bounds = array<i64: 2000, 64>}, {transform_indices = @transform_1, window_bounds = array<i64: 2000, 128>}, {transform_indices = @transform_2, window_bounds = array<i64: 2000, 128>}, {transform_indices = @transform_3, window_bounds = array<i64: 2000, 64>}]} {
    %get3A = arith.constant 0 : index
    %get3A_0 = arith.constant 0 : index
    %get3A_1 = vector.load %arg1[%get3A, %get3A_0] : memref<2000x64xf32, #tpu.memory_space<vmem>>, vector<2000x64xf32>
    %get3A_2 = arith.constant 0 : index
    %get3A_3 = arith.constant 0 : index
    %get3A_4 = vector.load %arg2[%get3A_2, %get3A_3] : memref<2000x128xf32, #tpu.memory_space<vmem>>, vector<2000x1xf32>
    %get3A_5 = arith.constant 0 : index
    %get3A_6 = arith.constant 0 : index
    %get3A_7 = vector.load %arg3[%get3A_5, %get3A_6] : memref<2000x128xf32, #tpu.memory_space<vmem>>, vector<2000x1xf32>
    %add3A = arith.addf %get3A_4, %get3A_7 : vector<2000x1xf32>
    %add3A_8 = arith.constant 1.000000e+00 : f32
    %add3A_9 = vector.broadcast %add3A_8 : f32 to vector<2000x1xf32>
    %add3A_10 = arith.addf %add3A, %add3A_9 : vector<2000x1xf32>
    %rsqrt3A = math.rsqrt %add3A_10 : vector<2000x1xf32>
    %mul3A = vector.broadcast %rsqrt3A : vector<2000x1xf32> to vector<2000x64xf32>
    %mul3A_11 = arith.mulf %get3A_1, %mul3A : vector<2000x64xf32>
    %swap3A = arith.constant 0 : index
    %swap3A_12 = arith.constant 0 : index
    %swap3A_13 = vector.load %arg4[%swap3A, %swap3A_12] : memref<2000x64xf32, #tpu.memory_space<vmem>>, vector<2000x64xf32>
    tpu.vector_store %arg4[%swap3A, %swap3A_12], %mul3A_11 {strides = array<i32>} : memref<2000x64xf32, #tpu.memory_space<vmem>>, vector<2000x64xf32>,
    return
  }
  func.func @transform_0(%arg0: i32) -> (i32, i32) {
    %c0_i32 = arith.constant 0 : i32
    %c0_i32_0 = arith.constant 0 : i32
    return %arg0, %c0_i32 : i32, i32
  }
  func.func @transform_1(%arg0: i32) -> (i32, i32) {
    %c0_i32 = arith.constant 0 : i32
    %c0_i32_0 = arith.constant 0 : i32
    return %arg0, %c0_i32 : i32, i32
  }
  func.func @transform_2(%arg0: i32) -> (i32, i32) {
    %c0_i32 = arith.constant 0 : i32
    %c0_i32_0 = arith.constant 0 : i32
    return %arg0, %c0_i32 : i32, i32
  }
  func.func @transform_3(%arg0: i32) -> (i32, i32) {
    %c0_i32 = arith.constant 0 : i32
    %c0_i32_0 = arith.constant 0 : i32
    return %arg0, %c0_i32 : i32, i32
  }
}

module attributes {stable_mosaic.version = 14 : i64} {
  func.func @_mid_body(%arg0: i32, %arg1: memref<2000x128xf32, #tpu.memory_space<vmem>>, %arg2: memref<2000x128xf32, #tpu.memory_space<vmem>>, %arg3: memref<2000x64xf32, #tpu.memory_space<vmem>>, %arg4: memref<2000x128xf32, #tpu.memory_space<vmem>>, %arg5: memref<2000x128xf32, #tpu.memory_space<vmem>>, %arg6: memref<1x64xf32, #tpu.memory_space<vmem>>, %arg7: memref<64x40xf32, #tpu.memory_space<vmem>>, %arg8: memref<2000x48xf32, #tpu.memory_space<vmem>>) attributes {dimension_semantics = [#tpu.dimension_semantics<arbitrary>], iteration_bounds = array<i64: 5>, scalar_prefetch = 0 : i64, scratch_operands = 0 : i64, tpu.core_type = #tpu.core_type<tc>, window_params = [{transform_indices = @transform_0, window_bounds = array<i64: 2000, 128>}, {transform_indices = @transform_1, window_bounds = array<i64: 2000, 128>}, {transform_indices = @transform_2, window_bounds = array<i64: 2000, 64>}, {transform_indices = @transform_3, window_bounds = array<i64: 2000, 128>}, {transform_indices = @transform_4, window_bounds = array<i64: 2000, 128>}, {pipeline_mode = #tpu.pipeline_mode<synchronous>, transform_indices = @transform_5, window_bounds = array<i64: 1, 64>}, {pipeline_mode = #tpu.pipeline_mode<synchronous>, transform_indices = @transform_6, window_bounds = array<i64: 64, 40>}, {transform_indices = @transform_7, window_bounds = array<i64: 2000, 48>}]} {
    %get3A = arith.constant 0 : index
    %get3A_0 = arith.constant 0 : index
    %get3A_1 = vector.load %arg4[%get3A, %get3A_0] : memref<2000x128xf32, #tpu.memory_space<vmem>>, vector<2000x1xf32>
    %get3A_2 = arith.constant 0 : index
    %get3A_3 = arith.constant 0 : index
    %get3A_4 = vector.load %arg5[%get3A_2, %get3A_3] : memref<2000x128xf32, #tpu.memory_space<vmem>>, vector<2000x1xf32>
    %add3A = arith.addf %get3A_1, %get3A_4 : vector<2000x1xf32>
    %add3A_5 = arith.constant 1.000000e+00 : f32
    %add3A_6 = vector.broadcast %add3A_5 : f32 to vector<2000x1xf32>
    %add3A_7 = arith.addf %add3A, %add3A_6 : vector<2000x1xf32>
    %rsqrt3A = math.rsqrt %add3A_7 : vector<2000x1xf32>
    %get3A_8 = arith.constant 0 : index
    %get3A_9 = arith.constant 0 : index
    %get3A_10 = vector.load %arg1[%get3A_8, %get3A_9] : memref<2000x128xf32, #tpu.memory_space<vmem>>, vector<2000x64xf32>
    %get3A_11 = arith.constant 0 : index
    %get3A_12 = arith.constant 0 : index
    %get3A_13 = vector.load %arg2[%get3A_11, %get3A_12] : memref<2000x128xf32, #tpu.memory_space<vmem>>, vector<2000x64xf32>
    %add3A_14 = arith.addf %get3A_10, %get3A_13 : vector<2000x64xf32>
    %get3A_15 = arith.constant 0 : index
    %get3A_16 = arith.constant 0 : index
    %get3A_17 = vector.load %arg6[%get3A_15, %get3A_16] : memref<1x64xf32, #tpu.memory_space<vmem>>, vector<1x64xf32>
    %get3A_18 = arith.constant 0 : index
    %get3A_19 = arith.constant 0 : index
    %get3A_20 = vector.load %arg3[%get3A_18, %get3A_19] : memref<2000x64xf32, #tpu.memory_space<vmem>>, vector<2000x64xf32>
    %add3A_21 = arith.addf %add3A_14, %get3A_20 : vector<2000x64xf32>
    %mul3A = vector.broadcast %rsqrt3A : vector<2000x1xf32> to vector<2000x64xf32>
    %mul3A_22 = arith.mulf %mul3A, %add3A_21 : vector<2000x64xf32>
    %add3A_23 = vector.broadcast %get3A_17 : vector<1x64xf32> to vector<2000x64xf32>
    %add3A_24 = arith.addf %add3A_23, %mul3A_22 : vector<2000x64xf32>
    %max3A = arith.constant 0.000000e+00 : f32
    %max3A_25 = vector.broadcast %max3A : f32 to vector<2000x64xf32>
    %max3A_26 = arith.maximumf %add3A_24, %max3A_25 : vector<2000x64xf32>
    %get3A_27 = arith.constant 0 : index
    %get3A_28 = arith.constant 0 : index
    %get3A_29 = vector.load %arg7[%get3A_27, %get3A_28] : memref<64x40xf32, #tpu.memory_space<vmem>>, vector<64x40xf32>
    %jit3A = arith.constant 0 : i32
    %convert_element_type3A = arith.sitofp %jit3A : i32 to f32
    %pad3A = vector.broadcast %convert_element_type3A : f32 to vector<64x8xf32>
    %pad3A_30 = tpu.concatenate %get3A_29, %pad3A in 1 : vector<64x40xf32>, vector<64x8xf32> -> vector<64x48xf32>
    %dot_general3A = arith.constant dense<0.000000e+00> : vector<2000x48xf32>
    %dot_general3A_31 = tpu.matmul %max3A_26, %pad3A_30, %dot_general3A {dimension_numbers = #tpu.dot_dimension_numbers<[1], [0], [0], [1], [0, 0, 1, 1], [], []>, transpose_lhs_hint = false} : vector<2000x64xf32>, vector<64x48xf32>, vector<2000x48xf32> -> vector<2000x48xf32>
    %mul3A_32 = vector.broadcast %rsqrt3A : vector<2000x1xf32> to vector<2000x48xf32>
    %mul3A_33 = arith.mulf %dot_general3A_31, %mul3A_32 : vector<2000x48xf32>
    %swap3A = arith.constant 0 : index
    %swap3A_34 = arith.constant 0 : index
    %swap3A_35 = vector.load %arg8[%swap3A, %swap3A_34] : memref<2000x48xf32, #tpu.memory_space<vmem>>, vector<2000x48xf32>
    tpu.vector_store %arg8[%swap3A, %swap3A_34], %mul3A_33 {strides = array<i32>} : memref<2000x48xf32, #tpu.memory_space<vmem>>, vector<2000x48xf32>,
    return
  }
  func.func @transform_0(%arg0: i32) -> (i32, i32) {
    %c0_i32 = arith.constant 0 : i32
    %c0_i32_0 = arith.constant 0 : i32
    return %arg0, %c0_i32 : i32, i32
  }
  func.func @transform_1(%arg0: i32) -> (i32, i32) {
    %c0_i32 = arith.constant 0 : i32
    %c0_i32_0 = arith.constant 0 : i32
    return %arg0, %c0_i32 : i32, i32
  }
  func.func @transform_2(%arg0: i32) -> (i32, i32) {
    %c0_i32 = arith.constant 0 : i32
    %c0_i32_0 = arith.constant 0 : i32
    return %arg0, %c0_i32 : i32, i32
  }
  func.func @transform_3(%arg0: i32) -> (i32, i32) {
    %c0_i32 = arith.constant 0 : i32
    %c0_i32_0 = arith.constant 0 : i32
    return %arg0, %c0_i32 : i32, i32
  }
  func.func @transform_4(%arg0: i32) -> (i32, i32) {
    %c0_i32 = arith.constant 0 : i32
    %c0_i32_0 = arith.constant 0 : i32
    return %arg0, %c0_i32 : i32, i32
  }
  func.func @transform_5(%arg0: i32) -> (i32, i32) {
    %c0_i32 = arith.constant 0 : i32
    %c0_i32_0 = arith.constant 0 : i32
    %c0_i32_1 = arith.constant 0 : i32
    return %c0_i32, %c0_i32_0 : i32, i32
  }
  func.func @transform_6(%arg0: i32) -> (i32, i32) {
    %c0_i32 = arith.constant 0 : i32
    %c0_i32_0 = arith.constant 0 : i32
    %c0_i32_1 = arith.constant 0 : i32
    return %c0_i32, %c0_i32_0 : i32, i32
  }
  func.func @transform_7(%arg0: i32) -> (i32, i32) {
    %c0_i32 = arith.constant 0 : i32
    %c0_i32_0 = arith.constant 0 : i32
    return %arg0, %c0_i32 : i32, i32
  }
}

module attributes {stable_mosaic.version = 14 : i64} {
  func.func @_fin_body(%arg0: i32, %arg1: memref<2000x128xf32, #tpu.memory_space<vmem>>, %arg2: memref<2000x128xf32, #tpu.memory_space<vmem>>, %arg3: memref<2000x48xf32, #tpu.memory_space<vmem>>, %arg4: memref<2000x128xf32, #tpu.memory_space<vmem>>, %arg5: memref<2000x128xf32, #tpu.memory_space<vmem>>, %arg6: memref<1x40xf32, #tpu.memory_space<vmem>>, %arg7: memref<2000x40xf32, #tpu.memory_space<vmem>>) attributes {dimension_semantics = [#tpu.dimension_semantics<arbitrary>], iteration_bounds = array<i64: 5>, scalar_prefetch = 0 : i64, scratch_operands = 0 : i64, tpu.core_type = #tpu.core_type<tc>, window_params = [{transform_indices = @transform_0, window_bounds = array<i64: 2000, 128>}, {transform_indices = @transform_1, window_bounds = array<i64: 2000, 128>}, {transform_indices = @transform_2, window_bounds = array<i64: 2000, 48>}, {transform_indices = @transform_3, window_bounds = array<i64: 2000, 128>}, {transform_indices = @transform_4, window_bounds = array<i64: 2000, 128>}, {pipeline_mode = #tpu.pipeline_mode<synchronous>, transform_indices = @transform_5, window_bounds = array<i64: 1, 40>}, {transform_indices = @transform_6, window_bounds = array<i64: 2000, 40>}]} {
    %get3A = arith.constant 0 : index
    %get3A_0 = arith.constant 0 : index
    %get3A_1 = vector.load %arg4[%get3A, %get3A_0] : memref<2000x128xf32, #tpu.memory_space<vmem>>, vector<2000x1xf32>
    %get3A_2 = arith.constant 0 : index
    %get3A_3 = arith.constant 0 : index
    %get3A_4 = vector.load %arg5[%get3A_2, %get3A_3] : memref<2000x128xf32, #tpu.memory_space<vmem>>, vector<2000x1xf32>
    %add3A = arith.addf %get3A_1, %get3A_4 : vector<2000x1xf32>
    %add3A_5 = arith.constant 1.000000e+00 : f32
    %add3A_6 = vector.broadcast %add3A_5 : f32 to vector<2000x1xf32>
    %add3A_7 = arith.addf %add3A, %add3A_6 : vector<2000x1xf32>
    %rsqrt3A = math.rsqrt %add3A_7 : vector<2000x1xf32>
    %get3A_8 = arith.constant 0 : index
    %get3A_9 = arith.constant 0 : index
    %get3A_10 = vector.load %arg6[%get3A_8, %get3A_9] : memref<1x40xf32, #tpu.memory_space<vmem>>, vector<1x40xf32>
    %jit3A = arith.constant 0 : i32
    %convert_element_type3A = arith.sitofp %jit3A : i32 to f32
    %pad3A = vector.broadcast %convert_element_type3A : f32 to vector<1x8xf32>
    %pad3A_11 = tpu.concatenate %get3A_10, %pad3A in 1 : vector<1x40xf32>, vector<1x8xf32> -> vector<1x48xf32>
    %get3A_12 = arith.constant 0 : index
    %get3A_13 = arith.constant 0 : index
    %get3A_14 = vector.load %arg1[%get3A_12, %get3A_13] : memref<2000x128xf32, #tpu.memory_space<vmem>>, vector<2000x48xf32>
    %get3A_15 = arith.constant 0 : index
    %get3A_16 = arith.constant 0 : index
    %get3A_17 = vector.load %arg2[%get3A_15, %get3A_16] : memref<2000x128xf32, #tpu.memory_space<vmem>>, vector<2000x48xf32>
    %add3A_18 = arith.addf %get3A_14, %get3A_17 : vector<2000x48xf32>
    %get3A_19 = arith.constant 0 : index
    %get3A_20 = arith.constant 0 : index
    %get3A_21 = vector.load %arg3[%get3A_19, %get3A_20] : memref<2000x48xf32, #tpu.memory_space<vmem>>, vector<2000x48xf32>
    %add3A_22 = arith.addf %add3A_18, %get3A_21 : vector<2000x48xf32>
    %mul3A = vector.broadcast %rsqrt3A : vector<2000x1xf32> to vector<2000x48xf32>
    %mul3A_23 = arith.mulf %mul3A, %add3A_22 : vector<2000x48xf32>
    %add3A_24 = vector.broadcast %pad3A_11 : vector<1x48xf32> to vector<2000x48xf32>
    %add3A_25 = arith.addf %add3A_24, %mul3A_23 : vector<2000x48xf32>
    %max3A = arith.constant 0.000000e+00 : f32
    %max3A_26 = vector.broadcast %max3A : f32 to vector<2000x48xf32>
    %max3A_27 = arith.maximumf %add3A_25, %max3A_26 : vector<2000x48xf32>
    %iota3A = tpu.iota {dimensions = array<i32: 1>} : vector<2000x48xi32>
    %lt3A = arith.constant 40 : i32
    %lt3A_28 = vector.broadcast %lt3A : i32 to vector<2000x48xi32>
    %lt3A_29 = arith.cmpi slt, %iota3A, %lt3A_28 : vector<2000x48xi32>
    %jit3A_30 = arith.constant 0xFF800000 : f32
    %broadcast_in_dim3A = vector.broadcast %jit3A_30 : f32 to vector<2000x48xf32>
    %select_n3A = arith.select %lt3A_29, %max3A_27, %broadcast_in_dim3A : vector<2000x48xi1>, vector<2000x48xf32>
    %reduce_max3A = arith.constant dense<0xFF800000> : vector<2000xf32>
    %reduce_max3A_31 = vector.multi_reduction <maximumf>, %select_n3A, %reduce_max3A [1] : vector<2000x48xf32> to vector<2000xf32>
    %broadcast_in_dim3A_32 = vector.shape_cast %reduce_max3A_31 : vector<2000xf32> to vector<2000x1xf32>
    %sub3A = vector.broadcast %broadcast_in_dim3A_32 : vector<2000x1xf32> to vector<2000x48xf32>
    %sub3A_33 = arith.subf %max3A_27, %sub3A : vector<2000x48xf32>
    %exp3A = math.exp %sub3A_33 : vector<2000x48xf32>
    %jit3A_34 = arith.constant 0.000000e+00 : f32
    %broadcast_in_dim3A_35 = vector.broadcast %jit3A_34 : f32 to vector<2000x48xf32>
    %select_n3A_36 = arith.select %lt3A_29, %exp3A, %broadcast_in_dim3A_35 : vector<2000x48xi1>, vector<2000x48xf32>
    %reduce_sum3A = arith.constant dense<0.000000e+00> : vector<2000xf32>
    %reduce_sum3A_37 = vector.multi_reduction <add>, %select_n3A_36, %reduce_sum3A [1] : vector<2000x48xf32> to vector<2000xf32>
    %broadcast_in_dim3A_38 = vector.shape_cast %reduce_sum3A_37 : vector<2000xf32> to vector<2000x1xf32>
    %log3A = math.log %broadcast_in_dim3A_38 : vector<2000x1xf32>
    %sub3A_39 = vector.broadcast %broadcast_in_dim3A_32 : vector<2000x1xf32> to vector<2000x48xf32>
    %sub3A_40 = arith.subf %max3A_27, %sub3A_39 : vector<2000x48xf32>
    %sub3A_41 = vector.broadcast %log3A : vector<2000x1xf32> to vector<2000x48xf32>
    %sub3A_42 = arith.subf %sub3A_40, %sub3A_41 : vector<2000x48xf32>
    %slice3A = vector.extract_strided_slice %sub3A_42 {offsets = [0, 0], sizes = [2000, 40], strides = [1, 1]} : vector<2000x48xf32> to vector<2000x40xf32>
    %swap3A = arith.constant 0 : index
    %swap3A_43 = arith.constant 0 : index
    %swap3A_44 = vector.load %arg7[%swap3A, %swap3A_43] : memref<2000x40xf32, #tpu.memory_space<vmem>>, vector<2000x40xf32>
    tpu.vector_store %arg7[%swap3A, %swap3A_43], %slice3A {strides = array<i32>} : memref<2000x40xf32, #tpu.memory_space<vmem>>, vector<2000x40xf32>,
    return
  }
  func.func @transform_0(%arg0: i32) -> (i32, i32) {
    %c0_i32 = arith.constant 0 : i32
    %c0_i32_0 = arith.constant 0 : i32
    return %arg0, %c0_i32 : i32, i32
  }
  func.func @transform_1(%arg0: i32) -> (i32, i32) {
    %c0_i32 = arith.constant 0 : i32
    %c0_i32_0 = arith.constant 0 : i32
    return %arg0, %c0_i32 : i32, i32
  }
  func.func @transform_2(%arg0: i32) -> (i32, i32) {
    %c0_i32 = arith.constant 0 : i32
    %c0_i32_0 = arith.constant 0 : i32
    return %arg0, %c0_i32 : i32, i32
  }
  func.func @transform_3(%arg0: i32) -> (i32, i32) {
    %c0_i32 = arith.constant 0 : i32
    %c0_i32_0 = arith.constant 0 : i32
    return %arg0, %c0_i32 : i32, i32
  }
  func.func @transform_4(%arg0: i32) -> (i32, i32) {
    %c0_i32 = arith.constant 0 : i32
    %c0_i32_0 = arith.constant 0 : i32
    return %arg0, %c0_i32 : i32, i32
  }
  func.func @transform_5(%arg0: i32) -> (i32, i32) {
    %c0_i32 = arith.constant 0 : i32
    %c0_i32_0 = arith.constant 0 : i32
    %c0_i32_1 = arith.constant 0 : i32
    return %c0_i32, %c0_i32_0 : i32, i32
  }
  func.func @transform_6(%arg0: i32) -> (i32, i32) {
    %c0_i32 = arith.constant 0 : i32
    %c0_i32_0 = arith.constant 0 : i32
    return %arg0, %c0_i32 : i32, i32
  }
}

</mosaic_0001>

<sc_bundles>
// kernel: kernel.12.cloned.1.call-start
scs
__scs_entry_jumppad:
0x0: {  	(pc) =	sbr.rel $0x88, $3  }
0x1: {  	(tag) =	ssettag $0x0;
	lr =	simm.s32 $0x1  }
0x2: {  	[smem:$0x3F9B] =	sst lr;
	_ =	strace $0xD0000000  }
0x3: {  	_ = 	snop  }
0x4: {  	_ = 	snop  }
0x5: {  	_ = 	snop  }
0x6: {  	_ = 	snop  }
0x7: {  	_ = 	snop  }
__scs_overlays_trampoline_lowered:
0x8: {  	[smem:$0x3FAA] =	sst s0  }
0x9: {  	[smem:$0x3FAB] =	sst s1  }
0xa: {  	[smem:$0x3FAC] =	sst s2  }
0xb: {  	[smem:$0x3FAD] =	sst s3  }
0xc: {  	[smem:$0x3FAE] =	sst s4  }
0xd: {  	[smem:$0x3FAF] =	sst s5  }
0xe: {  	[smem:$0x3FB0] =	sst s6  }
0xf: {  	[smem:$0x3FB1] =	sst s7  }
0x10: {  	[smem:$0x3FB2] =	sst s8  }
0x11: {  	[smem:$0x3FB3] =	sst s9;
	s0 =	simm.s32 @!p0 $0x0  }
0x12: {  	s1 =	sld [smem:$0x3F99];
	s0 =	simm.s32 @p0 $0x1  }
0x13: {  	[smem:$0x3FB4] =	sst s0;
	s0 =	simm.s32 @!p1 $0x0  }
0x14: {  	s2 =	sld [smem:$0x3F98];
	s0 =	simm.s32 @p1 $0x1  }
0x15: {  	[smem:$0x3FB5] =	sst s0;
	s0 =	simm.s32 @!p2 $0x0  }
0x16: {  	s3 =	sld [smem:$0x3FDB];
	s0 =	simm.s32 @p2 $0x1  }
0x17: {  	s4 =	simm.s32 $0x1BF5;
	[smem:$0x3FB7] =	sst s0  }
0x18: {  	s0 =	sld [smem:$0x3F9A];
	_ =	swait.ge [sflag:s4], $0x0  }
0x19: {  	s7 =	sld [smem:$0x3F9B]  }
0x1a: {  	s8 =	sadd.s32 $0xFFFFE003, lr  }
0x1b: {  	s9 =	sadd.s32 $0xFFFFFEF7, lr;
	s5 =	simm.s32 $0xFFFFFFFF;
	p2 =	slt.u32 s8, $0xFFFFF086  }
0x1c: {  	p1 =	slt.u32 s9, $0xF7A;
	s5 =	simm.s32 @!p2 $0x0  }
0x1d: {  	s5 =	simm.s32 @p1 $0x1;
	p0 =	seq.s32 s7, s2  }
0x1e: {  	s7 =	smul.u32 @!p0 $0xF7A, s2;
	p2 =	seq.s32 @!p0 s5, $0x0  }
0x1f: {  	s9 =	smul.u32 $0xF7A, s1;
	s8 =	simm.s32 @!p0 $0x1BF5;
	p2 =	por !p2, p0  }
0x20: {  	[sflag:s8] =	ssyncset.s32 @!p0 $0xFFFFF086;
	s6 =	sadd.s32 @!p0 s3, s7;
	s7 =	simm.s32 @!p0 $0x108  }
0x21: {  	s3 =	sadd.s32 s3, s9;
	s6 =	sadd.s32 @!p0 $0x88, s6;
	s7 =	simm.s32 @p2 $0x1082  }
0x22: {  	[simem:s7], [sflag:s8] =	dma.local @!p0 [hbm:s6], $0xF7A  }
0x23: {  	s9 =	sor.u32 $0xD0000000, s2;
	s6 =	simm.s32 $0x108;
	_ =	swait.ge @!p0 [sflag:s8], $0x0  }
0x24: {  	s3 =	sadd.s32 $0x88, s3;
	s6 =	simm.s32 @!p1 $0x1082;
	[sflag:s4] =	ssyncset.s32 $0xFFFFF086  }
0x25: {  	[simem:s6], [sflag:s4] =	dma.local [hbm:s3], $0xF7A  }
0x26: {  	[smem:$0x3F9B] =	sst s1;
	(tag) =	ssettag s2;
	_ =	strace s9  }
0x27: {  	s1 =	sld [smem:$0x3FAB]  }
0x28: {  	s2 =	sld [smem:$0x3FAC]  }
0x29: {  	s4 =	sld [smem:$0x3FAE]  }
0x2a: {  	p0 =	seq.s32 s5, $0x0;
	s5 =	sld [smem:$0x3FAF]  }
0x2b: {  	s6 =	sld [smem:$0x3FB0]  }
0x2c: {  	s7 =	sld [smem:$0x3FB1]  }
0x2d: {  	s3 =	simm.s32 $0x108;
	s8 =	sld [smem:$0x3FB2]  }
0x2e: {  	s3 =	simm.s32 @!p0 $0x1082;
	s9 =	sld [smem:$0x3FB3]  }
0x2f: {  	lr =	sadd.s32 s0, s3;
	s0 =	sld [smem:$0x3FAA]  }
0x30: {  	s3 =	sld [smem:$0x3FAD]  }
0x31: {  	[smem:$0x3FB6] =	sst s10  }
0x32: {  	s10 =	sld [smem:$0x3FB4];
	_ =	sdelay $0x3  }
0x33: {  	p0 =	seq.s32 s10, $0x1;
	s10 =	sld [smem:$0x3FB6];
	_ =	sdelay $0x3  }
0x34: {  	[smem:$0x3FB6] =	sst s10  }
0x35: {  	s10 =	sld [smem:$0x3FB5];
	_ =	sdelay $0x3  }
0x36: {  	p1 =	seq.s32 s10, $0x1;
	s10 =	sld [smem:$0x3FB6];
	_ =	sdelay $0x3  }
0x37: {  	[smem:$0x3FB6] =	sst s10  }
0x38: {  	s10 =	sld [smem:$0x3FB7]  }
0x39: {  	_ = 	snop;
	(pc) =	sbr.ind lr, $3  }
0x3a: {  	_ = 	snop  }
0x3b: {  	_ = 	snop  }
0x3c: {  	p2 =	seq.s32 s10, $0x1;
	s10 =	sld [smem:$0x3FB6]  }
0x3d: {  	_ =	shalt  }
0x3e: {  	_ =	shalt  }
0x3f: {  	_ =	shalt  }
0x40: {  	_ =	shalt  }
0x41: {  	_ =	shalt  }
0x42: {  	_ =	shalt  }
0x43: {  	_ =	shalt  }
0x44: {  	_ =	shalt  }
0x45: {  	_ =	shalt  }
0x46: {  	_ =	shalt  }
0x47: {  	_ =	shalt  }
0x48: {  	_ =	shalt  }
0x49: {  	_ =	shalt  }
0x4a: {  	_ =	shalt  }
0x4b: {  	_ =	shalt  }
0x4c: {  	_ =	shalt  }
0x4d: {  	_ =	shalt  }
0x4e: {  	_ =	shalt  }
0x4f: {  	_ =	shalt  }
0x50: {  	_ =	shalt  }
0x51: {  	_ =	shalt  }
0x52: {  	_ =	shalt  }
0x53: {  	_ =	shalt  }
0x54: {  	_ =	shalt  }
0x55: {  	_ =	shalt  }
0x56: {  	_ =	shalt  }
0x57: {  	_ =	shalt  }
0x58: {  	_ =	shalt  }
0x59: {  	_ =	shalt  }
0x5a: {  	_ =	shalt  }
0x5b: {  	_ =	shalt  }
0x5c: {  	_ =	shalt  }
0x5d: {  	_ =	shalt  }
0x5e: {  	_ =	shalt  }
0x5f: {  	_ =	shalt  }
0x60: {  	_ =	shalt  }
0x61: {  	_ =	shalt  }
0x62: {  	_ =	shalt  }
0x63: {  	_ =	shalt  }
0x64: {  	_ =	shalt  }
0x65: {  	_ =	shalt  }
0x66: {  	_ =	shalt  }
0x67: {  	_ =	shalt  }
0x68: {  	_ =	shalt  }
0x69: {  	_ =	shalt  }
0x6a: {  	_ =	shalt  }
0x6b: {  	_ =	shalt  }
0x6c: {  	_ =	shalt  }
0x6d: {  	_ =	shalt  }
0x6e: {  	_ =	shalt  }
0x6f: {  	_ =	shalt  }
0x70: {  	_ =	shalt  }
0x71: {  	_ =	shalt  }
0x72: {  	_ =	shalt  }
0x73: {  	_ =	shalt  }
0x74: {  	_ =	shalt  }
0x75: {  	_ =	shalt  }
0x76: {  	_ =	shalt  }
0x77: {  	_ =	shalt  }
0x78: {  	_ =	shalt  }
0x79: {  	_ =	shalt  }
0x7a: {  	_ =	shalt  }
0x7b: {  	_ =	shalt  }
0x7c: {  	_ =	shalt  }
0x7d: {  	_ =	shalt  }
0x7e: {  	_ =	shalt  }
0x7f: {  	_ =	shalt  }
0x80: {  	_ =	shalt  }
0x81: {  	_ =	shalt  }
0x82: {  	_ =	shalt  }
0x83: {  	_ =	shalt  }
0x84: {  	_ =	shalt  }
0x85: {  	_ =	shalt  }
0x86: {  	_ =	shalt  }
0x87: {  	_ =	shalt  }
.Lfunc_end0:
.L_simem_size_0:
called_computation.1_lowered:
.L_overlay_start_0:
0x88: {  	s2 =	sld [smem:$0x3FD9]  }
0x89: {  	s3 =	sld [smem:$0x3FFE];
	_ =	sdelay $0x1  }
0x8a: {  	s1 =	srdreg.scid  }
0x8b: {  	s0 =	sand.u32 $0x1, s1  }
0x8c: {  	s16 =	sshll.u32 s0, $0xA;
	s2 =	sadd.s32 s3, s2  }
0x8d: {  	s2 =	sadd.s32 s2, s16  }
0x8e: {  	[smem:$0x3FC2] =	sst s2  }
0x8f: {  	_ = 	snop  }
0x90: {  	(tm) =	ssettm $0x1  }
0x91: {  	s17 =	sld [smem:$0x3FFB];
	_ =	sdelay $0x3  }
0x92: {  	_ =	strace s17  }
0x93: {  	s2 =	sld [smem:$0x3FFC];
	_ =	sdelay $0x3  }
0x94: {  	_ =	strace s2  }
0x95: {  	s2 =	sld [smem:$0x3FFD];
	_ =	sdelay $0x3  }
0x96: {  	_ =	strace s2  }
0x97: {  	_ =	strace $0x8FFFFFFF  }
0x98: {  	s18 =	sld [smem:$0x3FDB];
	_ =	sdelay $0x1  }
0x99: {  	s19 =	simm.s32 $_scs_section_size  }
0x9a: {  	s4 =	simm.s32 $_size__tile_overlayer_lowered;
	s5 =	simm.s32 $_tile_overlayer_lowered  }
0x9b: {  	s22 =	simm.s32 $0x1BFF;
	s21 =	sshll.u32 s5, $0x1;
	s2 =	sadd.s32 s19, s18  }
0x9c: {  	s6 =	simm.s32 $0x0;
	s20 =	sshll.u32 s4, $0x1;
	s4 =	sadd.s32 s21, s2  }
0x9d: {  	[timem:s6], [sflag:s22] =	dma.local [hbm:s4], s20  }
0x9e: {  	_ =	swait.ge [sflag:s22], s20  }
0x9f: {  	s3 =	ssub.s32 $0x0, s20;
	[sflag:s22] =	ssyncset.done $0x0  }
0xa0: {  	[sflag:s22] =	ssyncadd.s32 s3;
	_ =	sdelay $0x1  }
0xa1: {  	s23 =	simm.s32 $0x1B8B  }
0xa2: {  	_ =	swait.ge [sflag:s23], $0x1  }
0xa3: {  	[sflag:s23] =	ssyncset.done $0x0  }
0xa4: {  	s25 =	simm.s32 $0x1B8E;
	s24 =	sld [smem:$0x3FFE];
	[sflag:s23] =	ssyncadd.s32 $0xFFFFFFFF  }
0xa5: {  	s26 =	simm.s32 $execute0_lowered;
	[smem:$0x3FD2] =	sst s25  }
0xa6: {  	s4 =	sshll.u32 s26, $0x1;
	_ =	strace $0x80000049;
	[dreg:$0x1] =	wrdreg $0xFFFFFFFF  }
0xa7: {  	s28 =	simm.s32 $_size_execute0_lowered;
	s2 =	sadd.s32 s2, s4;
	[dreg:$0x0] =	wrdreg $0x0  }
0xa8: {  	s4 =	sshll.u32 s28, $0x1;
	[dreg:$0x2] =	wrdreg s2  }
0xa9: {  	[dreg:$0x3] =	wrdreg s4  }
0xaa: {  	[dreg:$0x4] =	wrdreg $0xC0  }
0xab: {  	_ =	task [dreg:s6], $0x5FFFF  }
0xac: {  	[dreg:$0x1] =	wrdreg $0xFFFFFFFF  }
0xad: {  	[dreg:$0x0] =	wrdreg $0x60  }
0xae: {  	[dreg:$0x2] =	wrdreg s24  }
0xaf: {  	[dreg:$0x3] =	wrdreg $0x10C400  }
0xb0: {  	[dreg:$0x4] =	wrdreg $0x9  }
0xb1: {  	_ =	task.clear_ibuf [dreg:s6], $0x5FFFF;
	_ =	strace $0x90000049  }
0xb2: {  	s29 =	simm.s32 $0x9;
	_ =	strace $0x8000004B  }
0xb3: {  	_ =	swait.ge [sflag:s29], $0x1  }
0xb4: {  	[sflag:s29] =	ssyncadd.s32 $0xFFFFFFFF  }
0xb5: {  	_ =	strace $0x9000004B  }
0xb6: {  	_ =	sfence  }
0xb7: {  	s30 =	sld [smem:$0x0];
	_ =	sdelay $0x2  }
0xb8: {  	s31 =	sshll.u32 s1, $0xD;
	s1 =	sshrl.u32 s1, $0x2  }
0xb9: {  	s3 =	sand.u32 $0x4000, s31;
	s1 =	sadd.s32 s1, s30  }
0xba: {  	s0 =	sor.u32 s3, s0;
	s1 =	sshll.u32 s1, $0x11  }
0xbb: {  	s0 =	sor.u32 s1, s0  }
0xbc: {  	s0 =	sadd.s32 $0x8F2B, s0  }
0xbd: {  	[sflag:s0] =	ssyncadd.remote.s32 $0x1  }
0xbe: {  	_ =	sfence.sel $0xFFFF  }
0xbf: {  	[dreg:$0x0] =	wrdreg $0xFFFFFFFF;
	(pc) =	sbr.abs _section_cstart, $3  }
0xc0: {  	[dreg:$0x1] =	wrdreg $0xFFFFFFFF  }
0xc1: {  	_ =	task.clear_ibuf [dreg:s6], $0x2FFFF;
	_ =	strace $0x9FFFFFFF  }
0xc2: {  	(tm) =	ssettm $0x7FFFFFFF  }
0xc3: {  	_ =	shalt  }
tec
execute0_lowered:
.L_overlay_start_1:
0x0: {  	(tag) =	ssettag $0x1  }
0x1: {  	s0 =	rddreg [dreg:$0x0];
	s1 =	srdreg.scid  }
0x2: {  	s8 =	stileid.u32;
	s2 =	rddreg [dreg:$0x1]  }
0x3: {  	s4 =	simm.s32 $0x0;
	s10 =	simm.s32 $0x2800;
	s15 =	simm.s32 $0xEC40  }
0x4: {  	s16 =	simm.s32 $0xB;
	s17 =	simm.s32 $0x1;
	s18 =	simm.s32 $0x2  }
0x5: {  	s19 =	simm.s32 $0x7D;
	s20 =	simm.s32 $0x5000;
	s29 =	simm.s32 $0xCD00  }
0x6: {  	s31 =	simm.s32 $0x6;
	s28 =	simm.s32 $0x4;
	s21 =	simm.s32 $0x9  }
0x7: {  	s30 =	simm.s32 $0xA;
	s1 =	sand.u32 $0x1, s1;
	s3 =	sshll.u32 s8, $0x1  }
0x8: {  	[smem:$0x7FF] =	sst s4;
	s6 =	smul.u32 $0x28000, s8;
	s4 =	sadd.s32 $0x67400, s0  }
0x9: {  	s25 =	smul.u32 $0x2800, s8;
	s3 =	sor.u32 s1, s3;
	s5 =	ssub.s32 $0x2, s1  }
0xa: {  	_ =	strace $0x8000004A;
	s7 =	sshrl.u32 s5, $0x1;
	s6 =	sshrl.u32 s6, $0x2  }
0xb: {  	p0 =	seq.s32 s1, $0x1;
	s5 =	ssub.s32 s5, s7;
	s7 =	sadd.s32 s6, s2  }
0xc: {  	s1 =	simm.s32 $0xA2E00;
	s3 =	smul.u32 $0x2800, s3;
	s23 =	sadd.s32 $0x2000, s7  }
0xd: {  	s1 =	simm.s32 @!p0 $0x7AE00;
	s24 =	sadd.s32 $0x4000, s7;
	[dreg:$0x5] =	wrdreg s23  }
0xe: {  	s3 =	sshrl.u32 s3, $0x3;
	s6 =	sadd.s32 $0x6000, s7;
	[dreg:$0x6] =	wrdreg s24  }
0xf: {  	s26 =	sadd.s32 $0x8000, s7;
	s12 =	smax.u32 s5, $0x1;
	[dreg:$0x7] =	wrdreg s6  }
0x10: {  	s5 =	simm.s32 $0x0;
	s3 =	sadd.s32 s3, s0;
	[dreg:$0x8] =	wrdreg s26  }
.Ltmp0:
0x11: {  	s0 =	sadd.s32 s1, s0;
	s24 =	simm.s32 $0x8E80;
	(pc) =	sbr.rel .LBB2_1-.Ltmp0, $4  }
0x12: {  	s26 =	simm.s32 $0xADC0;
	s23 =	simm.s32 $0x7;
	s1 =	simm.s32 $0x8  }
0x13: {  	s22 =	sadd.s32 $0x3400, s3;
	s3 =	sadd.s32 $0xD400, s3;
	s13 =	sadd.s32 s0, s25  }
0x14: {  	s0 =	simm.s32 $0x3;
	s25 =	simm.s32 $0x5;
	[dreg:$0x3] =	wrdreg s22  }
0x15: {  	v0 =	vimm.f32 $0.0e+00;
	[dreg:$0x4] =	wrdreg s3;
	s22 =	simm.s32 $0x6F40;
	s3 =	simm.s32 $0xC  }
.LBB2_6:
0x16: {  	_ =	swait.ge [sflag:s25], $0x1F40  }
0x17: {  	[sflag:s25] =	ssyncset.done $0x0  }
0x18: {  	[sflag:s25] =	ssyncadd.s32 $0xFFFFE0C0  }
0x19: {  	[spmem:s2] =	stream.indirect.scatter.add.f32 [tilespmem:s29], [sflag:$0xA], $0x40, s9, s19, $0xb8;
	[tilespmem:$0x1AC40] =	vst v63  }
0x1a: {  	_ =	swait.ge [sflag:s31], $0x1F40  }
0x1b: {  	[sflag:s31] =	ssyncset.done $0x0  }
0x1c: {  	[sflag:s31] =	ssyncadd.s32 $0xFFFFE0C0  }
0x1d: {  	_ =	swait.ge [sflag:s23], $0x1F40  }
0x1e: {  	[sflag:s23] =	ssyncset.done $0x0  }
0x1f: {  	[sflag:s23] =	ssyncadd.s32 $0xFFFFE0C0  }
0x20: {  	_ =	swait.ge [sflag:s1], $0x1F40  }
0x21: {  	[sflag:s1] =	ssyncset.done $0x0  }
0x22: {  	[sflag:s1] =	ssyncadd.s32 $0xFFFFE0C0  }
0x23: {  	_ =	swait.ge [sflag:s21], $0x1F40  }
0x24: {  	[sflag:s21] =	ssyncset.done $0x0  }
0x25: {  	[sflag:s21] =	ssyncadd.s32 $0xFFFFE0C0  }
0x26: {  	s6 =	stileid.u32;
	s8 =	sshrl.u32 s7, $0x3;
	_ =	swait.ge [sflag:s30], $0x1F40  }
0x27: {  	s14 =	simm.s32 $0x10;
	s5 =	sadd.s32 $0x1, s5;
	[sflag:s30] =	ssyncset.done $0x0  }
0x28: {  	s6 =	sshll.u32 s6, $0x6;
	p0 =	sne.s32 s5, s12;
	[sflag:s30] =	ssyncadd.s32 $0xFFFFE0C0  }
.Ltmp1:
0x29: {  	s6 =	sor.u32 $0x1C0C, s6;
	[bflag:$0x0] =	sbarrier.arrive $0xFFFF;
	(pc) =	sbr.rel @!p0 .LBB2_7-.Ltmp1, $4  }
0x2a: {  	[hbm:s13@s14], [sflag:s6] =	dma.strided [spmem:s8@s1], $0x1400, s17, $0x8   }
0x2b: {  	_ =	swait.ge [sflag:s3], $0x1400  }
0x2c: {  	[sflag:s3] =	ssyncset.done $0x0  }
0x2d: {  	s10 =	simm.s32 $0x2800;
	[sflag:s3] =	ssyncadd.s32 $0xFFFFEC00  }
.LBB2_1:
0x2e: {  	s6 =	simm.s32 $0x0;
	s8 =	rddreg [dreg:$0x3]  }
0x2f: {  	[tilespmem:s6], [sflag:$0x1] =	stream.linear.gather [hbm4b:s8+s6], $0x2800, $0x38;
	[tilespmem:$0x1AC40] =	vst v63  }
0x30: {  	s14 =	rddreg [dreg:$0x4]  }
0x31: {  	[tilespmem:s10], [sflag:$0x2] =	stream.linear.gather [hbm4b:s14+s6], $0x2800, $0x38;
	[tilespmem:$0x1AC40] =	vst v63  }
0x32: {  	s8 =	simm.s32 $0x100;
	s6 =	simm.s32 $0x0  }
.LBB2_2:
0x33: {  	p0 =	sne.s32 s8, $0x7F00;
	[tilespmem:s6+$0xEC70] =	vst v0;
	s9 =	smov.u32 s8;
	s8 =	sadd.s32 $0x100, s8  }
.Ltmp2:
0x34: {  	[tilespmem:s6+$0xEC60] =	vst v0;
	(pc) =	sbr.rel @p0 .LBB2_2-.Ltmp2, $3  }
0x35: {  	[tilespmem:s6+$0xEC40] =	vst v0  }
0x36: {  	[tilespmem:s6+$0xEC50] =	vst v0;
	_ =	sdelay $0x1  }
0x37: {  	s6 =	sshra.s32 s9, $0x2  }
0x38: {  	[tilespmem:s6+$0xEC70] =	vst v0  }
0x39: {  	[tilespmem:s6+$0xEC60] =	vst v0  }
0x3a: {  	[tilespmem:s6+$0xEC40] =	vst v0  }
0x3b: {  	[tilespmem:s6+$0xEC50] =	vst v0  }
0x3c: {  	[spmem:s7] =	stream.linear.scatter [tilespmem:s15], [sflag:$0xB], $0x2000, $0x38;
	[tilespmem:$0x1AC40] =	vst v63  }
0x3d: {  	s9 =	rddreg [dreg:$0x5]  }
0x3e: {  	[spmem:s9] =	stream.linear.scatter [tilespmem:s15], [sflag:$0xB], $0x2000, $0x38;
	[tilespmem:$0x1AC40] =	vst v63  }
0x3f: {  	s11 =	rddreg [dreg:$0x6]  }
0x40: {  	[spmem:s11] =	stream.linear.scatter [tilespmem:s15], [sflag:$0xB], $0x2000, $0x38;
	[tilespmem:$0x1AC40] =	vst v63  }
0x41: {  	s14 =	rddreg [dreg:$0x7]  }
0x42: {  	[spmem:s14] =	stream.linear.scatter [tilespmem:s15], [sflag:$0xB], $0x2000, $0x38;
	[tilespmem:$0x1AC40] =	vst v63  }
0x43: {  	s8 =	rddreg [dreg:$0x8]  }
0x44: {  	[spmem:s8] =	stream.linear.scatter [tilespmem:s15], [sflag:$0xB], $0x2000, $0x38;
	[tilespmem:$0x1AC40] =	vst v63  }
0x45: {  	_ =	swait.ge [sflag:s16], $0x2000  }
0x46: {  	[sflag:s16] =	ssyncset.done $0x0  }
0x47: {  	[sflag:s16] =	ssyncadd.s32 $0xFFFFE000  }
0x48: {  	_ =	swait.ge [sflag:s16], $0x2000  }
0x49: {  	[sflag:s16] =	ssyncset.done $0x0  }
0x4a: {  	[sflag:s16] =	ssyncadd.s32 $0xFFFFE000  }
0x4b: {  	_ =	swait.ge [sflag:s16], $0x2000  }
0x4c: {  	[sflag:s16] =	ssyncset.done $0x0  }
0x4d: {  	[sflag:s16] =	ssyncadd.s32 $0xFFFFE000  }
0x4e: {  	_ =	swait.ge [sflag:s16], $0x2000  }
0x4f: {  	[sflag:s16] =	ssyncset.done $0x0  }
0x50: {  	[sflag:s16] =	ssyncadd.s32 $0xFFFFE000  }
0x51: {  	_ =	swait.ge [sflag:s16], $0x2000  }
0x52: {  	[sflag:s16] =	ssyncset.done $0x0  }
0x53: {  	[sflag:s16] =	ssyncadd.s32 $0xFFFFE000  }
0x54: {  	_ =	swait.ge [sflag:s17], $0x2800  }
0x55: {  	[sflag:s17] =	ssyncset.done $0x0  }
0x56: {  	[sflag:s17] =	ssyncadd.s32 $0xFFFFD800  }
0x57: {  	_ =	swait.ge [sflag:s18], $0x2800  }
0x58: {  	[sflag:s18] =	ssyncset.done $0x0  }
0x59: {  	[sflag:s18] =	ssyncadd.s32 $0xFFFFD800  }
0x5a: {  	s6 =	simm.s32 $0x0;
	[bflag:$0x0] =	sbarrier.arrive $0xFFFF  }
0x5b: {  	[tilespmem:s20], [sflag:$0x1] =	stream.indirect.gather [hbm4b:s4+s19], $0x40, s6, s19, $0xb8;
	[tilespmem:$0x1AC40] =	vst v63  }
0x5c: {  	s8 =	simm.s32 $0x80  }
0x5d: {  	[tilespmem:s22], [sflag:$0x2] =	stream.indirect.gather [hbm4b:s4+s19], $0x40, s8, s19, $0xb8;
	[tilespmem:$0x1AC40] =	vst v63  }
0x5e: {  	s9 =	simm.s32 $0x100  }
0x5f: {  	[tilespmem:s24], [sflag:$0x3] =	stream.indirect.gather [hbm4b:s4+s19], $0x40, s9, s19, $0xb8;
	[tilespmem:$0x1AC40] =	vst v63  }
0x60: {  	s11 =	simm.s32 $0x180  }
0x61: {  	[tilespmem:s26], [sflag:$0x4] =	stream.indirect.gather [hbm4b:s4+s19], $0x40, s11, s19, $0xb8;
	[tilespmem:$0x1AC40] =	vst v63  }
0x62: {  	_ =	swait.ge [sflag:s17], $0x1F40  }
0x63: {  	[sflag:s17] =	ssyncset.done $0x0  }
0x64: {  	[sflag:s17] =	ssyncadd.s32 $0xFFFFE0C0  }
0x65: {  	[spmem:s2] =	stream.indirect.scatter.add.f32 [tilespmem:s20], [sflag:$0x6], $0x40, s10, s19, $0xb8;
	[tilespmem:$0x1AC40] =	vst v63  }
0x66: {  	s14 =	simm.s32 $0x200  }
0x67: {  	[tilespmem:s29], [sflag:$0x5] =	stream.indirect.gather [hbm4b:s4+s19], $0x40, s14, s19, $0xb8;
	[tilespmem:$0x1AC40] =	vst v63  }
0x68: {  	_ =	swait.ge [sflag:s18], $0x1F40  }
0x69: {  	[sflag:s18] =	ssyncset.done $0x0  }
0x6a: {  	s9 =	simm.s32 $0x2880;
	[sflag:s18] =	ssyncadd.s32 $0xFFFFE0C0  }
0x6b: {  	[spmem:s2] =	stream.indirect.scatter.add.f32 [tilespmem:s22], [sflag:$0x7], $0x40, s9, s19, $0xb8;
	[tilespmem:$0x1AC40] =	vst v63  }
0x6c: {  	_ =	swait.ge [sflag:s31], $0x1F40  }
0x6d: {  	[sflag:s31] =	ssyncset.done $0x0  }
0x6e: {  	s10 =	simm.s32 $0x280;
	[sflag:s31] =	ssyncadd.s32 $0xFFFFE0C0  }
0x6f: {  	[tilespmem:s20], [sflag:$0x1] =	stream.indirect.gather [hbm4b:s4+s19], $0x40, s10, s19, $0xb8;
	[tilespmem:$0x1AC40] =	vst v63  }
0x70: {  	_ =	swait.ge [sflag:s0], $0x1F40  }
0x71: {  	[sflag:s0] =	ssyncset.done $0x0  }
0x72: {  	s11 =	simm.s32 $0x2900;
	[sflag:s0] =	ssyncadd.s32 $0xFFFFE0C0  }
0x73: {  	[spmem:s2] =	stream.indirect.scatter.add.f32 [tilespmem:s24], [sflag:$0x8], $0x40, s11, s19, $0xb8;
	[tilespmem:$0x1AC40] =	vst v63  }
0x74: {  	_ =	swait.ge [sflag:s23], $0x1F40  }
0x75: {  	[sflag:s23] =	ssyncset.done $0x0  }
0x76: {  	s14 =	simm.s32 $0x300;
	[sflag:s23] =	ssyncadd.s32 $0xFFFFE0C0  }
0x77: {  	[tilespmem:s22], [sflag:$0x2] =	stream.indirect.gather [hbm4b:s4+s19], $0x40, s14, s19, $0xb8;
	[tilespmem:$0x1AC40] =	vst v63  }
0x78: {  	_ =	swait.ge [sflag:s28], $0x1F40  }
0x79: {  	[sflag:s28] =	ssyncset.done $0x0  }
0x7a: {  	s9 =	simm.s32 $0x2980;
	[sflag:s28] =	ssyncadd.s32 $0xFFFFE0C0  }
0x7b: {  	[spmem:s2] =	stream.indirect.scatter.add.f32 [tilespmem:s26], [sflag:$0x9], $0x40, s9, s19, $0xb8;
	[tilespmem:$0x1AC40] =	vst v63  }
0x7c: {  	_ =	swait.ge [sflag:s1], $0x1F40  }
0x7d: {  	[sflag:s1] =	ssyncset.done $0x0  }
0x7e: {  	s10 =	simm.s32 $0x380;
	[sflag:s1] =	ssyncadd.s32 $0xFFFFE0C0  }
0x7f: {  	[tilespmem:s24], [sflag:$0x3] =	stream.indirect.gather [hbm4b:s4+s19], $0x40, s10, s19, $0xb8;
	[tilespmem:$0x1AC40] =	vst v63  }
0x80: {  	_ =	swait.ge [sflag:s25], $0x1F40  }
0x81: {  	[sflag:s25] =	ssyncset.done $0x0  }
0x82: {  	s11 =	simm.s32 $0x2A00;
	[sflag:s25] =	ssyncadd.s32 $0xFFFFE0C0  }
0x83: {  	[spmem:s2] =	stream.indirect.scatter.add.f32 [tilespmem:s29], [sflag:$0xA], $0x40, s11, s19, $0xb8;
	[tilespmem:$0x1AC40] =	vst v63  }
0x84: {  	_ =	swait.ge [sflag:s21], $0x1F40  }
0x85: {  	[sflag:s21] =	ssyncset.done $0x0  }
0x86: {  	s14 =	simm.s32 $0x400;
	[sflag:s21] =	ssyncadd.s32 $0xFFFFE0C0  }
0x87: {  	[tilespmem:s26], [sflag:$0x4] =	stream.indirect.gather [hbm4b:s4+s19], $0x40, s14, s19, $0xb8;
	[tilespmem:$0x1AC40] =	vst v63  }
.LBB2_4:
0x88: {  	_ =	swait.ge [sflag:s17], $0x1F40  }
0x89: {  	s8 =	sshra.s32 s6, $0x2;
	[sflag:s17] =	ssyncset.done $0x0  }
0x8a: {  	s9 =	sadd.s32 $0x2A80, s8;
	[sflag:s17] =	ssyncadd.s32 $0xFFFFE0C0  }
0x8b: {  	[spmem:s2] =	stream.indirect.scatter.add.f32 [tilespmem:s20], [sflag:$0x6], $0x40, s9, s19, $0xb8;
	[tilespmem:$0x1AC40] =	vst v63  }
0x8c: {  	_ =	swait.ge [sflag:s30], $0x1F40  }
0x8d: {  	[sflag:s30] =	ssyncset.done $0x0  }
0x8e: {  	s10 =	sadd.s32 $0x480, s8;
	[sflag:s30] =	ssyncadd.s32 $0xFFFFE0C0  }
0x8f: {  	[tilespmem:s29], [sflag:$0x5] =	stream.indirect.gather [hbm4b:s4+s19], $0x40, s10, s19, $0xb8;
	[tilespmem:$0x1AC40] =	vst v63  }
0x90: {  	_ =	swait.ge [sflag:s18], $0x1F40  }
0x91: {  	p0 =	seq.s32 s6, $0x8C00;
	[sflag:s18] =	ssyncset.done $0x0  }
0x92: {  	s11 =	sadd.s32 $0x2B00, s8;
	s9 =	simm.s32 @p0 $0x3;
	[sflag:s18] =	ssyncadd.s32 $0xFFFFE0C0  }
0x93: {  	[spmem:s2] =	stream.indirect.scatter.add.f32 [tilespmem:s22], [sflag:$0x7], $0x40, s11, s19, $0xb8;
	[tilespmem:$0x1AC40] =	vst v63  }
0x94: {  	_ =	swait.ge @p0 [sflag:s9], $0x1F40  }
0x95: {  	[sflag:s9] =	ssyncset.done @p0 $0x0  }
0x96: {  	[sflag:s9] =	ssyncadd.s32 @p0 $0xFFFFE0C0;
	s9 =	sshra.s32 @p0 s6, $0x2  }
0x97: {  	s14 =	simm.s32 @p0 $0x8E80;
	s10 =	simm.s32 @p0 $0x7D;
	s9 =	sadd.s32 @p0 $0x2B80, s9  }
0x98: {  	[spmem:s2] =	stream.indirect.scatter.add.f32 @p0 [tilespmem:s14], [sflag:$0x8], $0x40, s9, s10, $0xb8;
	[tilespmem:$0x1AC40] =	vst v63  }
0x99: {  	s9 =	simm.s32 @!p0 $0x6  }
0x9a: {  	_ =	swait.ge @!p0 [sflag:s9], $0x1F40  }
0x9b: {  	[sflag:s9] =	ssyncset.done @!p0 $0x0  }
0x9c: {  	[sflag:s9] =	ssyncadd.s32 @!p0 $0xFFFFE0C0;
	s9 =	sshra.s32 @!p0 s6, $0x2  }
0x9d: {  	s11 =	simm.s32 @!p0 $0x5000;
	s14 =	simm.s32 @!p0 $0x7D;
	s10 =	sadd.s32 @!p0 $0x500, s9  }
0x9e: {  	[tilespmem:s11], [sflag:$0x1] =	stream.indirect.gather @!p0 [hbm4b:s4+s14], $0x40, s10, s14, $0xb8;
	[tilespmem:$0x1AC40] =	vst v63  }
0x9f: {  	s10 =	simm.s32 @!p0 $0x3  }
0xa0: {  	_ =	swait.ge @!p0 [sflag:s10], $0x1F40  }
0xa1: {  	[sflag:s10] =	ssyncset.done @!p0 $0x0  }
0xa2: {  	s11 =	simm.s32 @!p0 $0x8E80;
	[sflag:s10] =	ssyncadd.s32 @!p0 $0xFFFFE0C0;
	s10 =	sadd.s32 @!p0 $0x2B80, s9  }
0xa3: {  	[spmem:s2] =	stream.indirect.scatter.add.f32 @!p0 [tilespmem:s11], [sflag:$0x8], $0x40, s10, s14, $0xb8;
	[tilespmem:$0x1AC40] =	vst v63  }
0xa4: {  	s10 =	simm.s32 @!p0 $0x7  }
0xa5: {  	_ =	swait.ge @!p0 [sflag:s10], $0x1F40  }
0xa6: {  	[sflag:s10] =	ssyncset.done @!p0 $0x0  }
0xa7: {  	s9 =	sadd.s32 @!p0 $0x580, s9;
	[sflag:s10] =	ssyncadd.s32 @!p0 $0xFFFFE0C0;
	s10 =	simm.s32 @!p0 $0x6F40  }
0xa8: {  	[tilespmem:s10], [sflag:$0x2] =	stream.indirect.gather @!p0 [hbm4b:s4+s14], $0x40, s9, s14, $0xb8;
	[tilespmem:$0x1AC40] =	vst v63  }
.Ltmp3:
0xa9: {  	_ = 	snop;
	(pc) =	sbr.rel @p0 .LBB2_6-.Ltmp3, $4  }
0xaa: {  	_ =	swait.ge [sflag:s28], $0x1F40  }
0xab: {  	[sflag:s28] =	ssyncset.done $0x0  }
0xac: {  	s14 =	sadd.s32 $0x2C00, s8;
	s9 =	sadd.s32 $0x2C80, s8;
	[sflag:s28] =	ssyncadd.s32 $0xFFFFE0C0  }
0xad: {  	[spmem:s2] =	stream.indirect.scatter.add.f32 [tilespmem:s26], [sflag:$0x9], $0x40, s14, s19, $0xb8;
	[tilespmem:$0x1AC40] =	vst v63  }
0xae: {  	_ =	swait.ge [sflag:s1], $0x1F40  }
0xaf: {  	[sflag:s1] =	ssyncset.done $0x0  }
0xb0: {  	s10 =	sadd.s32 $0x600, s8;
	[sflag:s1] =	ssyncadd.s32 $0xFFFFE0C0  }
0xb1: {  	[tilespmem:s24], [sflag:$0x3] =	stream.indirect.gather [hbm4b:s4+s19], $0x40, s10, s19, $0xb8;
	[tilespmem:$0x1AC40] =	vst v63  }
0xb2: {  	_ =	swait.ge [sflag:s25], $0x1F40  }
0xb3: {  	[sflag:s25] =	ssyncset.done $0x0  }
0xb4: {  	[sflag:s25] =	ssyncadd.s32 $0xFFFFE0C0  }
0xb5: {  	[spmem:s2] =	stream.indirect.scatter.add.f32 [tilespmem:s29], [sflag:$0xA], $0x40, s9, s19, $0xb8;
	[tilespmem:$0x1AC40] =	vst v63  }
.Ltmp4:
0xb6: {  	_ = 	snop;
	(pc) =	sbr.rel .LBB2_4-.Ltmp4, $4  }
0xb7: {  	_ =	swait.ge [sflag:s21], $0x1F40  }
0xb8: {  	[sflag:s21] =	ssyncset.done $0x0  }
0xb9: {  	s14 =	sadd.s32 $0x680, s8;
	s6 =	sadd.s32 $0xA00, s6;
	[sflag:s21] =	ssyncadd.s32 $0xFFFFE0C0  }
0xba: {  	[tilespmem:s26], [sflag:$0x4] =	stream.indirect.gather [hbm4b:s4+s19], $0x40, s14, s19, $0xb8;
	[tilespmem:$0x1AC40] =	vst v63  }
.LBB2_7:
0xbb: {  	_ =	sfence.sel $0x180000  }
0xbc: {  	[bflag:$0x0] =	sbarrier.arrive $0xFFFF  }
0xbd: {  	_ =	strace $0x9000004A  }
0xbe: {  	s0 =	stileid.u32;
	[bflag:$0x2] =	sbarrier.arrive $0xFFFF  }
0xbf: {  	p0 =	sne.s32 s0, $0x0;
	s0 =	rddreg [dreg:$0x2]  }
0xc0: {  	s0 =	sadd.s32 @!p0 $0x100000, s0  }
0xc1: {  	[sflag:s0] =	ssyncadd.tile.s32 @!p0 $0x1;
	_ =	shalt  }
.Lfunc_end2:
_tile_overlayer_lowered:
.L_overlay_start_2:
0xc2: {  	(tag) =	ssettag $0x2  }
0xc3: {  	s0 =	rddreg [dreg:$0x0];
	s2 =	stileid.u32  }
0xc4: {  	s1 =	rddreg [dreg:$0x1];
	p0 =	sne.s32 s2, $0x0  }
0xc5: {  	s3 =	rddreg [dreg:$0x2];
	[bflag:$0x3] =	sbarrier.arrive $0xFFFF;
	s2 =	simm.s32 @!p0 $0x1C0C  }
0xc6: {  	[timem:s3], [sflag:s2] =	dma.local @!p0 [hbm:s0], s1  }
0xc7: {  	s0 =	simm.s32 @!p0 $0xC  }
0xc8: {  	_ =	swait.ge @!p0 [sflag:s0], s1  }
0xc9: {  	s1 =	ssub.s32 @!p0 $0x0, s1;
	[sflag:s0] =	ssyncset.done @!p0 $0x0  }
0xca: {  	[sflag:s0] =	ssyncadd.s32 @!p0 s1  }
0xcb: {  	[bflag:$0x3] =	sbarrier.arrive $0xFFFF  }
0xcc: {  	_ =	shalt  }

// kernel: kernel.15.cloned.1.call-start
scs
__scs_entry_jumppad:
0x0: {  	(pc) =	sbr.rel $0x88, $3  }
0x1: {  	(tag) =	ssettag $0x0;
	lr =	simm.s32 $0x1  }
0x2: {  	[smem:$0x3F9B] =	sst lr;
	_ =	strace $0xD0000000  }
0x3: {  	_ = 	snop  }
0x4: {  	_ = 	snop  }
0x5: {  	_ = 	snop  }
0x6: {  	_ = 	snop  }
0x7: {  	_ = 	snop  }
__scs_overlays_trampoline_lowered:
0x8: {  	[smem:$0x3FAA] =	sst s0  }
0x9: {  	[smem:$0x3FAB] =	sst s1  }
0xa: {  	[smem:$0x3FAC] =	sst s2  }
0xb: {  	[smem:$0x3FAD] =	sst s3  }
0xc: {  	[smem:$0x3FAE] =	sst s4  }
0xd: {  	[smem:$0x3FAF] =	sst s5  }
0xe: {  	[smem:$0x3FB0] =	sst s6  }
0xf: {  	[smem:$0x3FB1] =	sst s7  }
0x10: {  	[smem:$0x3FB2] =	sst s8  }
0x11: {  	[smem:$0x3FB3] =	sst s9;
	s0 =	simm.s32 @!p0 $0x0  }
0x12: {  	s1 =	sld [smem:$0x3F99];
	s0 =	simm.s32 @p0 $0x1  }
0x13: {  	[smem:$0x3FB4] =	sst s0;
	s0 =	simm.s32 @!p1 $0x0  }
0x14: {  	s2 =	sld [smem:$0x3F98];
	s0 =	simm.s32 @p1 $0x1  }
0x15: {  	[smem:$0x3FB5] =	sst s0;
	s0 =	simm.s32 @!p2 $0x0  }
0x16: {  	s3 =	sld [smem:$0x3FDB];
	s0 =	simm.s32 @p2 $0x1  }
0x17: {  	s4 =	simm.s32 $0x1BF5;
	[smem:$0x3FB7] =	sst s0  }
0x18: {  	s0 =	sld [smem:$0x3F9A];
	_ =	swait.ge [sflag:s4], $0x0  }
0x19: {  	s7 =	sld [smem:$0x3F9B]  }
0x1a: {  	s8 =	sadd.s32 $0xFFFFE003, lr  }
0x1b: {  	s9 =	sadd.s32 $0xFFFFFEF7, lr;
	s5 =	simm.s32 $0xFFFFFFFF;
	p2 =	slt.u32 s8, $0xFFFFF086  }
0x1c: {  	p1 =	slt.u32 s9, $0xF7A;
	s5 =	simm.s32 @!p2 $0x0  }
0x1d: {  	s5 =	simm.s32 @p1 $0x1;
	p0 =	seq.s32 s7, s2  }
0x1e: {  	s7 =	smul.u32 @!p0 $0xF7A, s2;
	p2 =	seq.s32 @!p0 s5, $0x0  }
0x1f: {  	s9 =	smul.u32 $0xF7A, s1;
	s8 =	simm.s32 @!p0 $0x1BF5;
	p2 =	por !p2, p0  }
0x20: {  	[sflag:s8] =	ssyncset.s32 @!p0 $0xFFFFF086;
	s6 =	sadd.s32 @!p0 s3, s7;
	s7 =	simm.s32 @!p0 $0x108  }
0x21: {  	s3 =	sadd.s32 s3, s9;
	s6 =	sadd.s32 @!p0 $0x88, s6;
	s7 =	simm.s32 @p2 $0x1082  }
0x22: {  	[simem:s7], [sflag:s8] =	dma.local @!p0 [hbm:s6], $0xF7A  }
0x23: {  	s9 =	sor.u32 $0xD0000000, s2;
	s6 =	simm.s32 $0x108;
	_ =	swait.ge @!p0 [sflag:s8], $0x0  }
0x24: {  	s3 =	sadd.s32 $0x88, s3;
	s6 =	simm.s32 @!p1 $0x1082;
	[sflag:s4] =	ssyncset.s32 $0xFFFFF086  }
0x25: {  	[simem:s6], [sflag:s4] =	dma.local [hbm:s3], $0xF7A  }
0x26: {  	[smem:$0x3F9B] =	sst s1;
	(tag) =	ssettag s2;
	_ =	strace s9  }
0x27: {  	s1 =	sld [smem:$0x3FAB]  }
0x28: {  	s2 =	sld [smem:$0x3FAC]  }
0x29: {  	s4 =	sld [smem:$0x3FAE]  }
0x2a: {  	p0 =	seq.s32 s5, $0x0;
	s5 =	sld [smem:$0x3FAF]  }
0x2b: {  	s6 =	sld [smem:$0x3FB0]  }
0x2c: {  	s7 =	sld [smem:$0x3FB1]  }
0x2d: {  	s3 =	simm.s32 $0x108;
	s8 =	sld [smem:$0x3FB2]  }
0x2e: {  	s3 =	simm.s32 @!p0 $0x1082;
	s9 =	sld [smem:$0x3FB3]  }
0x2f: {  	lr =	sadd.s32 s0, s3;
	s0 =	sld [smem:$0x3FAA]  }
0x30: {  	s3 =	sld [smem:$0x3FAD]  }
0x31: {  	[smem:$0x3FB6] =	sst s10  }
0x32: {  	s10 =	sld [smem:$0x3FB4];
	_ =	sdelay $0x3  }
0x33: {  	p0 =	seq.s32 s10, $0x1;
	s10 =	sld [smem:$0x3FB6];
	_ =	sdelay $0x3  }
0x34: {  	[smem:$0x3FB6] =	sst s10  }
0x35: {  	s10 =	sld [smem:$0x3FB5];
	_ =	sdelay $0x3  }
0x36: {  	p1 =	seq.s32 s10, $0x1;
	s10 =	sld [smem:$0x3FB6];
	_ =	sdelay $0x3  }
0x37: {  	[smem:$0x3FB6] =	sst s10  }
0x38: {  	s10 =	sld [smem:$0x3FB7]  }
0x39: {  	_ = 	snop;
	(pc) =	sbr.ind lr, $3  }
0x3a: {  	_ = 	snop  }
0x3b: {  	_ = 	snop  }
0x3c: {  	p2 =	seq.s32 s10, $0x1;
	s10 =	sld [smem:$0x3FB6]  }
0x3d: {  	_ =	shalt  }
0x3e: {  	_ =	shalt  }
0x3f: {  	_ =	shalt  }
0x40: {  	_ =	shalt  }
0x41: {  	_ =	shalt  }
0x42: {  	_ =	shalt  }
0x43: {  	_ =	shalt  }
0x44: {  	_ =	shalt  }
0x45: {  	_ =	shalt  }
0x46: {  	_ =	shalt  }
0x47: {  	_ =	shalt  }
0x48: {  	_ =	shalt  }
0x49: {  	_ =	shalt  }
0x4a: {  	_ =	shalt  }
0x4b: {  	_ =	shalt  }
0x4c: {  	_ =	shalt  }
0x4d: {  	_ =	shalt  }
0x4e: {  	_ =	shalt  }
0x4f: {  	_ =	shalt  }
0x50: {  	_ =	shalt  }
0x51: {  	_ =	shalt  }
0x52: {  	_ =	shalt  }
0x53: {  	_ =	shalt  }
0x54: {  	_ =	shalt  }
0x55: {  	_ =	shalt  }
0x56: {  	_ =	shalt  }
0x57: {  	_ =	shalt  }
0x58: {  	_ =	shalt  }
0x59: {  	_ =	shalt  }
0x5a: {  	_ =	shalt  }
0x5b: {  	_ =	shalt  }
0x5c: {  	_ =	shalt  }
0x5d: {  	_ =	shalt  }
0x5e: {  	_ =	shalt  }
0x5f: {  	_ =	shalt  }
0x60: {  	_ =	shalt  }
0x61: {  	_ =	shalt  }
0x62: {  	_ =	shalt  }
0x63: {  	_ =	shalt  }
0x64: {  	_ =	shalt  }
0x65: {  	_ =	shalt  }
0x66: {  	_ =	shalt  }
0x67: {  	_ =	shalt  }
0x68: {  	_ =	shalt  }
0x69: {  	_ =	shalt  }
0x6a: {  	_ =	shalt  }
0x6b: {  	_ =	shalt  }
0x6c: {  	_ =	shalt  }
0x6d: {  	_ =	shalt  }
0x6e: {  	_ =	shalt  }
0x6f: {  	_ =	shalt  }
0x70: {  	_ =	shalt  }
0x71: {  	_ =	shalt  }
0x72: {  	_ =	shalt  }
0x73: {  	_ =	shalt  }
0x74: {  	_ =	shalt  }
0x75: {  	_ =	shalt  }
0x76: {  	_ =	shalt  }
0x77: {  	_ =	shalt  }
0x78: {  	_ =	shalt  }
0x79: {  	_ =	shalt  }
0x7a: {  	_ =	shalt  }
0x7b: {  	_ =	shalt  }
0x7c: {  	_ =	shalt  }
0x7d: {  	_ =	shalt  }
0x7e: {  	_ =	shalt  }
0x7f: {  	_ =	shalt  }
0x80: {  	_ =	shalt  }
0x81: {  	_ =	shalt  }
0x82: {  	_ =	shalt  }
0x83: {  	_ =	shalt  }
0x84: {  	_ =	shalt  }
0x85: {  	_ =	shalt  }
0x86: {  	_ =	shalt  }
0x87: {  	_ =	shalt  }
.Lfunc_end0:
.L_simem_size_0:
called_computation.2_lowered:
.L_overlay_start_0:
0x88: {  	s2 =	sld [smem:$0x3FD9]  }
0x89: {  	s3 =	sld [smem:$0x3FFE];
	_ =	sdelay $0x1  }
0x8a: {  	s1 =	srdreg.scid  }
0x8b: {  	s0 =	sand.u32 $0x1, s1  }
0x8c: {  	s16 =	sshll.u32 s0, $0xA;
	s2 =	sadd.s32 s3, s2  }
0x8d: {  	s2 =	sadd.s32 s2, s16  }
0x8e: {  	[smem:$0x3FC2] =	sst s2  }
0x8f: {  	_ = 	snop  }
0x90: {  	(tm) =	ssettm $0x1  }
0x91: {  	s17 =	sld [smem:$0x3FFB];
	_ =	sdelay $0x3  }
0x92: {  	_ =	strace s17  }
0x93: {  	s2 =	sld [smem:$0x3FFC];
	_ =	sdelay $0x3  }
0x94: {  	_ =	strace s2  }
0x95: {  	s2 =	sld [smem:$0x3FFD];
	_ =	sdelay $0x3  }
0x96: {  	_ =	strace s2  }
0x97: {  	_ =	strace $0x8FFFFFFF  }
0x98: {  	s18 =	sld [smem:$0x3FDB];
	_ =	sdelay $0x1  }
0x99: {  	s19 =	simm.s32 $_scs_section_size  }
0x9a: {  	s4 =	simm.s32 $_size__tile_overlayer_lowered;
	s5 =	simm.s32 $_tile_overlayer_lowered  }
0x9b: {  	s22 =	simm.s32 $0x1BFF;
	s21 =	sshll.u32 s5, $0x1;
	s2 =	sadd.s32 s19, s18  }
0x9c: {  	s6 =	simm.s32 $0x0;
	s20 =	sshll.u32 s4, $0x1;
	s4 =	sadd.s32 s21, s2  }
0x9d: {  	[timem:s6], [sflag:s22] =	dma.local [hbm:s4], s20  }
0x9e: {  	_ =	swait.ge [sflag:s22], s20  }
0x9f: {  	s3 =	ssub.s32 $0x0, s20;
	[sflag:s22] =	ssyncset.done $0x0  }
0xa0: {  	[sflag:s22] =	ssyncadd.s32 s3;
	_ =	sdelay $0x1  }
0xa1: {  	s23 =	simm.s32 $0x1B8B  }
0xa2: {  	_ =	swait.ge [sflag:s23], $0x1  }
0xa3: {  	[sflag:s23] =	ssyncset.done $0x0  }
0xa4: {  	s25 =	simm.s32 $0x1B8E;
	s24 =	sld [smem:$0x3FFE];
	[sflag:s23] =	ssyncadd.s32 $0xFFFFFFFF  }
0xa5: {  	s26 =	simm.s32 $execute0_lowered;
	[smem:$0x3FD2] =	sst s25  }
0xa6: {  	s4 =	sshll.u32 s26, $0x1;
	_ =	strace $0x8000004C;
	[dreg:$0x1] =	wrdreg $0xFFFFFFFF  }
0xa7: {  	s28 =	simm.s32 $_size_execute0_lowered;
	s2 =	sadd.s32 s2, s4;
	[dreg:$0x0] =	wrdreg $0x0  }
0xa8: {  	s4 =	sshll.u32 s28, $0x1;
	[dreg:$0x2] =	wrdreg s2  }
0xa9: {  	[dreg:$0x3] =	wrdreg s4  }
0xaa: {  	[dreg:$0x4] =	wrdreg $0xC0  }
0xab: {  	_ =	task [dreg:s6], $0x5FFFF  }
0xac: {  	[dreg:$0x1] =	wrdreg $0xFFFFFFFF  }
0xad: {  	[dreg:$0x0] =	wrdreg $0x60  }
0xae: {  	[dreg:$0x2] =	wrdreg s24  }
0xaf: {  	[dreg:$0x3] =	wrdreg $0xDD300  }
0xb0: {  	[dreg:$0x4] =	wrdreg $0x9  }
0xb1: {  	_ =	task.clear_ibuf [dreg:s6], $0x5FFFF;
	_ =	strace $0x9000004C  }
0xb2: {  	s29 =	simm.s32 $0x9;
	_ =	strace $0x8000004E  }
0xb3: {  	_ =	swait.ge [sflag:s29], $0x1  }
0xb4: {  	[sflag:s29] =	ssyncadd.s32 $0xFFFFFFFF  }
0xb5: {  	_ =	strace $0x9000004E  }
0xb6: {  	_ =	sfence  }
0xb7: {  	s30 =	sld [smem:$0x0];
	_ =	sdelay $0x2  }
0xb8: {  	s31 =	sshll.u32 s1, $0xD;
	s1 =	sshrl.u32 s1, $0x2  }
0xb9: {  	s3 =	sand.u32 $0x4000, s31;
	s1 =	sadd.s32 s1, s30  }
0xba: {  	s0 =	sor.u32 s3, s0;
	s1 =	sshll.u32 s1, $0x11  }
0xbb: {  	s0 =	sor.u32 s1, s0  }
0xbc: {  	s0 =	sadd.s32 $0x8F2B, s0  }
0xbd: {  	[sflag:s0] =	ssyncadd.remote.s32 $0x1  }
0xbe: {  	_ =	sfence.sel $0xFFFF  }
0xbf: {  	[dreg:$0x0] =	wrdreg $0xFFFFFFFF;
	(pc) =	sbr.abs _section_cstart, $3  }
0xc0: {  	[dreg:$0x1] =	wrdreg $0xFFFFFFFF  }
0xc1: {  	_ =	task.clear_ibuf [dreg:s6], $0x2FFFF;
	_ =	strace $0x9FFFFFFF  }
0xc2: {  	(tm) =	ssettm $0x7FFFFFFF  }
0xc3: {  	_ =	shalt  }
tec
execute0_lowered:
.L_overlay_start_1:
0x0: {  	(tag) =	ssettag $0x1  }
0x1: {  	s0 =	rddreg [dreg:$0x0];
	s1 =	srdreg.scid  }
0x2: {  	s8 =	stileid.u32;
	s2 =	rddreg [dreg:$0x1]  }
0x3: {  	s4 =	simm.s32 $0x0;
	s10 =	simm.s32 $0x2800;
	s15 =	simm.s32 $0xC530  }
0x4: {  	s16 =	simm.s32 $0xB;
	s17 =	simm.s32 $0x1;
	s18 =	simm.s32 $0x2  }
0x5: {  	s19 =	simm.s32 $0x7D;
	s20 =	simm.s32 $0x5000;
	s29 =	simm.s32 $0xADC0  }
0x6: {  	s31 =	simm.s32 $0x6;
	s28 =	simm.s32 $0x4;
	s21 =	simm.s32 $0x9  }
0x7: {  	s30 =	simm.s32 $0xA;
	s1 =	sand.u32 $0x1, s1;
	s3 =	sshll.u32 s8, $0x1  }
0x8: {  	[smem:$0x7FF] =	sst s4;
	s6 =	smul.u32 $0x1E000, s8;
	s4 =	sadd.s32 $0x67400, s0  }
0x9: {  	s25 =	smul.u32 $0x2800, s8;
	s3 =	sor.u32 s1, s3;
	s5 =	ssub.s32 $0x2, s1  }
0xa: {  	_ =	strace $0x8000004D;
	s7 =	sshrl.u32 s5, $0x1;
	s6 =	sshrl.u32 s6, $0x2  }
0xb: {  	p0 =	seq.s32 s1, $0x1;
	s5 =	ssub.s32 s5, s7;
	s7 =	sadd.s32 s6, s2  }
0xc: {  	s1 =	simm.s32 $0x9E000;
	s3 =	smul.u32 $0x2800, s3;
	s23 =	sadd.s32 $0x1800, s7  }
0xd: {  	s1 =	simm.s32 @!p0 $0x76000;
	s24 =	sadd.s32 $0x3000, s7;
	[dreg:$0x5] =	wrdreg s23  }
0xe: {  	s3 =	sshrl.u32 s3, $0x3;
	s6 =	sadd.s32 $0x4800, s7;
	[dreg:$0x6] =	wrdreg s24  }
0xf: {  	s26 =	sadd.s32 $0x6000, s7;
	s12 =	smax.u32 s5, $0x1;
	[dreg:$0x7] =	wrdreg s6  }
0x10: {  	s5 =	simm.s32 $0x0;
	s3 =	sadd.s32 s3, s0;
	[dreg:$0x8] =	wrdreg s26  }
.Ltmp0:
0x11: {  	s0 =	sadd.s32 s1, s0;
	s24 =	simm.s32 $0x7EE0;
	(pc) =	sbr.rel .LBB2_1-.Ltmp0, $4  }
0x12: {  	s26 =	simm.s32 $0x9650;
	s23 =	simm.s32 $0x7;
	s1 =	simm.s32 $0x8  }
0x13: {  	s22 =	sadd.s32 $0x3400, s3;
	s3 =	sadd.s32 $0xD400, s3;
	s13 =	sadd.s32 s0, s25  }
0x14: {  	s0 =	simm.s32 $0x3;
	s25 =	simm.s32 $0x5;
	[dreg:$0x3] =	wrdreg s22  }
0x15: {  	v0 =	vimm.f32 $0.0e+00;
	[dreg:$0x4] =	wrdreg s3;
	s22 =	simm.s32 $0x6770;
	s3 =	simm.s32 $0xC  }
.LBB2_6:
0x16: {  	_ =	swait.ge [sflag:s25], $0x1770  }
0x17: {  	[sflag:s25] =	ssyncset.done $0x0  }
0x18: {  	[sflag:s25] =	ssyncadd.s32 $0xFFFFE890  }
0x19: {  	[spmem:s2] =	stream.indirect.scatter.add.f32 [tilespmem:s29], [sflag:$0xA], $0x30, s9, s19, $0xb8;
	[tilespmem:$0x15530] =	vst v63  }
0x1a: {  	_ =	swait.ge [sflag:s31], $0x1770  }
0x1b: {  	[sflag:s31] =	ssyncset.done $0x0  }
0x1c: {  	[sflag:s31] =	ssyncadd.s32 $0xFFFFE890  }
0x1d: {  	_ =	swait.ge [sflag:s23], $0x1770  }
0x1e: {  	[sflag:s23] =	ssyncset.done $0x0  }
0x1f: {  	[sflag:s23] =	ssyncadd.s32 $0xFFFFE890  }
0x20: {  	_ =	swait.ge [sflag:s1], $0x1770  }
0x21: {  	[sflag:s1] =	ssyncset.done $0x0  }
0x22: {  	[sflag:s1] =	ssyncadd.s32 $0xFFFFE890  }
0x23: {  	_ =	swait.ge [sflag:s21], $0x1770  }
0x24: {  	[sflag:s21] =	ssyncset.done $0x0  }
0x25: {  	[sflag:s21] =	ssyncadd.s32 $0xFFFFE890  }
0x26: {  	s6 =	stileid.u32;
	s8 =	sshrl.u32 s7, $0x3;
	_ =	swait.ge [sflag:s30], $0x1770  }
0x27: {  	s14 =	simm.s32 $0x10;
	s5 =	sadd.s32 $0x1, s5;
	[sflag:s30] =	ssyncset.done $0x0  }
0x28: {  	s6 =	sshll.u32 s6, $0x6;
	p0 =	sne.s32 s5, s12;
	[sflag:s30] =	ssyncadd.s32 $0xFFFFE890  }
.Ltmp1:
0x29: {  	s6 =	sor.u32 $0x1C0C, s6;
	[bflag:$0x0] =	sbarrier.arrive $0xFFFF;
	(pc) =	sbr.rel @!p0 .LBB2_7-.Ltmp1, $4  }
0x2a: {  	[hbm:s13@s14], [sflag:s6] =	dma.strided [spmem:s8@s31], $0xF00, s17, $0x6   }
0x2b: {  	_ =	swait.ge [sflag:s3], $0xF00  }
0x2c: {  	[sflag:s3] =	ssyncset.done $0x0  }
0x2d: {  	s10 =	simm.s32 $0x2800;
	[sflag:s3] =	ssyncadd.s32 $0xFFFFF100  }
.LBB2_1:
0x2e: {  	s6 =	simm.s32 $0x0;
	s8 =	rddreg [dreg:$0x3]  }
0x2f: {  	[tilespmem:s6], [sflag:$0x1] =	stream.linear.gather [hbm4b:s8+s6], $0x2800, $0x38;
	[tilespmem:$0x15530] =	vst v63  }
0x30: {  	s14 =	rddreg [dreg:$0x4]  }
0x31: {  	[tilespmem:s10], [sflag:$0x2] =	stream.linear.gather [hbm4b:s14+s6], $0x2800, $0x38;
	[tilespmem:$0x15530] =	vst v63  }
0x32: {  	s8 =	simm.s32 $0x0;
	s6 =	simm.s32 $0xC0  }
.LBB2_2:
0x33: {  	p0 =	sne.s32 s6, $0x5F40;
	[tilespmem:s8+$0xC550] =	vst v0;
	s9 =	smov.u32 s6;
	s6 =	sadd.s32 $0xC0, s6  }
.Ltmp2:
0x34: {  	[tilespmem:s8+$0xC530] =	vst v0;
	(pc) =	sbr.rel @p0 .LBB2_2-.Ltmp2, $2  }
0x35: {  	[tilespmem:s8+$0xC540] =	vst v0;
	_ =	sdelay $0x2  }
0x36: {  	s8 =	sshra.s32 s9, $0x2  }
0x37: {  	[tilespmem:s8+$0xC550] =	vst v0  }
0x38: {  	[tilespmem:s8+$0xC530] =	vst v0  }
0x39: {  	[tilespmem:s8+$0xC540] =	vst v0  }
0x3a: {  	[spmem:s7] =	stream.linear.scatter [tilespmem:s15], [sflag:$0xB], $0x1800, $0x38;
	[tilespmem:$0x15530] =	vst v63  }
0x3b: {  	s6 =	rddreg [dreg:$0x5]  }
0x3c: {  	[spmem:s6] =	stream.linear.scatter [tilespmem:s15], [sflag:$0xB], $0x1800, $0x38;
	[tilespmem:$0x15530] =	vst v63  }
0x3d: {  	s8 =	rddreg [dreg:$0x6]  }
0x3e: {  	[spmem:s8] =	stream.linear.scatter [tilespmem:s15], [sflag:$0xB], $0x1800, $0x38;
	[tilespmem:$0x15530] =	vst v63  }
0x3f: {  	s9 =	rddreg [dreg:$0x7]  }
0x40: {  	[spmem:s9] =	stream.linear.scatter [tilespmem:s15], [sflag:$0xB], $0x1800, $0x38;
	[tilespmem:$0x15530] =	vst v63  }
0x41: {  	s11 =	rddreg [dreg:$0x8]  }
0x42: {  	[spmem:s11] =	stream.linear.scatter [tilespmem:s15], [sflag:$0xB], $0x1800, $0x38;
	[tilespmem:$0x15530] =	vst v63  }
0x43: {  	_ =	swait.ge [sflag:s16], $0x1800  }
0x44: {  	[sflag:s16] =	ssyncset.done $0x0  }
0x45: {  	[sflag:s16] =	ssyncadd.s32 $0xFFFFE800  }
0x46: {  	_ =	swait.ge [sflag:s16], $0x1800  }
0x47: {  	[sflag:s16] =	ssyncset.done $0x0  }
0x48: {  	[sflag:s16] =	ssyncadd.s32 $0xFFFFE800  }
0x49: {  	_ =	swait.ge [sflag:s16], $0x1800  }
0x4a: {  	[sflag:s16] =	ssyncset.done $0x0  }
0x4b: {  	[sflag:s16] =	ssyncadd.s32 $0xFFFFE800  }
0x4c: {  	_ =	swait.ge [sflag:s16], $0x1800  }
0x4d: {  	[sflag:s16] =	ssyncset.done $0x0  }
0x4e: {  	[sflag:s16] =	ssyncadd.s32 $0xFFFFE800  }
0x4f: {  	_ =	swait.ge [sflag:s16], $0x1800  }
0x50: {  	[sflag:s16] =	ssyncset.done $0x0  }
0x51: {  	[sflag:s16] =	ssyncadd.s32 $0xFFFFE800  }
0x52: {  	_ =	swait.ge [sflag:s17], $0x2800  }
0x53: {  	[sflag:s17] =	ssyncset.done $0x0  }
0x54: {  	[sflag:s17] =	ssyncadd.s32 $0xFFFFD800  }
0x55: {  	_ =	swait.ge [sflag:s18], $0x2800  }
0x56: {  	[sflag:s18] =	ssyncset.done $0x0  }
0x57: {  	[sflag:s18] =	ssyncadd.s32 $0xFFFFD800  }
0x58: {  	s6 =	simm.s32 $0x0;
	[bflag:$0x0] =	sbarrier.arrive $0xFFFF  }
0x59: {  	[tilespmem:s20], [sflag:$0x1] =	stream.indirect.gather [hbm4b:s4+s19], $0x30, s6, s19, $0xb8;
	[tilespmem:$0x15530] =	vst v63  }
0x5a: {  	s14 =	simm.s32 $0x80  }
0x5b: {  	[tilespmem:s22], [sflag:$0x2] =	stream.indirect.gather [hbm4b:s4+s19], $0x30, s14, s19, $0xb8;
	[tilespmem:$0x15530] =	vst v63  }
0x5c: {  	s9 =	simm.s32 $0x100  }
0x5d: {  	[tilespmem:s24], [sflag:$0x3] =	stream.indirect.gather [hbm4b:s4+s19], $0x30, s9, s19, $0xb8;
	[tilespmem:$0x15530] =	vst v63  }
0x5e: {  	s11 =	simm.s32 $0x180  }
0x5f: {  	[tilespmem:s26], [sflag:$0x4] =	stream.indirect.gather [hbm4b:s4+s19], $0x30, s11, s19, $0xb8;
	[tilespmem:$0x15530] =	vst v63  }
0x60: {  	_ =	swait.ge [sflag:s17], $0x1770  }
0x61: {  	[sflag:s17] =	ssyncset.done $0x0  }
0x62: {  	[sflag:s17] =	ssyncadd.s32 $0xFFFFE890  }
0x63: {  	[spmem:s2] =	stream.indirect.scatter.add.f32 [tilespmem:s20], [sflag:$0x6], $0x30, s10, s19, $0xb8;
	[tilespmem:$0x15530] =	vst v63  }
0x64: {  	s14 =	simm.s32 $0x200  }
0x65: {  	[tilespmem:s29], [sflag:$0x5] =	stream.indirect.gather [hbm4b:s4+s19], $0x30, s14, s19, $0xb8;
	[tilespmem:$0x15530] =	vst v63  }
0x66: {  	_ =	swait.ge [sflag:s18], $0x1770  }
0x67: {  	[sflag:s18] =	ssyncset.done $0x0  }
0x68: {  	s9 =	simm.s32 $0x2880;
	[sflag:s18] =	ssyncadd.s32 $0xFFFFE890  }
0x69: {  	[spmem:s2] =	stream.indirect.scatter.add.f32 [tilespmem:s22], [sflag:$0x7], $0x30, s9, s19, $0xb8;
	[tilespmem:$0x15530] =	vst v63  }
0x6a: {  	_ =	swait.ge [sflag:s31], $0x1770  }
0x6b: {  	[sflag:s31] =	ssyncset.done $0x0  }
0x6c: {  	s10 =	simm.s32 $0x280;
	[sflag:s31] =	ssyncadd.s32 $0xFFFFE890  }
0x6d: {  	[tilespmem:s20], [sflag:$0x1] =	stream.indirect.gather [hbm4b:s4+s19], $0x30, s10, s19, $0xb8;
	[tilespmem:$0x15530] =	vst v63  }
0x6e: {  	_ =	swait.ge [sflag:s0], $0x1770  }
0x6f: {  	[sflag:s0] =	ssyncset.done $0x0  }
0x70: {  	s11 =	simm.s32 $0x2900;
	[sflag:s0] =	ssyncadd.s32 $0xFFFFE890  }
0x71: {  	[spmem:s2] =	stream.indirect.scatter.add.f32 [tilespmem:s24], [sflag:$0x8], $0x30, s11, s19, $0xb8;
	[tilespmem:$0x15530] =	vst v63  }
0x72: {  	_ =	swait.ge [sflag:s23], $0x1770  }
0x73: {  	[sflag:s23] =	ssyncset.done $0x0  }
0x74: {  	s14 =	simm.s32 $0x300;
	[sflag:s23] =	ssyncadd.s32 $0xFFFFE890  }
0x75: {  	[tilespmem:s22], [sflag:$0x2] =	stream.indirect.gather [hbm4b:s4+s19], $0x30, s14, s19, $0xb8;
	[tilespmem:$0x15530] =	vst v63  }
0x76: {  	_ =	swait.ge [sflag:s28], $0x1770  }
0x77: {  	[sflag:s28] =	ssyncset.done $0x0  }
0x78: {  	s9 =	simm.s32 $0x2980;
	[sflag:s28] =	ssyncadd.s32 $0xFFFFE890  }
0x79: {  	[spmem:s2] =	stream.indirect.scatter.add.f32 [tilespmem:s26], [sflag:$0x9], $0x30, s9, s19, $0xb8;
	[tilespmem:$0x15530] =	vst v63  }
0x7a: {  	_ =	swait.ge [sflag:s1], $0x1770  }
0x7b: {  	[sflag:s1] =	ssyncset.done $0x0  }
0x7c: {  	s10 =	simm.s32 $0x380;
	[sflag:s1] =	ssyncadd.s32 $0xFFFFE890  }
0x7d: {  	[tilespmem:s24], [sflag:$0x3] =	stream.indirect.gather [hbm4b:s4+s19], $0x30, s10, s19, $0xb8;
	[tilespmem:$0x15530] =	vst v63  }
0x7e: {  	_ =	swait.ge [sflag:s25], $0x1770  }
0x7f: {  	[sflag:s25] =	ssyncset.done $0x0  }
0x80: {  	s11 =	simm.s32 $0x2A00;
	[sflag:s25] =	ssyncadd.s32 $0xFFFFE890  }
0x81: {  	[spmem:s2] =	stream.indirect.scatter.add.f32 [tilespmem:s29], [sflag:$0xA], $0x30, s11, s19, $0xb8;
	[tilespmem:$0x15530] =	vst v63  }
0x82: {  	_ =	swait.ge [sflag:s21], $0x1770  }
0x83: {  	[sflag:s21] =	ssyncset.done $0x0  }
0x84: {  	s14 =	simm.s32 $0x400;
	[sflag:s21] =	ssyncadd.s32 $0xFFFFE890  }
0x85: {  	[tilespmem:s26], [sflag:$0x4] =	stream.indirect.gather [hbm4b:s4+s19], $0x30, s14, s19, $0xb8;
	[tilespmem:$0x15530] =	vst v63  }
.LBB2_4:
0x86: {  	_ =	swait.ge [sflag:s17], $0x1770  }
0x87: {  	s8 =	sshra.s32 s6, $0x2;
	[sflag:s17] =	ssyncset.done $0x0  }
0x88: {  	s9 =	sadd.s32 $0x2A80, s8;
	[sflag:s17] =	ssyncadd.s32 $0xFFFFE890  }
0x89: {  	[spmem:s2] =	stream.indirect.scatter.add.f32 [tilespmem:s20], [sflag:$0x6], $0x30, s9, s19, $0xb8;
	[tilespmem:$0x15530] =	vst v63  }
0x8a: {  	_ =	swait.ge [sflag:s30], $0x1770  }
0x8b: {  	[sflag:s30] =	ssyncset.done $0x0  }
0x8c: {  	s10 =	sadd.s32 $0x480, s8;
	[sflag:s30] =	ssyncadd.s32 $0xFFFFE890  }
0x8d: {  	[tilespmem:s29], [sflag:$0x5] =	stream.indirect.gather [hbm4b:s4+s19], $0x30, s10, s19, $0xb8;
	[tilespmem:$0x15530] =	vst v63  }
0x8e: {  	_ =	swait.ge [sflag:s18], $0x1770  }
0x8f: {  	p0 =	seq.s32 s6, $0x8C00;
	[sflag:s18] =	ssyncset.done $0x0  }
0x90: {  	s11 =	sadd.s32 $0x2B00, s8;
	s9 =	simm.s32 @p0 $0x3;
	[sflag:s18] =	ssyncadd.s32 $0xFFFFE890  }
0x91: {  	[spmem:s2] =	stream.indirect.scatter.add.f32 [tilespmem:s22], [sflag:$0x7], $0x30, s11, s19, $0xb8;
	[tilespmem:$0x15530] =	vst v63  }
0x92: {  	_ =	swait.ge @p0 [sflag:s9], $0x1770  }
0x93: {  	[sflag:s9] =	ssyncset.done @p0 $0x0  }
0x94: {  	[sflag:s9] =	ssyncadd.s32 @p0 $0xFFFFE890;
	s9 =	sshra.s32 @p0 s6, $0x2  }
0x95: {  	s14 =	simm.s32 @p0 $0x7EE0;
	s10 =	simm.s32 @p0 $0x7D;
	s9 =	sadd.s32 @p0 $0x2B80, s9  }
0x96: {  	[spmem:s2] =	stream.indirect.scatter.add.f32 @p0 [tilespmem:s14], [sflag:$0x8], $0x30, s9, s10, $0xb8;
	[tilespmem:$0x15530] =	vst v63  }
0x97: {  	s9 =	simm.s32 @!p0 $0x6  }
0x98: {  	_ =	swait.ge @!p0 [sflag:s9], $0x1770  }
0x99: {  	[sflag:s9] =	ssyncset.done @!p0 $0x0  }
0x9a: {  	[sflag:s9] =	ssyncadd.s32 @!p0 $0xFFFFE890;
	s9 =	sshra.s32 @!p0 s6, $0x2  }
0x9b: {  	s11 =	simm.s32 @!p0 $0x5000;
	s14 =	simm.s32 @!p0 $0x7D;
	s10 =	sadd.s32 @!p0 $0x500, s9  }
0x9c: {  	[tilespmem:s11], [sflag:$0x1] =	stream.indirect.gather @!p0 [hbm4b:s4+s14], $0x30, s10, s14, $0xb8;
	[tilespmem:$0x15530] =	vst v63  }
0x9d: {  	s10 =	simm.s32 @!p0 $0x3  }
0x9e: {  	_ =	swait.ge @!p0 [sflag:s10], $0x1770  }
0x9f: {  	[sflag:s10] =	ssyncset.done @!p0 $0x0  }
0xa0: {  	s11 =	simm.s32 @!p0 $0x7EE0;
	[sflag:s10] =	ssyncadd.s32 @!p0 $0xFFFFE890;
	s10 =	sadd.s32 @!p0 $0x2B80, s9  }
0xa1: {  	[spmem:s2] =	stream.indirect.scatter.add.f32 @!p0 [tilespmem:s11], [sflag:$0x8], $0x30, s10, s14, $0xb8;
	[tilespmem:$0x15530] =	vst v63  }
0xa2: {  	s10 =	simm.s32 @!p0 $0x7  }
0xa3: {  	_ =	swait.ge @!p0 [sflag:s10], $0x1770  }
0xa4: {  	[sflag:s10] =	ssyncset.done @!p0 $0x0  }
0xa5: {  	s9 =	sadd.s32 @!p0 $0x580, s9;
	[sflag:s10] =	ssyncadd.s32 @!p0 $0xFFFFE890;
	s10 =	simm.s32 @!p0 $0x6770  }
0xa6: {  	[tilespmem:s10], [sflag:$0x2] =	stream.indirect.gather @!p0 [hbm4b:s4+s14], $0x30, s9, s14, $0xb8;
	[tilespmem:$0x15530] =	vst v63  }
.Ltmp3:
0xa7: {  	_ = 	snop;
	(pc) =	sbr.rel @p0 .LBB2_6-.Ltmp3, $4  }
0xa8: {  	_ =	swait.ge [sflag:s28], $0x1770  }
0xa9: {  	[sflag:s28] =	ssyncset.done $0x0  }
0xaa: {  	s14 =	sadd.s32 $0x2C00, s8;
	s9 =	sadd.s32 $0x2C80, s8;
	[sflag:s28] =	ssyncadd.s32 $0xFFFFE890  }
0xab: {  	[spmem:s2] =	stream.indirect.scatter.add.f32 [tilespmem:s26], [sflag:$0x9], $0x30, s14, s19, $0xb8;
	[tilespmem:$0x15530] =	vst v63  }
0xac: {  	_ =	swait.ge [sflag:s1], $0x1770  }
0xad: {  	[sflag:s1] =	ssyncset.done $0x0  }
0xae: {  	s10 =	sadd.s32 $0x600, s8;
	[sflag:s1] =	ssyncadd.s32 $0xFFFFE890  }
0xaf: {  	[tilespmem:s24], [sflag:$0x3] =	stream.indirect.gather [hbm4b:s4+s19], $0x30, s10, s19, $0xb8;
	[tilespmem:$0x15530] =	vst v63  }
0xb0: {  	_ =	swait.ge [sflag:s25], $0x1770  }
0xb1: {  	[sflag:s25] =	ssyncset.done $0x0  }
0xb2: {  	[sflag:s25] =	ssyncadd.s32 $0xFFFFE890  }
0xb3: {  	[spmem:s2] =	stream.indirect.scatter.add.f32 [tilespmem:s29], [sflag:$0xA], $0x30, s9, s19, $0xb8;
	[tilespmem:$0x15530] =	vst v63  }
.Ltmp4:
0xb4: {  	_ = 	snop;
	(pc) =	sbr.rel .LBB2_4-.Ltmp4, $4  }
0xb5: {  	_ =	swait.ge [sflag:s21], $0x1770  }
0xb6: {  	[sflag:s21] =	ssyncset.done $0x0  }
0xb7: {  	s14 =	sadd.s32 $0x680, s8;
	s6 =	sadd.s32 $0xA00, s6;
	[sflag:s21] =	ssyncadd.s32 $0xFFFFE890  }
0xb8: {  	[tilespmem:s26], [sflag:$0x4] =	stream.indirect.gather [hbm4b:s4+s19], $0x30, s14, s19, $0xb8;
	[tilespmem:$0x15530] =	vst v63  }
.LBB2_7:
0xb9: {  	_ =	sfence.sel $0x180000  }
0xba: {  	[bflag:$0x0] =	sbarrier.arrive $0xFFFF  }
0xbb: {  	_ =	strace $0x9000004D  }
0xbc: {  	s0 =	stileid.u32;
	[bflag:$0x2] =	sbarrier.arrive $0xFFFF  }
0xbd: {  	p0 =	sne.s32 s0, $0x0;
	s0 =	rddreg [dreg:$0x2]  }
0xbe: {  	s0 =	sadd.s32 @!p0 $0x100000, s0  }
0xbf: {  	[sflag:s0] =	ssyncadd.tile.s32 @!p0 $0x1;
	_ =	shalt  }
.Lfunc_end2:
_tile_overlayer_lowered:
.L_overlay_start_2:
0xc0: {  	(tag) =	ssettag $0x2  }
0xc1: {  	s0 =	rddreg [dreg:$0x0];
	s2 =	stileid.u32  }
0xc2: {  	s1 =	rddreg [dreg:$0x1];
	p0 =	sne.s32 s2, $0x0  }
0xc3: {  	s3 =	rddreg [dreg:$0x2];
	[bflag:$0x3] =	sbarrier.arrive $0xFFFF;
	s2 =	simm.s32 @!p0 $0x1C0C  }
0xc4: {  	[timem:s3], [sflag:s2] =	dma.local @!p0 [hbm:s0], s1  }
0xc5: {  	s0 =	simm.s32 @!p0 $0xC  }
0xc6: {  	_ =	swait.ge @!p0 [sflag:s0], s1  }
0xc7: {  	s1 =	ssub.s32 @!p0 $0x0, s1;
	[sflag:s0] =	ssyncset.done @!p0 $0x0  }
0xc8: {  	[sflag:s0] =	ssyncadd.s32 @!p0 s1  }
0xc9: {  	[bflag:$0x3] =	sbarrier.arrive $0xFFFF  }
0xca: {  	_ =	shalt  }

// kernel: kernel.9.cloned.1.call-start
scs
__scs_entry_jumppad:
0x0: {  	(pc) =	sbr.rel $0x88, $3  }
0x1: {  	(tag) =	ssettag $0x0;
	lr =	simm.s32 $0x1  }
0x2: {  	[smem:$0x3F9B] =	sst lr;
	_ =	strace $0xD0000000  }
0x3: {  	_ = 	snop  }
0x4: {  	_ = 	snop  }
0x5: {  	_ = 	snop  }
0x6: {  	_ = 	snop  }
0x7: {  	_ = 	snop  }
__scs_overlays_trampoline_lowered:
0x8: {  	[smem:$0x3FAA] =	sst s0  }
0x9: {  	[smem:$0x3FAB] =	sst s1  }
0xa: {  	[smem:$0x3FAC] =	sst s2  }
0xb: {  	[smem:$0x3FAD] =	sst s3  }
0xc: {  	[smem:$0x3FAE] =	sst s4  }
0xd: {  	[smem:$0x3FAF] =	sst s5  }
0xe: {  	[smem:$0x3FB0] =	sst s6  }
0xf: {  	[smem:$0x3FB1] =	sst s7  }
0x10: {  	[smem:$0x3FB2] =	sst s8  }
0x11: {  	[smem:$0x3FB3] =	sst s9;
	s0 =	simm.s32 @!p0 $0x0  }
0x12: {  	s1 =	sld [smem:$0x3F99];
	s0 =	simm.s32 @p0 $0x1  }
0x13: {  	[smem:$0x3FB4] =	sst s0;
	s0 =	simm.s32 @!p1 $0x0  }
0x14: {  	s2 =	sld [smem:$0x3F98];
	s0 =	simm.s32 @p1 $0x1  }
0x15: {  	[smem:$0x3FB5] =	sst s0;
	s0 =	simm.s32 @!p2 $0x0  }
0x16: {  	s3 =	sld [smem:$0x3FDB];
	s0 =	simm.s32 @p2 $0x1  }
0x17: {  	s4 =	simm.s32 $0x1BF5;
	[smem:$0x3FB7] =	sst s0  }
0x18: {  	s0 =	sld [smem:$0x3F9A];
	_ =	swait.ge [sflag:s4], $0x0  }
0x19: {  	s7 =	sld [smem:$0x3F9B]  }
0x1a: {  	s8 =	sadd.s32 $0xFFFFE003, lr  }
0x1b: {  	s9 =	sadd.s32 $0xFFFFFEF7, lr;
	s5 =	simm.s32 $0xFFFFFFFF;
	p2 =	slt.u32 s8, $0xFFFFF086  }
0x1c: {  	p1 =	slt.u32 s9, $0xF7A;
	s5 =	simm.s32 @!p2 $0x0  }
0x1d: {  	s5 =	simm.s32 @p1 $0x1;
	p0 =	seq.s32 s7, s2  }
0x1e: {  	s7 =	smul.u32 @!p0 $0xF7A, s2;
	p2 =	seq.s32 @!p0 s5, $0x0  }
0x1f: {  	s9 =	smul.u32 $0xF7A, s1;
	s8 =	simm.s32 @!p0 $0x1BF5;
	p2 =	por !p2, p0  }
0x20: {  	[sflag:s8] =	ssyncset.s32 @!p0 $0xFFFFF086;
	s6 =	sadd.s32 @!p0 s3, s7;
	s7 =	simm.s32 @!p0 $0x108  }
0x21: {  	s3 =	sadd.s32 s3, s9;
	s6 =	sadd.s32 @!p0 $0x88, s6;
	s7 =	simm.s32 @p2 $0x1082  }
0x22: {  	[simem:s7], [sflag:s8] =	dma.local @!p0 [hbm:s6], $0xF7A  }
0x23: {  	s9 =	sor.u32 $0xD0000000, s2;
	s6 =	simm.s32 $0x108;
	_ =	swait.ge @!p0 [sflag:s8], $0x0  }
0x24: {  	s3 =	sadd.s32 $0x88, s3;
	s6 =	simm.s32 @!p1 $0x1082;
	[sflag:s4] =	ssyncset.s32 $0xFFFFF086  }
0x25: {  	[simem:s6], [sflag:s4] =	dma.local [hbm:s3], $0xF7A  }
0x26: {  	[smem:$0x3F9B] =	sst s1;
	(tag) =	ssettag s2;
	_ =	strace s9  }
0x27: {  	s1 =	sld [smem:$0x3FAB]  }
0x28: {  	s2 =	sld [smem:$0x3FAC]  }
0x29: {  	s4 =	sld [smem:$0x3FAE]  }
0x2a: {  	p0 =	seq.s32 s5, $0x0;
	s5 =	sld [smem:$0x3FAF]  }
0x2b: {  	s6 =	sld [smem:$0x3FB0]  }
0x2c: {  	s7 =	sld [smem:$0x3FB1]  }
0x2d: {  	s3 =	simm.s32 $0x108;
	s8 =	sld [smem:$0x3FB2]  }
0x2e: {  	s3 =	simm.s32 @!p0 $0x1082;
	s9 =	sld [smem:$0x3FB3]  }
0x2f: {  	lr =	sadd.s32 s0, s3;
	s0 =	sld [smem:$0x3FAA]  }
0x30: {  	s3 =	sld [smem:$0x3FAD]  }
0x31: {  	[smem:$0x3FB6] =	sst s10  }
0x32: {  	s10 =	sld [smem:$0x3FB4];
	_ =	sdelay $0x3  }
0x33: {  	p0 =	seq.s32 s10, $0x1;
	s10 =	sld [smem:$0x3FB6];
	_ =	sdelay $0x3  }
0x34: {  	[smem:$0x3FB6] =	sst s10  }
0x35: {  	s10 =	sld [smem:$0x3FB5];
	_ =	sdelay $0x3  }
0x36: {  	p1 =	seq.s32 s10, $0x1;
	s10 =	sld [smem:$0x3FB6];
	_ =	sdelay $0x3  }
0x37: {  	[smem:$0x3FB6] =	sst s10  }
0x38: {  	s10 =	sld [smem:$0x3FB7]  }
0x39: {  	_ = 	snop;
	(pc) =	sbr.ind lr, $3  }
0x3a: {  	_ = 	snop  }
0x3b: {  	_ = 	snop  }
0x3c: {  	p2 =	seq.s32 s10, $0x1;
	s10 =	sld [smem:$0x3FB6]  }
0x3d: {  	_ =	shalt  }
0x3e: {  	_ =	shalt  }
0x3f: {  	_ =	shalt  }
0x40: {  	_ =	shalt  }
0x41: {  	_ =	shalt  }
0x42: {  	_ =	shalt  }
0x43: {  	_ =	shalt  }
0x44: {  	_ =	shalt  }
0x45: {  	_ =	shalt  }
0x46: {  	_ =	shalt  }
0x47: {  	_ =	shalt  }
0x48: {  	_ =	shalt  }
0x49: {  	_ =	shalt  }
0x4a: {  	_ =	shalt  }
0x4b: {  	_ =	shalt  }
0x4c: {  	_ =	shalt  }
0x4d: {  	_ =	shalt  }
0x4e: {  	_ =	shalt  }
0x4f: {  	_ =	shalt  }
0x50: {  	_ =	shalt  }
0x51: {  	_ =	shalt  }
0x52: {  	_ =	shalt  }
0x53: {  	_ =	shalt  }
0x54: {  	_ =	shalt  }
0x55: {  	_ =	shalt  }
0x56: {  	_ =	shalt  }
0x57: {  	_ =	shalt  }
0x58: {  	_ =	shalt  }
0x59: {  	_ =	shalt  }
0x5a: {  	_ =	shalt  }
0x5b: {  	_ =	shalt  }
0x5c: {  	_ =	shalt  }
0x5d: {  	_ =	shalt  }
0x5e: {  	_ =	shalt  }
0x5f: {  	_ =	shalt  }
0x60: {  	_ =	shalt  }
0x61: {  	_ =	shalt  }
0x62: {  	_ =	shalt  }
0x63: {  	_ =	shalt  }
0x64: {  	_ =	shalt  }
0x65: {  	_ =	shalt  }
0x66: {  	_ =	shalt  }
0x67: {  	_ =	shalt  }
0x68: {  	_ =	shalt  }
0x69: {  	_ =	shalt  }
0x6a: {  	_ =	shalt  }
0x6b: {  	_ =	shalt  }
0x6c: {  	_ =	shalt  }
0x6d: {  	_ =	shalt  }
0x6e: {  	_ =	shalt  }
0x6f: {  	_ =	shalt  }
0x70: {  	_ =	shalt  }
0x71: {  	_ =	shalt  }
0x72: {  	_ =	shalt  }
0x73: {  	_ =	shalt  }
0x74: {  	_ =	shalt  }
0x75: {  	_ =	shalt  }
0x76: {  	_ =	shalt  }
0x77: {  	_ =	shalt  }
0x78: {  	_ =	shalt  }
0x79: {  	_ =	shalt  }
0x7a: {  	_ =	shalt  }
0x7b: {  	_ =	shalt  }
0x7c: {  	_ =	shalt  }
0x7d: {  	_ =	shalt  }
0x7e: {  	_ =	shalt  }
0x7f: {  	_ =	shalt  }
0x80: {  	_ =	shalt  }
0x81: {  	_ =	shalt  }
0x82: {  	_ =	shalt  }
0x83: {  	_ =	shalt  }
0x84: {  	_ =	shalt  }
0x85: {  	_ =	shalt  }
0x86: {  	_ =	shalt  }
0x87: {  	_ =	shalt  }
.Lfunc_end0:
.L_simem_size_0:
called_computation_lowered:
.L_overlay_start_0:
0x88: {  	s2 =	sld [smem:$0x3FD9]  }
0x89: {  	s3 =	sld [smem:$0x3FFE];
	_ =	sdelay $0x1  }
0x8a: {  	s1 =	srdreg.scid  }
0x8b: {  	s0 =	sand.u32 $0x1, s1  }
0x8c: {  	s16 =	sshll.u32 s0, $0xA;
	s2 =	sadd.s32 s3, s2  }
0x8d: {  	s2 =	sadd.s32 s2, s16  }
0x8e: {  	[smem:$0x3FC2] =	sst s2  }
0x8f: {  	_ = 	snop  }
0x90: {  	(tm) =	ssettm $0x1  }
0x91: {  	s17 =	sld [smem:$0x3FFB];
	_ =	sdelay $0x3  }
0x92: {  	_ =	strace s17  }
0x93: {  	s2 =	sld [smem:$0x3FFC];
	_ =	sdelay $0x3  }
0x94: {  	_ =	strace s2  }
0x95: {  	s2 =	sld [smem:$0x3FFD];
	_ =	sdelay $0x3  }
0x96: {  	_ =	strace s2  }
0x97: {  	_ =	strace $0x8FFFFFFF  }
0x98: {  	s18 =	sld [smem:$0x3FDB];
	_ =	sdelay $0x1  }
0x99: {  	s19 =	simm.s32 $_scs_section_size  }
0x9a: {  	s4 =	simm.s32 $_size__tile_overlayer_lowered;
	s5 =	simm.s32 $_tile_overlayer_lowered  }
0x9b: {  	s22 =	simm.s32 $0x1BFF;
	s21 =	sshll.u32 s5, $0x1;
	s2 =	sadd.s32 s19, s18  }
0x9c: {  	s6 =	simm.s32 $0x0;
	s20 =	sshll.u32 s4, $0x1;
	s4 =	sadd.s32 s21, s2  }
0x9d: {  	[timem:s6], [sflag:s22] =	dma.local [hbm:s4], s20  }
0x9e: {  	_ =	swait.ge [sflag:s22], s20  }
0x9f: {  	s3 =	ssub.s32 $0x0, s20;
	[sflag:s22] =	ssyncset.done $0x0  }
0xa0: {  	[sflag:s22] =	ssyncadd.s32 s3;
	_ =	sdelay $0x1  }
0xa1: {  	s23 =	simm.s32 $0x1B8B  }
0xa2: {  	_ =	swait.ge [sflag:s23], $0x1  }
0xa3: {  	[sflag:s23] =	ssyncset.done $0x0  }
0xa4: {  	s25 =	simm.s32 $0x1B8E;
	s24 =	sld [smem:$0x3FFE];
	[sflag:s23] =	ssyncadd.s32 $0xFFFFFFFF  }
0xa5: {  	s26 =	simm.s32 $execute0_lowered;
	[smem:$0x3FD2] =	sst s25  }
0xa6: {  	s4 =	sshll.u32 s26, $0x1;
	_ =	strace $0x80000046;
	[dreg:$0x1] =	wrdreg $0xFFFFFFFF  }
0xa7: {  	s28 =	simm.s32 $_size_execute0_lowered;
	s2 =	sadd.s32 s2, s4;
	[dreg:$0x0] =	wrdreg $0x0  }
0xa8: {  	s4 =	sshll.u32 s28, $0x1;
	[dreg:$0x2] =	wrdreg s2  }
0xa9: {  	[dreg:$0x3] =	wrdreg s4  }
0xaa: {  	[dreg:$0x4] =	wrdreg $0xC0  }
0xab: {  	_ =	task [dreg:s6], $0x5FFFF  }
0xac: {  	[dreg:$0x1] =	wrdreg $0xFFFFFFFF  }
0xad: {  	[dreg:$0x0] =	wrdreg $0x60  }
0xae: {  	[dreg:$0x2] =	wrdreg s24  }
0xaf: {  	[dreg:$0x3] =	wrdreg $0x37D00  }
0xb0: {  	[dreg:$0x4] =	wrdreg $0x9  }
0xb1: {  	_ =	task.clear_ibuf [dreg:s6], $0x5FFFF;
	_ =	strace $0x90000046  }
0xb2: {  	s29 =	simm.s32 $0x9;
	_ =	strace $0x80000048  }
0xb3: {  	_ =	swait.ge [sflag:s29], $0x1  }
0xb4: {  	[sflag:s29] =	ssyncadd.s32 $0xFFFFFFFF  }
0xb5: {  	_ =	strace $0x90000048  }
0xb6: {  	_ =	sfence  }
0xb7: {  	s30 =	sld [smem:$0x0];
	_ =	sdelay $0x2  }
0xb8: {  	s31 =	sshll.u32 s1, $0xD;
	s1 =	sshrl.u32 s1, $0x2  }
0xb9: {  	s3 =	sand.u32 $0x4000, s31;
	s1 =	sadd.s32 s1, s30  }
0xba: {  	s0 =	sor.u32 s3, s0;
	s1 =	sshll.u32 s1, $0x11  }
0xbb: {  	s0 =	sor.u32 s1, s0  }
0xbc: {  	s0 =	sadd.s32 $0x8F2B, s0  }
0xbd: {  	[sflag:s0] =	ssyncadd.remote.s32 $0x1  }
0xbe: {  	_ =	sfence.sel $0xFFFF  }
0xbf: {  	[dreg:$0x0] =	wrdreg $0xFFFFFFFF;
	(pc) =	sbr.abs _section_cstart, $3  }
0xc0: {  	[dreg:$0x1] =	wrdreg $0xFFFFFFFF  }
0xc1: {  	_ =	task.clear_ibuf [dreg:s6], $0x2FFFF;
	_ =	strace $0x9FFFFFFF  }
0xc2: {  	(tm) =	ssettm $0x7FFFFFFF  }
0xc3: {  	_ =	shalt  }
tec
execute0_lowered:
.L_overlay_start_1:
0x0: {  	(tag) =	ssettag $0x1  }
0x1: {  	s1 =	srdreg.scid;
	s9 =	rddreg [dreg:$0x0]  }
0x2: {  	s0 =	stileid.u32;
	s2 =	rddreg [dreg:$0x1];
	s3 =	simm.s32 $0x0  }
0x3: {  	s11 =	simm.s32 $0x3F400;
	s13 =	simm.s32 $0x5;
	s14 =	simm.s32 $0x6  }
0x4: {  	s15 =	simm.s32 $0x7D;
	s16 =	simm.s32 $0x2800;
	s17 =	simm.s32 $0x80  }
0x5: {  	s18 =	simm.s32 $0x100;
	s19 =	simm.s32 $0x180;
	s20 =	simm.s32 $0x1  }
0x6: {  	s21 =	simm.s32 $0x2;
	s22 =	simm.s32 $0x3;
	s23 =	simm.s32 $0x4  }
0x7: {  	s24 =	simm.s32 $0x10;
	s25 =	simm.s32 $0x7;
	s26 =	simm.s32 $0x0  }
0x8: {  	s6 =	sand.u32 $0x1, s1;
	s1 =	rddreg [dreg:$0x2];
	s7 =	smul.u32 $0xA000, s0  }
0x9: {  	s30 =	sshll.u32 s0, $0x1;
	[smem:$0x7FF] =	sst s3;
	s12 =	smul.u32 $0x2800, s0  }
0xa: {  	s4 =	sor.u32 s6, s30;
	s5 =	ssub.s32 $0x2, s6;
	_ =	strace $0x80000047  }
0xb: {  	p0 =	seq.s32 s6, $0x1;
	s4 =	smul.u32 $0x2800, s4;
	s8 =	sshrl.u32 s5, $0x1  }
0xc: {  	s31 =	sshrl.u32 s7, $0x2;
	s11 =	simm.s32 @!p0 $0x17400;
	s10 =	ssub.s32 s5, s8  }
0xd: {  	s5 =	sadd.s32 s31, s2;
	s11 =	sadd.s32 s11, s9;
	s4 =	sshrl.u32 s4, $0x3  }
0xe: {  	s6 =	sadd.s32 $0x800, s5;
	s7 =	sadd.s32 $0x1000, s5;
	s8 =	sadd.s32 $0x1800, s5  }
0xf: {  	s10 =	smax.u32 s10, $0x1;
	s11 =	sadd.s32 s11, s12;
	s4 =	sadd.s32 s9, s4  }
0x10: {  	v0 =	vimm.f32 $0.0e+00;
	v1 =	vimm.f32 $1.000000000e+00;
	s12 =	simm.s32 $0x2FD0;
	s9 =	sadd.s32 $0x2000, s5;
	s4 =	sadd.s32 $0xD400, s4  }
.LBB2_1:
0x11: {  	[tilespmem:s3], [sflag:$0x6] =	stream.linear.gather [hbm4b:s4+s3], $0x2800, $0x38;
	[tilespmem:$0x5FD0] =	vst v63  }
0x12: {  	s28 =	simm.s32 $0x40;
	s29 =	simm.s32 $0x0  }
.LBB2_2:
0x13: {  	p0 =	sne.s32 s28, $0x1FC0;
	[tilespmem:s29+$0x2FD0] =	vst v0;
	s29 =	smov.u32 s28;
	s28 =	sadd.s32 $0x40, s28  }
.Ltmp0:
0x14: {  	(pc) =	sbr.rel @p0 .LBB2_2-.Ltmp0, $2  }
0x15: {  	_ =	sdelay $0x2  }
0x16: {  	s29 =	sshra.s32 s29, $0x2  }
0x17: {  	[tilespmem:s29+$0x2FD0] =	vst v0  }
0x18: {  	[spmem:s5] =	stream.linear.scatter [tilespmem:s12], [sflag:$0x5], $0x800, $0x38;
	[tilespmem:$0x5FD0] =	vst v63  }
0x19: {  	_ = 	snop  }
0x1a: {  	[spmem:s6] =	stream.linear.scatter [tilespmem:s12], [sflag:$0x5], $0x800, $0x38;
	[tilespmem:$0x5FD0] =	vst v63  }
0x1b: {  	_ = 	snop  }
0x1c: {  	[spmem:s7] =	stream.linear.scatter [tilespmem:s12], [sflag:$0x5], $0x800, $0x38;
	[tilespmem:$0x5FD0] =	vst v63  }
0x1d: {  	_ = 	snop  }
0x1e: {  	[spmem:s8] =	stream.linear.scatter [tilespmem:s12], [sflag:$0x5], $0x800, $0x38;
	[tilespmem:$0x5FD0] =	vst v63  }
0x1f: {  	s28 =	simm.s32 $0x40;
	s29 =	simm.s32 $0x0  }
0x20: {  	[spmem:s9] =	stream.linear.scatter [tilespmem:s12], [sflag:$0x5], $0x800, $0x38;
	[tilespmem:$0x5FD0] =	vst v63  }
.LBB2_4:
0x21: {  	p0 =	sne.s32 s28, $0x1F00;
	[tilespmem:s29+$0x2800] =	vst v1;
	s29 =	smov.u32 s28;
	s28 =	sadd.s32 $0x40, s28  }
.Ltmp1:
0x22: {  	(pc) =	sbr.rel @p0 .LBB2_4-.Ltmp1, $2  }
0x23: {  	_ =	sdelay $0x2  }
0x24: {  	s29 =	sshra.s32 s29, $0x2  }
0x25: {  	[tilespmem:s29+$0x2800] =	vst v1  }
0x26: {  	_ =	swait.ge [sflag:s13], $0x800  }
0x27: {  	[sflag:s13] =	ssyncset.done $0x0  }
0x28: {  	[sflag:s13] =	ssyncadd.s32 $0xFFFFF800  }
0x29: {  	_ =	swait.ge [sflag:s13], $0x800  }
0x2a: {  	[sflag:s13] =	ssyncset.done $0x0  }
0x2b: {  	[sflag:s13] =	ssyncadd.s32 $0xFFFFF800  }
0x2c: {  	_ =	swait.ge [sflag:s13], $0x800  }
0x2d: {  	[sflag:s13] =	ssyncset.done $0x0  }
0x2e: {  	[sflag:s13] =	ssyncadd.s32 $0xFFFFF800  }
0x2f: {  	_ =	swait.ge [sflag:s13], $0x800  }
0x30: {  	[sflag:s13] =	ssyncset.done $0x0  }
0x31: {  	[sflag:s13] =	ssyncadd.s32 $0xFFFFF800  }
0x32: {  	_ =	swait.ge [sflag:s13], $0x800  }
0x33: {  	[sflag:s13] =	ssyncset.done $0x0  }
0x34: {  	[sflag:s13] =	ssyncadd.s32 $0xFFFFF800  }
0x35: {  	_ =	swait.ge [sflag:s14], $0x2800  }
0x36: {  	[sflag:s14] =	ssyncset.done $0x0  }
0x37: {  	[sflag:s14] =	ssyncadd.s32 $0xFFFFD800  }
0x38: {  	[bflag:$0x0] =	sbarrier.arrive $0xFFFF  }
0x39: {  	[spmem:s2] =	stream.indirect.scatter.add.f32 [tilespmem:s16], [sflag:$0x1], $0x10, s3, s15, $0xb8;
	[tilespmem:$0x5FD0] =	vst v63  }
0x3a: {  	_ = 	snop  }
0x3b: {  	[spmem:s2] =	stream.indirect.scatter.add.f32 [tilespmem:s16], [sflag:$0x2], $0x10, s17, s15, $0xb8;
	[tilespmem:$0x5FD0] =	vst v63  }
0x3c: {  	_ = 	snop  }
0x3d: {  	[spmem:s2] =	stream.indirect.scatter.add.f32 [tilespmem:s16], [sflag:$0x3], $0x10, s18, s15, $0xb8;
	[tilespmem:$0x5FD0] =	vst v63  }
0x3e: {  	_ = 	snop  }
0x3f: {  	[spmem:s2] =	stream.indirect.scatter.add.f32 [tilespmem:s16], [sflag:$0x4], $0x10, s19, s15, $0xb8;
	[tilespmem:$0x5FD0] =	vst v63  }
0x40: {  	_ =	swait.ge [sflag:s20], $0x7D0  }
0x41: {  	[sflag:s20] =	ssyncset.done $0x0  }
0x42: {  	s28 =	simm.s32 $0x200;
	[sflag:s20] =	ssyncadd.s32 $0xFFFFF830  }
0x43: {  	[spmem:s2] =	stream.indirect.scatter.add.f32 [tilespmem:s16], [sflag:$0x1], $0x10, s28, s15, $0xb8;
	[tilespmem:$0x5FD0] =	vst v63  }
0x44: {  	_ =	swait.ge [sflag:s21], $0x7D0  }
0x45: {  	[sflag:s21] =	ssyncset.done $0x0  }
0x46: {  	s28 =	simm.s32 $0x280;
	[sflag:s21] =	ssyncadd.s32 $0xFFFFF830  }
0x47: {  	[spmem:s2] =	stream.indirect.scatter.add.f32 [tilespmem:s16], [sflag:$0x2], $0x10, s28, s15, $0xb8;
	[tilespmem:$0x5FD0] =	vst v63  }
0x48: {  	_ =	swait.ge [sflag:s22], $0x7D0  }
0x49: {  	[sflag:s22] =	ssyncset.done $0x0  }
0x4a: {  	s28 =	simm.s32 $0x300;
	[sflag:s22] =	ssyncadd.s32 $0xFFFFF830  }
0x4b: {  	[spmem:s2] =	stream.indirect.scatter.add.f32 [tilespmem:s16], [sflag:$0x3], $0x10, s28, s15, $0xb8;
	[tilespmem:$0x5FD0] =	vst v63  }
0x4c: {  	_ =	swait.ge [sflag:s23], $0x7D0  }
0x4d: {  	[sflag:s23] =	ssyncset.done $0x0  }
0x4e: {  	s29 =	simm.s32 $0x380;
	s28 =	simm.s32 $0xFFFF7000;
	[sflag:s23] =	ssyncadd.s32 $0xFFFFF830  }
.LBB2_6:
0x4f: {  	[spmem:s2] =	stream.indirect.scatter.add.f32 [tilespmem:s16], [sflag:$0x4], $0x10, s29, s15, $0xb8;
	[tilespmem:$0x5FD0] =	vst v63  }
0x50: {  	s29 =	smov.u32 s28  }
0x51: {  	p0 =	sne.s32 s28, $0xFFFFF800;
	s28 =	sadd.s32 $0x800, s28;
	_ =	swait.ge [sflag:s20], $0x7D0  }
0x52: {  	s29 =	sshra.s32 s29, $0x2;
	[sflag:s20] =	ssyncset.done $0x0  }
0x53: {  	s30 =	sadd.s32 $0x2800, s29;
	[sflag:s20] =	ssyncadd.s32 $0xFFFFF830  }
0x54: {  	[spmem:s2] =	stream.indirect.scatter.add.f32 [tilespmem:s16], [sflag:$0x1], $0x10, s30, s15, $0xb8;
	[tilespmem:$0x5FD0] =	vst v63  }
0x55: {  	_ =	swait.ge [sflag:s21], $0x7D0  }
0x56: {  	[sflag:s21] =	ssyncset.done $0x0  }
0x57: {  	s30 =	sadd.s32 $0x2880, s29;
	[sflag:s21] =	ssyncadd.s32 $0xFFFFF830  }
0x58: {  	[spmem:s2] =	stream.indirect.scatter.add.f32 [tilespmem:s16], [sflag:$0x2], $0x10, s30, s15, $0xb8;
	[tilespmem:$0x5FD0] =	vst v63  }
0x59: {  	_ =	swait.ge [sflag:s22], $0x7D0  }
0x5a: {  	[sflag:s22] =	ssyncset.done $0x0  }
.Ltmp2:
0x5b: {  	s30 =	sadd.s32 $0x2900, s29;
	[sflag:s22] =	ssyncadd.s32 $0xFFFFF830;
	(pc) =	sbr.rel @p0 .LBB2_6-.Ltmp2, $4  }
0x5c: {  	[spmem:s2] =	stream.indirect.scatter.add.f32 [tilespmem:s16], [sflag:$0x3], $0x10, s30, s15, $0xb8;
	[tilespmem:$0x5FD0] =	vst v63  }
0x5d: {  	_ =	swait.ge [sflag:s23], $0x7D0  }
0x5e: {  	[sflag:s23] =	ssyncset.done $0x0  }
0x5f: {  	s29 =	sadd.s32 $0x2980, s29;
	[sflag:s23] =	ssyncadd.s32 $0xFFFFF830  }
0x60: {  	[spmem:s2] =	stream.indirect.scatter.add.f32 [tilespmem:s16], [sflag:$0x4], $0x10, s29, s15, $0xb8;
	[tilespmem:$0x5FD0] =	vst v63  }
0x61: {  	_ =	swait.ge [sflag:s20], $0x7D0  }
0x62: {  	[sflag:s20] =	ssyncset.done $0x0  }
0x63: {  	[sflag:s20] =	ssyncadd.s32 $0xFFFFF830  }
0x64: {  	_ =	swait.ge [sflag:s21], $0x7D0  }
0x65: {  	[sflag:s21] =	ssyncset.done $0x0  }
0x66: {  	[sflag:s21] =	ssyncadd.s32 $0xFFFFF830  }
0x67: {  	_ =	swait.ge [sflag:s22], $0x7D0  }
0x68: {  	[sflag:s22] =	ssyncset.done $0x0  }
0x69: {  	[sflag:s22] =	ssyncadd.s32 $0xFFFFF830  }
0x6a: {  	_ =	swait.ge [sflag:s23], $0x7D0  }
0x6b: {  	s28 =	sshll.u32 s0, $0x6;
	s26 =	sadd.s32 $0x1, s26;
	[sflag:s23] =	ssyncset.done $0x0  }
0x6c: {  	s31 =	sshrl.u32 s5, $0x3;
	p0 =	sne.s32 s26, s10;
	[sflag:s23] =	ssyncadd.s32 $0xFFFFF830  }
.Ltmp3:
0x6d: {  	s28 =	sor.u32 $0x1C07, s28;
	[bflag:$0x0] =	sbarrier.arrive $0xFFFF;
	(pc) =	sbr.rel @p0 .LBB2_1-.Ltmp3, $4  }
0x6e: {  	[hbm:s11@s24], [sflag:s28] =	dma.strided [spmem:s31@s21], $0x500, s20, $0x2   }
0x6f: {  	_ =	swait.ge [sflag:s25], $0x500  }
0x70: {  	[sflag:s25] =	ssyncset.done $0x0  }
0x71: {  	[sflag:s25] =	ssyncadd.s32 $0xFFFFFB00  }
0x72: {  	_ =	sfence.sel $0x180000  }
0x73: {  	[bflag:$0x0] =	sbarrier.arrive $0xFFFF  }
0x74: {  	p0 =	sne.s32 s0, $0x0;
	_ =	strace $0x90000047  }
0x75: {  	s0 =	sadd.s32 @!p0 $0x100000, s1;
	[bflag:$0x2] =	sbarrier.arrive $0xFFFF  }
0x76: {  	[sflag:s0] =	ssyncadd.tile.s32 @!p0 $0x1;
	_ =	shalt  }
.Lfunc_end2:
_tile_overlayer_lowered:
.L_overlay_start_2:
0x77: {  	(tag) =	ssettag $0x2  }
0x78: {  	s0 =	rddreg [dreg:$0x0];
	s2 =	stileid.u32  }
0x79: {  	s1 =	rddreg [dreg:$0x1];
	p0 =	sne.s32 s2, $0x0  }
0x7a: {  	s3 =	rddreg [dreg:$0x2];
	[bflag:$0x3] =	sbarrier.arrive $0xFFFF;
	s2 =	simm.s32 @!p0 $0x1C07  }
0x7b: {  	[timem:s3], [sflag:s2] =	dma.local @!p0 [hbm:s0], s1  }
0x7c: {  	s0 =	simm.s32 @!p0 $0x7  }
0x7d: {  	_ =	swait.ge @!p0 [sflag:s0], s1  }
0x7e: {  	s1 =	ssub.s32 @!p0 $0x0, s1;
	[sflag:s0] =	ssyncset.done @!p0 $0x0  }
0x7f: {  	[sflag:s0] =	ssyncadd.s32 @!p0 s1  }
0x80: {  	[bflag:$0x3] =	sbarrier.arrive $0xFFFF  }
0x81: {  	_ =	shalt  }

</sc_bundles>
